<compile_context>
chip_gen: v7x
topology: tpu7x:2x2x1
jax: 0.10.2.dev20260603
libtpu: 0.0.44.dev20260713+nightly
codegen_flags: <defaults>
</compile_context>

<pallas_src>
import functools

import jax
import jax.numpy as jnp
from jax import lax
from jax.experimental import pallas as pl
from jax.experimental.pallas import tpu as pltpu
from jax.experimental.pallas import tpu_sc as plsc

VOCAB = 18
FEAT = 64
BATCH = 16384
HIST = 50
NC, NS, L = 2, 16, 16
NW = NC * NS
NBT = BATCH // 128
BTW = NBT // NW
BW = BTW * 128
NFT = FEAT // 8
TSTRIDE = 80
TSZ = VOCAB * TSTRIDE
VPAD = 32
BTG = 128


def _unit(idx_v, tsw, buf, h):
    def btg_body(btg, c0):
        def j_body(j, c1):
            i_vec = idx_v[h, pl.ds(btg * 128 + j * L, L)]
            ibase = i_vec * TSTRIDE + (i_vec & 15)

            @plsc.parallel_loop(0, FEAT, unroll=8)
            def f_loop(f):
                v = plsc.load_gather(tsw, [ibase + f])
                buf[f >> 3, btg, f & 7, pl.ds(j * L, L)] = v

            return c1
        return lax.fori_loop(0, 8, j_body, c0)
    lax.fori_loop(0, BTW, btg_body, 0)


def _sc_body(w_hbm, p_hbm, op_hbm, idx_v, table_v, tsw, bufs, ssem):
    wid = lax.axis_index("s") * NC + lax.axis_index("c")
    bt0 = wid * BTW
    col0 = wid * BW

    pltpu.sync_copy(w_hbm, table_v)
    iota = lax.iota(jnp.int32, L)
    for r in range(VOCAB):
        base = r * TSTRIDE + (r & 15)
        for k in range(FEAT // L):
            plsc.store_scatter(
                tsw, [iota + (base + k * L)], table_v[r, pl.ds(k * L, L)])

    def scatter(out_hbm, h, slot):
        pltpu.async_copy(
            bufs.at[slot], out_hbm.at[h, :, pl.ds(bt0, BTW)], ssem.at[slot])

    def scatter_wait(out_hbm, slot):
        pltpu.make_async_copy(
            bufs.at[slot], out_hbm.at[0, :, pl.ds(bt0, BTW)],
            ssem.at[slot]).wait()

    pltpu.sync_copy(p_hbm.at[:, pl.ds(col0, BW)], idx_v)
    for slot in range(2):
        _unit(idx_v, tsw, bufs.at[slot], slot)
        scatter(op_hbm, slot, slot)

    def pair(hh, carry):
        for slot in range(2):
            h = hh * 2 + slot
            scatter_wait(op_hbm, slot)
            _unit(idx_v, tsw, bufs.at[slot], h)
            scatter(op_hbm, h, slot)
        return carry

    lax.fori_loop(1, HIST // 2, pair, 0)
    for slot in range(2):
        scatter_wait(op_hbm, slot)


def _tc_body(wt_ref, idx_ref, o_ref):
    idx = idx_ref[0]
    rows = lax.broadcasted_iota(jnp.int32, (VPAD, BTG * 128), 0)
    onehot = (jnp.broadcast_to(idx, (VPAD, BTG * 128)) == rows)
    res = jnp.dot(wt_ref[...], onehot.astype(jnp.bfloat16),
                  preferred_element_type=jnp.float32)
    for btg in range(BTG):
        o_ref[0, :, btg] = res[:, btg * 128:(btg + 1) * 128].reshape(
            NFT, 8, 128)


@jax.jit
def _lookup(patch_t, context_t, weight):
    mesh = plsc.VectorSubcoreMesh(core_axis_name="c", subcore_axis_name="s")
    out5 = jax.ShapeDtypeStruct((HIST, NFT, NBT, 8, 128), jnp.float32)
    sc = pl.kernel(
        _sc_body,
        out_type=out5,
        mesh=mesh,
        scratch_types=[
            pltpu.VMEM((HIST, BW), jnp.int32),
            pltpu.VMEM((VOCAB, FEAT), jnp.float32),
            pltpu.VMEM((TSZ,), jnp.float32),
            pltpu.VMEM((2, NFT, BTW, 8, 128), jnp.float32),
            pltpu.SemaphoreType.DMA((2,)),
        ],
        compiler_params=pltpu.CompilerParams(
            use_tc_tiling_on_sc=False, needs_layout_passes=False),
    )
    wt_pad = (jnp.zeros((FEAT, VPAD), jnp.float32).at[:, :VOCAB]
              .set(weight.T).astype(jnp.bfloat16))
    idx3 = context_t.reshape(HIST * (NBT // BTG), 1, BTG * 128)
    out5_c = pl.pallas_call(
        _tc_body,
        out_shape=out5,
        grid=(HIST, NBT // BTG),
        in_specs=[
            pl.BlockSpec((FEAT, VPAD), lambda h, b: (0, 0)),
            pl.BlockSpec((1, 1, BTG * 128),
                         lambda h, b: (h * (NBT // BTG) + b, 0, 0)),
        ],
        out_specs=pl.BlockSpec((1, NFT, BTG, 8, 128),
                               lambda h, b: (h, 0, b, 0, 0)),
    )(wt_pad, idx3)
    out5_p = sc(weight, patch_t)
    return out5_p, out5_c


def kernel(patch, context, weight):
    out5_p, out5_c = _lookup(patch.T, context.T, weight)

    def relabel(o5):
        return o5.transpose((2, 4, 0, 1, 3)).reshape(BATCH, HIST, FEAT)

    return (relabel(out5_p), relabel(out5_c))

# --- scband reference (transcript-rebuilt; emitter-appended) ---
"""Pipeline reference for scband-adcembedding-69140383531722 (READ-ONLY COPY).

The authoritative reference and input builder live on the scoring server;
editing this copy changes nothing except your own understanding.
"""

import jax, jax.numpy as jnp
import numpy as np

VOCAB = 18
FEATURES = 64
BATCH = 16384
HIST = 50

def setup_inputs(seed: int = 0) -> dict:
    key = jax.random.key(seed)
    k_p, k_c, k_w = jax.random.split(key, 3)
    patch = jax.random.randint(k_p, (BATCH, HIST), 0, VOCAB, dtype=jnp.int64 if jax.config.jax_enable_x64 else jnp.int32).astype(jnp.int32)
    context = jax.random.randint(k_c, (BATCH, HIST), 0, VOCAB, dtype=jnp.int32)
    weight = jax.random.normal(k_w, (VOCAB, FEATURES), dtype=jnp.float32)
    return {"patch": patch, "context": context, "weight": weight}

def reference(patch, context, weight):
    # Faithful translation of ADCEmbedding.__call__: two lookups into the
    # same 18-row embedding table (eqx.nn.Embedding does weight[idx]).
    patch_emb = jnp.take(weight, patch, axis=0)
    context_emb = jnp.take(weight, context, axis=0)
    return (patch_emb, context_emb)

if __name__ == "__main__":
    import jax
    _d = setup_inputs()
    print(jax.jit(kernel)(*tuple(_d.values())))

</pallas_src>

<mosaic_0001>
#map = affine_map<(d0, d1) -> (0, 0)>
#map1 = affine_map<(d0, d1) -> (0, 0, 0, 0, 0)>
module attributes {stable_mosaic.version = 14 : i64} {
  func.func @_sc_body(%arg0: i32, %arg1: i32, %arg2: memref<18x64xf32, #tpu.memory_space<hbm>>, %arg3: memref<50x16384xi32, #tpu.memory_space<hbm>>, %arg4: memref<50x8x128x8x128xf32, #tpu.memory_space<hbm>>, %arg5: memref<50x512xi32, #tpu.memory_space<vmem>>, %arg6: memref<18x64xf32, #tpu.memory_space<vmem>>, %arg7: memref<1440xf32, #tpu.memory_space<vmem>>, %arg8: memref<2x8x4x8x128xf32, #tpu.memory_space<vmem>>, %arg9: memref<2x!tpu.dma_semaphore, #tpu.memory_space<semaphore_mem>>) attributes {dimension_semantics = [#tpu.dimension_semantics<core_parallel>, #tpu.dimension_semantics<subcore_parallel>], iteration_bounds = array<i64: 2, 16>, scalar_prefetch = 0 : i64, scratch_operands = 5 : i64, tpu.core_type = #tpu.core_type<sc_vector_subcore>, window_params = [{transform_indices = #map}, {transform_indices = #map}, {transform_indices = #map1}]} {
    %mul3A = arith.constant 2 : i32
    %mul3A_0 = arith.muli %arg1, %mul3A : i32
    %add3A = arith.addi %mul3A_0, %arg0 : i32
    %mul3A_1 = arith.constant 4 : i32
    %mul3A_2 = arith.muli %add3A, %mul3A_1 : i32
    %mul3A_3 = arith.constant 512 : i32
    %mul3A_4 = arith.muli %add3A, %mul3A_3 : i32
    "tpu.region"() ({
      %run_scoped3A = tpu.sem_alloc : memref<!tpu.dma_semaphore, #tpu.memory_space<semaphore_mem>>
      tpu.enqueue_dma source(%arg2 : memref<18x64xf32, #tpu.memory_space<hbm>>) target(%arg6 : memref<18x64xf32, #tpu.memory_space<vmem>>) target_semaphore(%run_scoped3A : memref<!tpu.dma_semaphore, #tpu.memory_space<semaphore_mem>>)
      tpu.wait_dma2 semaphore(%run_scoped3A : memref<!tpu.dma_semaphore, #tpu.memory_space<semaphore_mem>>) src(%arg2 : memref<18x64xf32, #tpu.memory_space<hbm>>) dst(%arg6 : memref<18x64xf32, #tpu.memory_space<vmem>>)
      tpu.yield
    }) : () -> ()
    %iota3A = tpu.iota {dimensions = array<i32: 0>} : vector<16xi32>
    %add3A_5 = arith.constant 0 : i32
    %add3A_6 = vector.broadcast %add3A_5 : i32 to vector<16xi32>
    %add3A_7 = arith.addi %iota3A, %add3A_6 : vector<16xi32>
    %get3A = arith.constant 0 : i32
    %get3A_8 = arith.index_cast %get3A : i32 to index
    %get3A_9 = arith.constant 0 : index
    %get3A_10 = tpu.vector_load %arg6[%get3A_8, %get3A_9] {strides = array<i32>} : memref<18x64xf32, #tpu.memory_space<vmem>>, vector<16xf32>,
    tpu.vector_store_idx %arg7[%add3A_7], %get3A_10 : memref<1440xf32, #tpu.memory_space<vmem>>[vector<16xi32>], vector<16xf32>,
    %add3A_11 = arith.constant 16 : i32
    %add3A_12 = vector.broadcast %add3A_11 : i32 to vector<16xi32>
    %add3A_13 = arith.addi %iota3A, %add3A_12 : vector<16xi32>
    %get3A_14 = arith.constant 0 : i32
    %get3A_15 = arith.index_cast %get3A_14 : i32 to index
    %get3A_16 = arith.constant 16 : index
    %get3A_17 = tpu.vector_load %arg6[%get3A_15, %get3A_16] {strides = array<i32>} : memref<18x64xf32, #tpu.memory_space<vmem>>, vector<16xf32>,
    tpu.vector_store_idx %arg7[%add3A_13], %get3A_17 : memref<1440xf32, #tpu.memory_space<vmem>>[vector<16xi32>], vector<16xf32>,
    %add3A_18 = arith.constant 32 : i32
    %add3A_19 = vector.broadcast %add3A_18 : i32 to vector<16xi32>
    %add3A_20 = arith.addi %iota3A, %add3A_19 : vector<16xi32>
    %get3A_21 = arith.constant 0 : i32
    %get3A_22 = arith.index_cast %get3A_21 : i32 to index
    %get3A_23 = arith.constant 32 : index
    %get3A_24 = tpu.vector_load %arg6[%get3A_22, %get3A_23] {strides = array<i32>} : memref<18x64xf32, #tpu.memory_space<vmem>>, vector<16xf32>,
    tpu.vector_store_idx %arg7[%add3A_20], %get3A_24 : memref<1440xf32, #tpu.memory_space<vmem>>[vector<16xi32>], vector<16xf32>,
    %add3A_25 = arith.constant 48 : i32
    %add3A_26 = vector.broadcast %add3A_25 : i32 to vector<16xi32>
    %add3A_27 = arith.addi %iota3A, %add3A_26 : vector<16xi32>
    %get3A_28 = arith.constant 0 : i32
    %get3A_29 = arith.index_cast %get3A_28 : i32 to index
    %get3A_30 = arith.constant 48 : index
    %get3A_31 = tpu.vector_load %arg6[%get3A_29, %get3A_30] {strides = array<i32>} : memref<18x64xf32, #tpu.memory_space<vmem>>, vector<16xf32>,
    tpu.vector_store_idx %arg7[%add3A_27], %get3A_31 : memref<1440xf32, #tpu.memory_space<vmem>>[vector<16xi32>], vector<16xf32>,
    %add3A_32 = arith.constant 81 : i32
    %add3A_33 = vector.broadcast %add3A_32 : i32 to vector<16xi32>
    %add3A_34 = arith.addi %iota3A, %add3A_33 : vector<16xi32>
    %get3A_35 = arith.constant 1 : i32
    %get3A_36 = arith.index_cast %get3A_35 : i32 to index
    %get3A_37 = arith.constant 0 : index
    %get3A_38 = tpu.vector_load %arg6[%get3A_36, %get3A_37] {strides = array<i32>} : memref<18x64xf32, #tpu.memory_space<vmem>>, vector<16xf32>,
    tpu.vector_store_idx %arg7[%add3A_34], %get3A_38 : memref<1440xf32, #tpu.memory_space<vmem>>[vector<16xi32>], vector<16xf32>,
    %add3A_39 = arith.constant 97 : i32
    %add3A_40 = vector.broadcast %add3A_39 : i32 to vector<16xi32>
    %add3A_41 = arith.addi %iota3A, %add3A_40 : vector<16xi32>
    %get3A_42 = arith.constant 1 : i32
    %get3A_43 = arith.index_cast %get3A_42 : i32 to index
    %get3A_44 = arith.constant 16 : index
    %get3A_45 = tpu.vector_load %arg6[%get3A_43, %get3A_44] {strides = array<i32>} : memref<18x64xf32, #tpu.memory_space<vmem>>, vector<16xf32>,
    tpu.vector_store_idx %arg7[%add3A_41], %get3A_45 : memref<1440xf32, #tpu.memory_space<vmem>>[vector<16xi32>], vector<16xf32>,
    %add3A_46 = arith.constant 113 : i32
    %add3A_47 = vector.broadcast %add3A_46 : i32 to vector<16xi32>
    %add3A_48 = arith.addi %iota3A, %add3A_47 : vector<16xi32>
    %get3A_49 = arith.constant 1 : i32
    %get3A_50 = arith.index_cast %get3A_49 : i32 to index
    %get3A_51 = arith.constant 32 : index
    %get3A_52 = tpu.vector_load %arg6[%get3A_50, %get3A_51] {strides = array<i32>} : memref<18x64xf32, #tpu.memory_space<vmem>>, vector<16xf32>,
    tpu.vector_store_idx %arg7[%add3A_48], %get3A_52 : memref<1440xf32, #tpu.memory_space<vmem>>[vector<16xi32>], vector<16xf32>,
    %add3A_53 = arith.constant 129 : i32
    %add3A_54 = vector.broadcast %add3A_53 : i32 to vector<16xi32>
    %add3A_55 = arith.addi %iota3A, %add3A_54 : vector<16xi32>
    %get3A_56 = arith.constant 1 : i32
    %get3A_57 = arith.index_cast %get3A_56 : i32 to index
    %get3A_58 = arith.constant 48 : index
    %get3A_59 = tpu.vector_load %arg6[%get3A_57, %get3A_58] {strides = array<i32>} : memref<18x64xf32, #tpu.memory_space<vmem>>, vector<16xf32>,
    tpu.vector_store_idx %arg7[%add3A_55], %get3A_59 : memref<1440xf32, #tpu.memory_space<vmem>>[vector<16xi32>], vector<16xf32>,
    %add3A_60 = arith.constant 162 : i32
    %add3A_61 = vector.broadcast %add3A_60 : i32 to vector<16xi32>
    %add3A_62 = arith.addi %iota3A, %add3A_61 : vector<16xi32>
    %get3A_63 = arith.constant 2 : i32
    %get3A_64 = arith.index_cast %get3A_63 : i32 to index
    %get3A_65 = arith.constant 0 : index
    %get3A_66 = tpu.vector_load %arg6[%get3A_64, %get3A_65] {strides = array<i32>} : memref<18x64xf32, #tpu.memory_space<vmem>>, vector<16xf32>,
    tpu.vector_store_idx %arg7[%add3A_62], %get3A_66 : memref<1440xf32, #tpu.memory_space<vmem>>[vector<16xi32>], vector<16xf32>,
    %add3A_67 = arith.constant 178 : i32
    %add3A_68 = vector.broadcast %add3A_67 : i32 to vector<16xi32>
    %add3A_69 = arith.addi %iota3A, %add3A_68 : vector<16xi32>
    %get3A_70 = arith.constant 2 : i32
    %get3A_71 = arith.index_cast %get3A_70 : i32 to index
    %get3A_72 = arith.constant 16 : index
    %get3A_73 = tpu.vector_load %arg6[%get3A_71, %get3A_72] {strides = array<i32>} : memref<18x64xf32, #tpu.memory_space<vmem>>, vector<16xf32>,
    tpu.vector_store_idx %arg7[%add3A_69], %get3A_73 : memref<1440xf32, #tpu.memory_space<vmem>>[vector<16xi32>], vector<16xf32>,
    %add3A_74 = arith.constant 194 : i32
    %add3A_75 = vector.broadcast %add3A_74 : i32 to vector<16xi32>
    %add3A_76 = arith.addi %iota3A, %add3A_75 : vector<16xi32>
    %get3A_77 = arith.constant 2 : i32
    %get3A_78 = arith.index_cast %get3A_77 : i32 to index
    %get3A_79 = arith.constant 32 : index
    %get3A_80 = tpu.vector_load %arg6[%get3A_78, %get3A_79] {strides = array<i32>} : memref<18x64xf32, #tpu.memory_space<vmem>>, vector<16xf32>,
    tpu.vector_store_idx %arg7[%add3A_76], %get3A_80 : memref<1440xf32, #tpu.memory_space<vmem>>[vector<16xi32>], vector<16xf32>,
    %add3A_81 = arith.constant 210 : i32
    %add3A_82 = vector.broadcast %add3A_81 : i32 to vector<16xi32>
    %add3A_83 = arith.addi %iota3A, %add3A_82 : vector<16xi32>
    %get3A_84 = arith.constant 2 : i32
    %get3A_85 = arith.index_cast %get3A_84 : i32 to index
    %get3A_86 = arith.constant 48 : index
    %get3A_87 = tpu.vector_load %arg6[%get3A_85, %get3A_86] {strides = array<i32>} : memref<18x64xf32, #tpu.memory_space<vmem>>, vector<16xf32>,
    tpu.vector_store_idx %arg7[%add3A_83], %get3A_87 : memref<1440xf32, #tpu.memory_space<vmem>>[vector<16xi32>], vector<16xf32>,
    %add3A_88 = arith.constant 243 : i32
    %add3A_89 = vector.broadcast %add3A_88 : i32 to vector<16xi32>
    %add3A_90 = arith.addi %iota3A, %add3A_89 : vector<16xi32>
    %get3A_91 = arith.constant 3 : i32
    %get3A_92 = arith.index_cast %get3A_91 : i32 to index
    %get3A_93 = arith.constant 0 : index
    %get3A_94 = tpu.vector_load %arg6[%get3A_92, %get3A_93] {strides = array<i32>} : memref<18x64xf32, #tpu.memory_space<vmem>>, vector<16xf32>,
    tpu.vector_store_idx %arg7[%add3A_90], %get3A_94 : memref<1440xf32, #tpu.memory_space<vmem>>[vector<16xi32>], vector<16xf32>,
    %add3A_95 = arith.constant 259 : i32
    %add3A_96 = vector.broadcast %add3A_95 : i32 to vector<16xi32>
    %add3A_97 = arith.addi %iota3A, %add3A_96 : vector<16xi32>
    %get3A_98 = arith.constant 3 : i32
    %get3A_99 = arith.index_cast %get3A_98 : i32 to index
    %get3A_100 = arith.constant 16 : index
    %get3A_101 = tpu.vector_load %arg6[%get3A_99, %get3A_100] {strides = array<i32>} : memref<18x64xf32, #tpu.memory_space<vmem>>, vector<16xf32>,
    tpu.vector_store_idx %arg7[%add3A_97], %get3A_101 : memref<1440xf32, #tpu.memory_space<vmem>>[vector<16xi32>], vector<16xf32>,
    %add3A_102 = arith.constant 275 : i32
    %add3A_103 = vector.broadcast %add3A_102 : i32 to vector<16xi32>
    %add3A_104 = arith.addi %iota3A, %add3A_103 : vector<16xi32>
    %get3A_105 = arith.constant 3 : i32
    %get3A_106 = arith.index_cast %get3A_105 : i32 to index
    %get3A_107 = arith.constant 32 : index
    %get3A_108 = tpu.vector_load %arg6[%get3A_106, %get3A_107] {strides = array<i32>} : memref<18x64xf32, #tpu.memory_space<vmem>>, vector<16xf32>,
    tpu.vector_store_idx %arg7[%add3A_104], %get3A_108 : memref<1440xf32, #tpu.memory_space<vmem>>[vector<16xi32>], vector<16xf32>,
    %add3A_109 = arith.constant 291 : i32
    %add3A_110 = vector.broadcast %add3A_109 : i32 to vector<16xi32>
    %add3A_111 = arith.addi %iota3A, %add3A_110 : vector<16xi32>
    %get3A_112 = arith.constant 3 : i32
    %get3A_113 = arith.index_cast %get3A_112 : i32 to index
    %get3A_114 = arith.constant 48 : index
    %get3A_115 = tpu.vector_load %arg6[%get3A_113, %get3A_114] {strides = array<i32>} : memref<18x64xf32, #tpu.memory_space<vmem>>, vector<16xf32>,
    tpu.vector_store_idx %arg7[%add3A_111], %get3A_115 : memref<1440xf32, #tpu.memory_space<vmem>>[vector<16xi32>], vector<16xf32>,
    %add3A_116 = arith.constant 324 : i32
    %add3A_117 = vector.broadcast %add3A_116 : i32 to vector<16xi32>
    %add3A_118 = arith.addi %iota3A, %add3A_117 : vector<16xi32>
    %get3A_119 = arith.constant 4 : i32
    %get3A_120 = arith.index_cast %get3A_119 : i32 to index
    %get3A_121 = arith.constant 0 : index
    %get3A_122 = tpu.vector_load %arg6[%get3A_120, %get3A_121] {strides = array<i32>} : memref<18x64xf32, #tpu.memory_space<vmem>>, vector<16xf32>,
    tpu.vector_store_idx %arg7[%add3A_118], %get3A_122 : memref<1440xf32, #tpu.memory_space<vmem>>[vector<16xi32>], vector<16xf32>,
    %add3A_123 = arith.constant 340 : i32
    %add3A_124 = vector.broadcast %add3A_123 : i32 to vector<16xi32>
    %add3A_125 = arith.addi %iota3A, %add3A_124 : vector<16xi32>
    %get3A_126 = arith.constant 4 : i32
    %get3A_127 = arith.index_cast %get3A_126 : i32 to index
    %get3A_128 = arith.constant 16 : index
    %get3A_129 = tpu.vector_load %arg6[%get3A_127, %get3A_128] {strides = array<i32>} : memref<18x64xf32, #tpu.memory_space<vmem>>, vector<16xf32>,
    tpu.vector_store_idx %arg7[%add3A_125], %get3A_129 : memref<1440xf32, #tpu.memory_space<vmem>>[vector<16xi32>], vector<16xf32>,
    %add3A_130 = arith.constant 356 : i32
    %add3A_131 = vector.broadcast %add3A_130 : i32 to vector<16xi32>
    %add3A_132 = arith.addi %iota3A, %add3A_131 : vector<16xi32>
    %get3A_133 = arith.constant 4 : i32
    %get3A_134 = arith.index_cast %get3A_133 : i32 to index
    %get3A_135 = arith.constant 32 : index
    %get3A_136 = tpu.vector_load %arg6[%get3A_134, %get3A_135] {strides = array<i32>} : memref<18x64xf32, #tpu.memory_space<vmem>>, vector<16xf32>,
    tpu.vector_store_idx %arg7[%add3A_132], %get3A_136 : memref<1440xf32, #tpu.memory_space<vmem>>[vector<16xi32>], vector<16xf32>,
    %add3A_137 = arith.constant 372 : i32
    %add3A_138 = vector.broadcast %add3A_137 : i32 to vector<16xi32>
    %add3A_139 = arith.addi %iota3A, %add3A_138 : vector<16xi32>
    %get3A_140 = arith.constant 4 : i32
    %get3A_141 = arith.index_cast %get3A_140 : i32 to index
    %get3A_142 = arith.constant 48 : index
    %get3A_143 = tpu.vector_load %arg6[%get3A_141, %get3A_142] {strides = array<i32>} : memref<18x64xf32, #tpu.memory_space<vmem>>, vector<16xf32>,
    tpu.vector_store_idx %arg7[%add3A_139], %get3A_143 : memref<1440xf32, #tpu.memory_space<vmem>>[vector<16xi32>], vector<16xf32>,
    %add3A_144 = arith.constant 405 : i32
    %add3A_145 = vector.broadcast %add3A_144 : i32 to vector<16xi32>
    %add3A_146 = arith.addi %iota3A, %add3A_145 : vector<16xi32>
    %get3A_147 = arith.constant 5 : i32
    %get3A_148 = arith.index_cast %get3A_147 : i32 to index
    %get3A_149 = arith.constant 0 : index
    %get3A_150 = tpu.vector_load %arg6[%get3A_148, %get3A_149] {strides = array<i32>} : memref<18x64xf32, #tpu.memory_space<vmem>>, vector<16xf32>,
    tpu.vector_store_idx %arg7[%add3A_146], %get3A_150 : memref<1440xf32, #tpu.memory_space<vmem>>[vector<16xi32>], vector<16xf32>,
    %add3A_151 = arith.constant 421 : i32
    %add3A_152 = vector.broadcast %add3A_151 : i32 to vector<16xi32>
    %add3A_153 = arith.addi %iota3A, %add3A_152 : vector<16xi32>
    %get3A_154 = arith.constant 5 : i32
    %get3A_155 = arith.index_cast %get3A_154 : i32 to index
    %get3A_156 = arith.constant 16 : index
    %get3A_157 = tpu.vector_load %arg6[%get3A_155, %get3A_156] {strides = array<i32>} : memref<18x64xf32, #tpu.memory_space<vmem>>, vector<16xf32>,
    tpu.vector_store_idx %arg7[%add3A_153], %get3A_157 : memref<1440xf32, #tpu.memory_space<vmem>>[vector<16xi32>], vector<16xf32>,
    %add3A_158 = arith.constant 437 : i32
    %add3A_159 = vector.broadcast %add3A_158 : i32 to vector<16xi32>
    %add3A_160 = arith.addi %iota3A, %add3A_159 : vector<16xi32>
    %get3A_161 = arith.constant 5 : i32
    %get3A_162 = arith.index_cast %get3A_161 : i32 to index
    %get3A_163 = arith.constant 32 : index
    %get3A_164 = tpu.vector_load %arg6[%get3A_162, %get3A_163] {strides = array<i32>} : memref<18x64xf32, #tpu.memory_space<vmem>>, vector<16xf32>,
    tpu.vector_store_idx %arg7[%add3A_160], %get3A_164 : memref<1440xf32, #tpu.memory_space<vmem>>[vector<16xi32>], vector<16xf32>,
    %add3A_165 = arith.constant 453 : i32
    %add3A_166 = vector.broadcast %add3A_165 : i32 to vector<16xi32>
    %add3A_167 = arith.addi %iota3A, %add3A_166 : vector<16xi32>
    %get3A_168 = arith.constant 5 : i32
    %get3A_169 = arith.index_cast %get3A_168 : i32 to index
    %get3A_170 = arith.constant 48 : index
    %get3A_171 = tpu.vector_load %arg6[%get3A_169, %get3A_170] {strides = array<i32>} : memref<18x64xf32, #tpu.memory_space<vmem>>, vector<16xf32>,
    tpu.vector_store_idx %arg7[%add3A_167], %get3A_171 : memref<1440xf32, #tpu.memory_space<vmem>>[vector<16xi32>], vector<16xf32>,
    %add3A_172 = arith.constant 486 : i32
    %add3A_173 = vector.broadcast %add3A_172 : i32 to vector<16xi32>
    %add3A_174 = arith.addi %iota3A, %add3A_173 : vector<16xi32>
    %get3A_175 = arith.constant 6 : i32
    %get3A_176 = arith.index_cast %get3A_175 : i32 to index
    %get3A_177 = arith.constant 0 : index
    %get3A_178 = tpu.vector_load %arg6[%get3A_176, %get3A_177] {strides = array<i32>} : memref<18x64xf32, #tpu.memory_space<vmem>>, vector<16xf32>,
    tpu.vector_store_idx %arg7[%add3A_174], %get3A_178 : memref<1440xf32, #tpu.memory_space<vmem>>[vector<16xi32>], vector<16xf32>,
    %add3A_179 = arith.constant 502 : i32
    %add3A_180 = vector.broadcast %add3A_179 : i32 to vector<16xi32>
    %add3A_181 = arith.addi %iota3A, %add3A_180 : vector<16xi32>
    %get3A_182 = arith.constant 6 : i32
    %get3A_183 = arith.index_cast %get3A_182 : i32 to index
    %get3A_184 = arith.constant 16 : index
    %get3A_185 = tpu.vector_load %arg6[%get3A_183, %get3A_184] {strides = array<i32>} : memref<18x64xf32, #tpu.memory_space<vmem>>, vector<16xf32>,
    tpu.vector_store_idx %arg7[%add3A_181], %get3A_185 : memref<1440xf32, #tpu.memory_space<vmem>>[vector<16xi32>], vector<16xf32>,
    %add3A_186 = arith.constant 518 : i32
    %add3A_187 = vector.broadcast %add3A_186 : i32 to vector<16xi32>
    %add3A_188 = arith.addi %iota3A, %add3A_187 : vector<16xi32>
    %get3A_189 = arith.constant 6 : i32
    %get3A_190 = arith.index_cast %get3A_189 : i32 to index
    %get3A_191 = arith.constant 32 : index
    %get3A_192 = tpu.vector_load %arg6[%get3A_190, %get3A_191] {strides = array<i32>} : memref<18x64xf32, #tpu.memory_space<vmem>>, vector<16xf32>,
    tpu.vector_store_idx %arg7[%add3A_188], %get3A_192 : memref<1440xf32, #tpu.memory_space<vmem>>[vector<16xi32>], vector<16xf32>,
    %add3A_193 = arith.constant 534 : i32
    %add3A_194 = vector.broadcast %add3A_193 : i32 to vector<16xi32>
    %add3A_195 = arith.addi %iota3A, %add3A_194 : vector<16xi32>
    %get3A_196 = arith.constant 6 : i32
    %get3A_197 = arith.index_cast %get3A_196 : i32 to index
    %get3A_198 = arith.constant 48 : index
    %get3A_199 = tpu.vector_load %arg6[%get3A_197, %get3A_198] {strides = array<i32>} : memref<18x64xf32, #tpu.memory_space<vmem>>, vector<16xf32>,
    tpu.vector_store_idx %arg7[%add3A_195], %get3A_199 : memref<1440xf32, #tpu.memory_space<vmem>>[vector<16xi32>], vector<16xf32>,
    %add3A_200 = arith.constant 567 : i32
    %add3A_201 = vector.broadcast %add3A_200 : i32 to vector<16xi32>
    %add3A_202 = arith.addi %iota3A, %add3A_201 : vector<16xi32>
    %get3A_203 = arith.constant 7 : i32
    %get3A_204 = arith.index_cast %get3A_203 : i32 to index
    %get3A_205 = arith.constant 0 : index
    %get3A_206 = tpu.vector_load %arg6[%get3A_204, %get3A_205] {strides = array<i32>} : memref<18x64xf32, #tpu.memory_space<vmem>>, vector<16xf32>,
    tpu.vector_store_idx %arg7[%add3A_202], %get3A_206 : memref<1440xf32, #tpu.memory_space<vmem>>[vector<16xi32>], vector<16xf32>,
    %add3A_207 = arith.constant 583 : i32
    %add3A_208 = vector.broadcast %add3A_207 : i32 to vector<16xi32>
    %add3A_209 = arith.addi %iota3A, %add3A_208 : vector<16xi32>
    %get3A_210 = arith.constant 7 : i32
    %get3A_211 = arith.index_cast %get3A_210 : i32 to index
    %get3A_212 = arith.constant 16 : index
    %get3A_213 = tpu.vector_load %arg6[%get3A_211, %get3A_212] {strides = array<i32>} : memref<18x64xf32, #tpu.memory_space<vmem>>, vector<16xf32>,
    tpu.vector_store_idx %arg7[%add3A_209], %get3A_213 : memref<1440xf32, #tpu.memory_space<vmem>>[vector<16xi32>], vector<16xf32>,
    %add3A_214 = arith.constant 599 : i32
    %add3A_215 = vector.broadcast %add3A_214 : i32 to vector<16xi32>
    %add3A_216 = arith.addi %iota3A, %add3A_215 : vector<16xi32>
    %get3A_217 = arith.constant 7 : i32
    %get3A_218 = arith.index_cast %get3A_217 : i32 to index
    %get3A_219 = arith.constant 32 : index
    %get3A_220 = tpu.vector_load %arg6[%get3A_218, %get3A_219] {strides = array<i32>} : memref<18x64xf32, #tpu.memory_space<vmem>>, vector<16xf32>,
    tpu.vector_store_idx %arg7[%add3A_216], %get3A_220 : memref<1440xf32, #tpu.memory_space<vmem>>[vector<16xi32>], vector<16xf32>,
    %add3A_221 = arith.constant 615 : i32
    %add3A_222 = vector.broadcast %add3A_221 : i32 to vector<16xi32>
    %add3A_223 = arith.addi %iota3A, %add3A_222 : vector<16xi32>
    %get3A_224 = arith.constant 7 : i32
    %get3A_225 = arith.index_cast %get3A_224 : i32 to index
    %get3A_226 = arith.constant 48 : index
    %get3A_227 = tpu.vector_load %arg6[%get3A_225, %get3A_226] {strides = array<i32>} : memref<18x64xf32, #tpu.memory_space<vmem>>, vector<16xf32>,
    tpu.vector_store_idx %arg7[%add3A_223], %get3A_227 : memref<1440xf32, #tpu.memory_space<vmem>>[vector<16xi32>], vector<16xf32>,
    %add3A_228 = arith.constant 648 : i32
    %add3A_229 = vector.broadcast %add3A_228 : i32 to vector<16xi32>
    %add3A_230 = arith.addi %iota3A, %add3A_229 : vector<16xi32>
    %get3A_231 = arith.constant 8 : i32
    %get3A_232 = arith.index_cast %get3A_231 : i32 to index
    %get3A_233 = arith.constant 0 : index
    %get3A_234 = tpu.vector_load %arg6[%get3A_232, %get3A_233] {strides = array<i32>} : memref<18x64xf32, #tpu.memory_space<vmem>>, vector<16xf32>,
    tpu.vector_store_idx %arg7[%add3A_230], %get3A_234 : memref<1440xf32, #tpu.memory_space<vmem>>[vector<16xi32>], vector<16xf32>,
    %add3A_235 = arith.constant 664 : i32
    %add3A_236 = vector.broadcast %add3A_235 : i32 to vector<16xi32>
    %add3A_237 = arith.addi %iota3A, %add3A_236 : vector<16xi32>
    %get3A_238 = arith.constant 8 : i32
    %get3A_239 = arith.index_cast %get3A_238 : i32 to index
    %get3A_240 = arith.constant 16 : index
    %get3A_241 = tpu.vector_load %arg6[%get3A_239, %get3A_240] {strides = array<i32>} : memref<18x64xf32, #tpu.memory_space<vmem>>, vector<16xf32>,
    tpu.vector_store_idx %arg7[%add3A_237], %get3A_241 : memref<1440xf32, #tpu.memory_space<vmem>>[vector<16xi32>], vector<16xf32>,
    %add3A_242 = arith.constant 680 : i32
    %add3A_243 = vector.broadcast %add3A_242 : i32 to vector<16xi32>
    %add3A_244 = arith.addi %iota3A, %add3A_243 : vector<16xi32>
    %get3A_245 = arith.constant 8 : i32
    %get3A_246 = arith.index_cast %get3A_245 : i32 to index
    %get3A_247 = arith.constant 32 : index
    %get3A_248 = tpu.vector_load %arg6[%get3A_246, %get3A_247] {strides = array<i32>} : memref<18x64xf32, #tpu.memory_space<vmem>>, vector<16xf32>,
    tpu.vector_store_idx %arg7[%add3A_244], %get3A_248 : memref<1440xf32, #tpu.memory_space<vmem>>[vector<16xi32>], vector<16xf32>,
    %add3A_249 = arith.constant 696 : i32
    %add3A_250 = vector.broadcast %add3A_249 : i32 to vector<16xi32>
    %add3A_251 = arith.addi %iota3A, %add3A_250 : vector<16xi32>
    %get3A_252 = arith.constant 8 : i32
    %get3A_253 = arith.index_cast %get3A_252 : i32 to index
    %get3A_254 = arith.constant 48 : index
    %get3A_255 = tpu.vector_load %arg6[%get3A_253, %get3A_254] {strides = array<i32>} : memref<18x64xf32, #tpu.memory_space<vmem>>, vector<16xf32>,
    tpu.vector_store_idx %arg7[%add3A_251], %get3A_255 : memref<1440xf32, #tpu.memory_space<vmem>>[vector<16xi32>], vector<16xf32>,
    %add3A_256 = arith.constant 729 : i32
    %add3A_257 = vector.broadcast %add3A_256 : i32 to vector<16xi32>
    %add3A_258 = arith.addi %iota3A, %add3A_257 : vector<16xi32>
    %get3A_259 = arith.constant 9 : i32
    %get3A_260 = arith.index_cast %get3A_259 : i32 to index
    %get3A_261 = arith.constant 0 : index
    %get3A_262 = tpu.vector_load %arg6[%get3A_260, %get3A_261] {strides = array<i32>} : memref<18x64xf32, #tpu.memory_space<vmem>>, vector<16xf32>,
    tpu.vector_store_idx %arg7[%add3A_258], %get3A_262 : memref<1440xf32, #tpu.memory_space<vmem>>[vector<16xi32>], vector<16xf32>,
    %add3A_263 = arith.constant 745 : i32
    %add3A_264 = vector.broadcast %add3A_263 : i32 to vector<16xi32>
    %add3A_265 = arith.addi %iota3A, %add3A_264 : vector<16xi32>
    %get3A_266 = arith.constant 9 : i32
    %get3A_267 = arith.index_cast %get3A_266 : i32 to index
    %get3A_268 = arith.constant 16 : index
    %get3A_269 = tpu.vector_load %arg6[%get3A_267, %get3A_268] {strides = array<i32>} : memref<18x64xf32, #tpu.memory_space<vmem>>, vector<16xf32>,
    tpu.vector_store_idx %arg7[%add3A_265], %get3A_269 : memref<1440xf32, #tpu.memory_space<vmem>>[vector<16xi32>], vector<16xf32>,
    %add3A_270 = arith.constant 761 : i32
    %add3A_271 = vector.broadcast %add3A_270 : i32 to vector<16xi32>
    %add3A_272 = arith.addi %iota3A, %add3A_271 : vector<16xi32>
    %get3A_273 = arith.constant 9 : i32
    %get3A_274 = arith.index_cast %get3A_273 : i32 to index
    %get3A_275 = arith.constant 32 : index
    %get3A_276 = tpu.vector_load %arg6[%get3A_274, %get3A_275] {strides = array<i32>} : memref<18x64xf32, #tpu.memory_space<vmem>>, vector<16xf32>,
    tpu.vector_store_idx %arg7[%add3A_272], %get3A_276 : memref<1440xf32, #tpu.memory_space<vmem>>[vector<16xi32>], vector<16xf32>,
    %add3A_277 = arith.constant 777 : i32
    %add3A_278 = vector.broadcast %add3A_277 : i32 to vector<16xi32>
    %add3A_279 = arith.addi %iota3A, %add3A_278 : vector<16xi32>
    %get3A_280 = arith.constant 9 : i32
    %get3A_281 = arith.index_cast %get3A_280 : i32 to index
    %get3A_282 = arith.constant 48 : index
    %get3A_283 = tpu.vector_load %arg6[%get3A_281, %get3A_282] {strides = array<i32>} : memref<18x64xf32, #tpu.memory_space<vmem>>, vector<16xf32>,
    tpu.vector_store_idx %arg7[%add3A_279], %get3A_283 : memref<1440xf32, #tpu.memory_space<vmem>>[vector<16xi32>], vector<16xf32>,
    %add3A_284 = arith.constant 810 : i32
    %add3A_285 = vector.broadcast %add3A_284 : i32 to vector<16xi32>
    %add3A_286 = arith.addi %iota3A, %add3A_285 : vector<16xi32>
    %get3A_287 = arith.constant 10 : i32
    %get3A_288 = arith.index_cast %get3A_287 : i32 to index
    %get3A_289 = arith.constant 0 : index
    %get3A_290 = tpu.vector_load %arg6[%get3A_288, %get3A_289] {strides = array<i32>} : memref<18x64xf32, #tpu.memory_space<vmem>>, vector<16xf32>,
    tpu.vector_store_idx %arg7[%add3A_286], %get3A_290 : memref<1440xf32, #tpu.memory_space<vmem>>[vector<16xi32>], vector<16xf32>,
    %add3A_291 = arith.constant 826 : i32
    %add3A_292 = vector.broadcast %add3A_291 : i32 to vector<16xi32>
    %add3A_293 = arith.addi %iota3A, %add3A_292 : vector<16xi32>
    %get3A_294 = arith.constant 10 : i32
    %get3A_295 = arith.index_cast %get3A_294 : i32 to index
    %get3A_296 = arith.constant 16 : index
    %get3A_297 = tpu.vector_load %arg6[%get3A_295, %get3A_296] {strides = array<i32>} : memref<18x64xf32, #tpu.memory_space<vmem>>, vector<16xf32>,
    tpu.vector_store_idx %arg7[%add3A_293], %get3A_297 : memref<1440xf32, #tpu.memory_space<vmem>>[vector<16xi32>], vector<16xf32>,
    %add3A_298 = arith.constant 842 : i32
    %add3A_299 = vector.broadcast %add3A_298 : i32 to vector<16xi32>
    %add3A_300 = arith.addi %iota3A, %add3A_299 : vector<16xi32>
    %get3A_301 = arith.constant 10 : i32
    %get3A_302 = arith.index_cast %get3A_301 : i32 to index
    %get3A_303 = arith.constant 32 : index
    %get3A_304 = tpu.vector_load %arg6[%get3A_302, %get3A_303] {strides = array<i32>} : memref<18x64xf32, #tpu.memory_space<vmem>>, vector<16xf32>,
    tpu.vector_store_idx %arg7[%add3A_300], %get3A_304 : memref<1440xf32, #tpu.memory_space<vmem>>[vector<16xi32>], vector<16xf32>,
    %add3A_305 = arith.constant 858 : i32
    %add3A_306 = vector.broadcast %add3A_305 : i32 to vector<16xi32>
    %add3A_307 = arith.addi %iota3A, %add3A_306 : vector<16xi32>
    %get3A_308 = arith.constant 10 : i32
    %get3A_309 = arith.index_cast %get3A_308 : i32 to index
    %get3A_310 = arith.constant 48 : index
    %get3A_311 = tpu.vector_load %arg6[%get3A_309, %get3A_310] {strides = array<i32>} : memref<18x64xf32, #tpu.memory_space<vmem>>, vector<16xf32>,
    tpu.vector_store_idx %arg7[%add3A_307], %get3A_311 : memref<1440xf32, #tpu.memory_space<vmem>>[vector<16xi32>], vector<16xf32>,
    %add3A_312 = arith.constant 891 : i32
    %add3A_313 = vector.broadcast %add3A_312 : i32 to vector<16xi32>
    %add3A_314 = arith.addi %iota3A, %add3A_313 : vector<16xi32>
    %get3A_315 = arith.constant 11 : i32
    %get3A_316 = arith.index_cast %get3A_315 : i32 to index
    %get3A_317 = arith.constant 0 : index
    %get3A_318 = tpu.vector_load %arg6[%get3A_316, %get3A_317] {strides = array<i32>} : memref<18x64xf32, #tpu.memory_space<vmem>>, vector<16xf32>,
    tpu.vector_store_idx %arg7[%add3A_314], %get3A_318 : memref<1440xf32, #tpu.memory_space<vmem>>[vector<16xi32>], vector<16xf32>,
    %add3A_319 = arith.constant 907 : i32
    %add3A_320 = vector.broadcast %add3A_319 : i32 to vector<16xi32>
    %add3A_321 = arith.addi %iota3A, %add3A_320 : vector<16xi32>
    %get3A_322 = arith.constant 11 : i32
    %get3A_323 = arith.index_cast %get3A_322 : i32 to index
    %get3A_324 = arith.constant 16 : index
    %get3A_325 = tpu.vector_load %arg6[%get3A_323, %get3A_324] {strides = array<i32>} : memref<18x64xf32, #tpu.memory_space<vmem>>, vector<16xf32>,
    tpu.vector_store_idx %arg7[%add3A_321], %get3A_325 : memref<1440xf32, #tpu.memory_space<vmem>>[vector<16xi32>], vector<16xf32>,
    %add3A_326 = arith.constant 923 : i32
    %add3A_327 = vector.broadcast %add3A_326 : i32 to vector<16xi32>
    %add3A_328 = arith.addi %iota3A, %add3A_327 : vector<16xi32>
    %get3A_329 = arith.constant 11 : i32
    %get3A_330 = arith.index_cast %get3A_329 : i32 to index
    %get3A_331 = arith.constant 32 : index
    %get3A_332 = tpu.vector_load %arg6[%get3A_330, %get3A_331] {strides = array<i32>} : memref<18x64xf32, #tpu.memory_space<vmem>>, vector<16xf32>,
    tpu.vector_store_idx %arg7[%add3A_328], %get3A_332 : memref<1440xf32, #tpu.memory_space<vmem>>[vector<16xi32>], vector<16xf32>,
    %add3A_333 = arith.constant 939 : i32
    %add3A_334 = vector.broadcast %add3A_333 : i32 to vector<16xi32>
    %add3A_335 = arith.addi %iota3A, %add3A_334 : vector<16xi32>
    %get3A_336 = arith.constant 11 : i32
    %get3A_337 = arith.index_cast %get3A_336 : i32 to index
    %get3A_338 = arith.constant 48 : index
    %get3A_339 = tpu.vector_load %arg6[%get3A_337, %get3A_338] {strides = array<i32>} : memref<18x64xf32, #tpu.memory_space<vmem>>, vector<16xf32>,
    tpu.vector_store_idx %arg7[%add3A_335], %get3A_339 : memref<1440xf32, #tpu.memory_space<vmem>>[vector<16xi32>], vector<16xf32>,
    %add3A_340 = arith.constant 972 : i32
    %add3A_341 = vector.broadcast %add3A_340 : i32 to vector<16xi32>
    %add3A_342 = arith.addi %iota3A, %add3A_341 : vector<16xi32>
    %get3A_343 = arith.constant 12 : i32
    %get3A_344 = arith.index_cast %get3A_343 : i32 to index
    %get3A_345 = arith.constant 0 : index
    %get3A_346 = tpu.vector_load %arg6[%get3A_344, %get3A_345] {strides = array<i32>} : memref<18x64xf32, #tpu.memory_space<vmem>>, vector<16xf32>,
    tpu.vector_store_idx %arg7[%add3A_342], %get3A_346 : memref<1440xf32, #tpu.memory_space<vmem>>[vector<16xi32>], vector<16xf32>,
    %add3A_347 = arith.constant 988 : i32
    %add3A_348 = vector.broadcast %add3A_347 : i32 to vector<16xi32>
    %add3A_349 = arith.addi %iota3A, %add3A_348 : vector<16xi32>
    %get3A_350 = arith.constant 12 : i32
    %get3A_351 = arith.index_cast %get3A_350 : i32 to index
    %get3A_352 = arith.constant 16 : index
    %get3A_353 = tpu.vector_load %arg6[%get3A_351, %get3A_352] {strides = array<i32>} : memref<18x64xf32, #tpu.memory_space<vmem>>, vector<16xf32>,
    tpu.vector_store_idx %arg7[%add3A_349], %get3A_353 : memref<1440xf32, #tpu.memory_space<vmem>>[vector<16xi32>], vector<16xf32>,
    %add3A_354 = arith.constant 1004 : i32
    %add3A_355 = vector.broadcast %add3A_354 : i32 to vector<16xi32>
    %add3A_356 = arith.addi %iota3A, %add3A_355 : vector<16xi32>
    %get3A_357 = arith.constant 12 : i32
    %get3A_358 = arith.index_cast %get3A_357 : i32 to index
    %get3A_359 = arith.constant 32 : index
    %get3A_360 = tpu.vector_load %arg6[%get3A_358, %get3A_359] {strides = array<i32>} : memref<18x64xf32, #tpu.memory_space<vmem>>, vector<16xf32>,
    tpu.vector_store_idx %arg7[%add3A_356], %get3A_360 : memref<1440xf32, #tpu.memory_space<vmem>>[vector<16xi32>], vector<16xf32>,
    %add3A_361 = arith.constant 1020 : i32
    %add3A_362 = vector.broadcast %add3A_361 : i32 to vector<16xi32>
    %add3A_363 = arith.addi %iota3A, %add3A_362 : vector<16xi32>
    %get3A_364 = arith.constant 12 : i32
    %get3A_365 = arith.index_cast %get3A_364 : i32 to index
    %get3A_366 = arith.constant 48 : index
    %get3A_367 = tpu.vector_load %arg6[%get3A_365, %get3A_366] {strides = array<i32>} : memref<18x64xf32, #tpu.memory_space<vmem>>, vector<16xf32>,
    tpu.vector_store_idx %arg7[%add3A_363], %get3A_367 : memref<1440xf32, #tpu.memory_space<vmem>>[vector<16xi32>], vector<16xf32>,
    %add3A_368 = arith.constant 1053 : i32
    %add3A_369 = vector.broadcast %add3A_368 : i32 to vector<16xi32>
    %add3A_370 = arith.addi %iota3A, %add3A_369 : vector<16xi32>
    %get3A_371 = arith.constant 13 : i32
    %get3A_372 = arith.index_cast %get3A_371 : i32 to index
    %get3A_373 = arith.constant 0 : index
    %get3A_374 = tpu.vector_load %arg6[%get3A_372, %get3A_373] {strides = array<i32>} : memref<18x64xf32, #tpu.memory_space<vmem>>, vector<16xf32>,
    tpu.vector_store_idx %arg7[%add3A_370], %get3A_374 : memref<1440xf32, #tpu.memory_space<vmem>>[vector<16xi32>], vector<16xf32>,
    %add3A_375 = arith.constant 1069 : i32
    %add3A_376 = vector.broadcast %add3A_375 : i32 to vector<16xi32>
    %add3A_377 = arith.addi %iota3A, %add3A_376 : vector<16xi32>
    %get3A_378 = arith.constant 13 : i32
    %get3A_379 = arith.index_cast %get3A_378 : i32 to index
    %get3A_380 = arith.constant 16 : index
    %get3A_381 = tpu.vector_load %arg6[%get3A_379, %get3A_380] {strides = array<i32>} : memref<18x64xf32, #tpu.memory_space<vmem>>, vector<16xf32>,
    tpu.vector_store_idx %arg7[%add3A_377], %get3A_381 : memref<1440xf32, #tpu.memory_space<vmem>>[vector<16xi32>], vector<16xf32>,
    %add3A_382 = arith.constant 1085 : i32
    %add3A_383 = vector.broadcast %add3A_382 : i32 to vector<16xi32>
    %add3A_384 = arith.addi %iota3A, %add3A_383 : vector<16xi32>
    %get3A_385 = arith.constant 13 : i32
    %get3A_386 = arith.index_cast %get3A_385 : i32 to index
    %get3A_387 = arith.constant 32 : index
    %get3A_388 = tpu.vector_load %arg6[%get3A_386, %get3A_387] {strides = array<i32>} : memref<18x64xf32, #tpu.memory_space<vmem>>, vector<16xf32>,
    tpu.vector_store_idx %arg7[%add3A_384], %get3A_388 : memref<1440xf32, #tpu.memory_space<vmem>>[vector<16xi32>], vector<16xf32>,
    %add3A_389 = arith.constant 1101 : i32
    %add3A_390 = vector.broadcast %add3A_389 : i32 to vector<16xi32>
    %add3A_391 = arith.addi %iota3A, %add3A_390 : vector<16xi32>
    %get3A_392 = arith.constant 13 : i32
    %get3A_393 = arith.index_cast %get3A_392 : i32 to index
    %get3A_394 = arith.constant 48 : index
    %get3A_395 = tpu.vector_load %arg6[%get3A_393, %get3A_394] {strides = array<i32>} : memref<18x64xf32, #tpu.memory_space<vmem>>, vector<16xf32>,
    tpu.vector_store_idx %arg7[%add3A_391], %get3A_395 : memref<1440xf32, #tpu.memory_space<vmem>>[vector<16xi32>], vector<16xf32>,
    %add3A_396 = arith.constant 1134 : i32
    %add3A_397 = vector.broadcast %add3A_396 : i32 to vector<16xi32>
    %add3A_398 = arith.addi %iota3A, %add3A_397 : vector<16xi32>
    %get3A_399 = arith.constant 14 : i32
    %get3A_400 = arith.index_cast %get3A_399 : i32 to index
    %get3A_401 = arith.constant 0 : index
    %get3A_402 = tpu.vector_load %arg6[%get3A_400, %get3A_401] {strides = array<i32>} : memref<18x64xf32, #tpu.memory_space<vmem>>, vector<16xf32>,
    tpu.vector_store_idx %arg7[%add3A_398], %get3A_402 : memref<1440xf32, #tpu.memory_space<vmem>>[vector<16xi32>], vector<16xf32>,
    %add3A_403 = arith.constant 1150 : i32
    %add3A_404 = vector.broadcast %add3A_403 : i32 to vector<16xi32>
    %add3A_405 = arith.addi %iota3A, %add3A_404 : vector<16xi32>
    %get3A_406 = arith.constant 14 : i32
    %get3A_407 = arith.index_cast %get3A_406 : i32 to index
    %get3A_408 = arith.constant 16 : index
    %get3A_409 = tpu.vector_load %arg6[%get3A_407, %get3A_408] {strides = array<i32>} : memref<18x64xf32, #tpu.memory_space<vmem>>, vector<16xf32>,
    tpu.vector_store_idx %arg7[%add3A_405], %get3A_409 : memref<1440xf32, #tpu.memory_space<vmem>>[vector<16xi32>], vector<16xf32>,
    %add3A_410 = arith.constant 1166 : i32
    %add3A_411 = vector.broadcast %add3A_410 : i32 to vector<16xi32>
    %add3A_412 = arith.addi %iota3A, %add3A_411 : vector<16xi32>
    %get3A_413 = arith.constant 14 : i32
    %get3A_414 = arith.index_cast %get3A_413 : i32 to index
    %get3A_415 = arith.constant 32 : index
    %get3A_416 = tpu.vector_load %arg6[%get3A_414, %get3A_415] {strides = array<i32>} : memref<18x64xf32, #tpu.memory_space<vmem>>, vector<16xf32>,
    tpu.vector_store_idx %arg7[%add3A_412], %get3A_416 : memref<1440xf32, #tpu.memory_space<vmem>>[vector<16xi32>], vector<16xf32>,
    %add3A_417 = arith.constant 1182 : i32
    %add3A_418 = vector.broadcast %add3A_417 : i32 to vector<16xi32>
    %add3A_419 = arith.addi %iota3A, %add3A_418 : vector<16xi32>
    %get3A_420 = arith.constant 14 : i32
    %get3A_421 = arith.index_cast %get3A_420 : i32 to index
    %get3A_422 = arith.constant 48 : index
    %get3A_423 = tpu.vector_load %arg6[%get3A_421, %get3A_422] {strides = array<i32>} : memref<18x64xf32, #tpu.memory_space<vmem>>, vector<16xf32>,
    tpu.vector_store_idx %arg7[%add3A_419], %get3A_423 : memref<1440xf32, #tpu.memory_space<vmem>>[vector<16xi32>], vector<16xf32>,
    %add3A_424 = arith.constant 1215 : i32
    %add3A_425 = vector.broadcast %add3A_424 : i32 to vector<16xi32>
    %add3A_426 = arith.addi %iota3A, %add3A_425 : vector<16xi32>
    %get3A_427 = arith.constant 15 : i32
    %get3A_428 = arith.index_cast %get3A_427 : i32 to index
    %get3A_429 = arith.constant 0 : index
    %get3A_430 = tpu.vector_load %arg6[%get3A_428, %get3A_429] {strides = array<i32>} : memref<18x64xf32, #tpu.memory_space<vmem>>, vector<16xf32>,
    tpu.vector_store_idx %arg7[%add3A_426], %get3A_430 : memref<1440xf32, #tpu.memory_space<vmem>>[vector<16xi32>], vector<16xf32>,
    %add3A_431 = arith.constant 1231 : i32
    %add3A_432 = vector.broadcast %add3A_431 : i32 to vector<16xi32>
    %add3A_433 = arith.addi %iota3A, %add3A_432 : vector<16xi32>
    %get3A_434 = arith.constant 15 : i32
    %get3A_435 = arith.index_cast %get3A_434 : i32 to index
    %get3A_436 = arith.constant 16 : index
    %get3A_437 = tpu.vector_load %arg6[%get3A_435, %get3A_436] {strides = array<i32>} : memref<18x64xf32, #tpu.memory_space<vmem>>, vector<16xf32>,
    tpu.vector_store_idx %arg7[%add3A_433], %get3A_437 : memref<1440xf32, #tpu.memory_space<vmem>>[vector<16xi32>], vector<16xf32>,
    %add3A_438 = arith.constant 1247 : i32
    %add3A_439 = vector.broadcast %add3A_438 : i32 to vector<16xi32>
    %add3A_440 = arith.addi %iota3A, %add3A_439 : vector<16xi32>
    %get3A_441 = arith.constant 15 : i32
    %get3A_442 = arith.index_cast %get3A_441 : i32 to index
    %get3A_443 = arith.constant 32 : index
    %get3A_444 = tpu.vector_load %arg6[%get3A_442, %get3A_443] {strides = array<i32>} : memref<18x64xf32, #tpu.memory_space<vmem>>, vector<16xf32>,
    tpu.vector_store_idx %arg7[%add3A_440], %get3A_444 : memref<1440xf32, #tpu.memory_space<vmem>>[vector<16xi32>], vector<16xf32>,
    %add3A_445 = arith.constant 1263 : i32
    %add3A_446 = vector.broadcast %add3A_445 : i32 to vector<16xi32>
    %add3A_447 = arith.addi %iota3A, %add3A_446 : vector<16xi32>
    %get3A_448 = arith.constant 15 : i32
    %get3A_449 = arith.index_cast %get3A_448 : i32 to index
    %get3A_450 = arith.constant 48 : index
    %get3A_451 = tpu.vector_load %arg6[%get3A_449, %get3A_450] {strides = array<i32>} : memref<18x64xf32, #tpu.memory_space<vmem>>, vector<16xf32>,
    tpu.vector_store_idx %arg7[%add3A_447], %get3A_451 : memref<1440xf32, #tpu.memory_space<vmem>>[vector<16xi32>], vector<16xf32>,
    %add3A_452 = arith.constant 1280 : i32
    %add3A_453 = vector.broadcast %add3A_452 : i32 to vector<16xi32>
    %add3A_454 = arith.addi %iota3A, %add3A_453 : vector<16xi32>
    %get3A_455 = arith.constant 16 : i32
    %get3A_456 = arith.index_cast %get3A_455 : i32 to index
    %get3A_457 = arith.constant 0 : index
    %get3A_458 = tpu.vector_load %arg6[%get3A_456, %get3A_457] {strides = array<i32>} : memref<18x64xf32, #tpu.memory_space<vmem>>, vector<16xf32>,
    tpu.vector_store_idx %arg7[%add3A_454], %get3A_458 : memref<1440xf32, #tpu.memory_space<vmem>>[vector<16xi32>], vector<16xf32>,
    %add3A_459 = arith.constant 1296 : i32
    %add3A_460 = vector.broadcast %add3A_459 : i32 to vector<16xi32>
    %add3A_461 = arith.addi %iota3A, %add3A_460 : vector<16xi32>
    %get3A_462 = arith.constant 16 : i32
    %get3A_463 = arith.index_cast %get3A_462 : i32 to index
    %get3A_464 = arith.constant 16 : index
    %get3A_465 = tpu.vector_load %arg6[%get3A_463, %get3A_464] {strides = array<i32>} : memref<18x64xf32, #tpu.memory_space<vmem>>, vector<16xf32>,
    tpu.vector_store_idx %arg7[%add3A_461], %get3A_465 : memref<1440xf32, #tpu.memory_space<vmem>>[vector<16xi32>], vector<16xf32>,
    %add3A_466 = arith.constant 1312 : i32
    %add3A_467 = vector.broadcast %add3A_466 : i32 to vector<16xi32>
    %add3A_468 = arith.addi %iota3A, %add3A_467 : vector<16xi32>
    %get3A_469 = arith.constant 16 : i32
    %get3A_470 = arith.index_cast %get3A_469 : i32 to index
    %get3A_471 = arith.constant 32 : index
    %get3A_472 = tpu.vector_load %arg6[%get3A_470, %get3A_471] {strides = array<i32>} : memref<18x64xf32, #tpu.memory_space<vmem>>, vector<16xf32>,
    tpu.vector_store_idx %arg7[%add3A_468], %get3A_472 : memref<1440xf32, #tpu.memory_space<vmem>>[vector<16xi32>], vector<16xf32>,
    %add3A_473 = arith.constant 1328 : i32
    %add3A_474 = vector.broadcast %add3A_473 : i32 to vector<16xi32>
    %add3A_475 = arith.addi %iota3A, %add3A_474 : vector<16xi32>
    %get3A_476 = arith.constant 16 : i32
    %get3A_477 = arith.index_cast %get3A_476 : i32 to index
    %get3A_478 = arith.constant 48 : index
    %get3A_479 = tpu.vector_load %arg6[%get3A_477, %get3A_478] {strides = array<i32>} : memref<18x64xf32, #tpu.memory_space<vmem>>, vector<16xf32>,
    tpu.vector_store_idx %arg7[%add3A_475], %get3A_479 : memref<1440xf32, #tpu.memory_space<vmem>>[vector<16xi32>], vector<16xf32>,
    %add3A_480 = arith.constant 1361 : i32
    %add3A_481 = vector.broadcast %add3A_480 : i32 to vector<16xi32>
    %add3A_482 = arith.addi %iota3A, %add3A_481 : vector<16xi32>
    %get3A_483 = arith.constant 17 : i32
    %get3A_484 = arith.index_cast %get3A_483 : i32 to index
    %get3A_485 = arith.constant 0 : index
    %get3A_486 = tpu.vector_load %arg6[%get3A_484, %get3A_485] {strides = array<i32>} : memref<18x64xf32, #tpu.memory_space<vmem>>, vector<16xf32>,
    tpu.vector_store_idx %arg7[%add3A_482], %get3A_486 : memref<1440xf32, #tpu.memory_space<vmem>>[vector<16xi32>], vector<16xf32>,
    %add3A_487 = arith.constant 1377 : i32
    %add3A_488 = vector.broadcast %add3A_487 : i32 to vector<16xi32>
    %add3A_489 = arith.addi %iota3A, %add3A_488 : vector<16xi32>
    %get3A_490 = arith.constant 17 : i32
    %get3A_491 = arith.index_cast %get3A_490 : i32 to index
    %get3A_492 = arith.constant 16 : index
    %get3A_493 = tpu.vector_load %arg6[%get3A_491, %get3A_492] {strides = array<i32>} : memref<18x64xf32, #tpu.memory_space<vmem>>, vector<16xf32>,
    tpu.vector_store_idx %arg7[%add3A_489], %get3A_493 : memref<1440xf32, #tpu.memory_space<vmem>>[vector<16xi32>], vector<16xf32>,
    %add3A_494 = arith.constant 1393 : i32
    %add3A_495 = vector.broadcast %add3A_494 : i32 to vector<16xi32>
    %add3A_496 = arith.addi %iota3A, %add3A_495 : vector<16xi32>
    %get3A_497 = arith.constant 17 : i32
    %get3A_498 = arith.index_cast %get3A_497 : i32 to index
    %get3A_499 = arith.constant 32 : index
    %get3A_500 = tpu.vector_load %arg6[%get3A_498, %get3A_499] {strides = array<i32>} : memref<18x64xf32, #tpu.memory_space<vmem>>, vector<16xf32>,
    tpu.vector_store_idx %arg7[%add3A_496], %get3A_500 : memref<1440xf32, #tpu.memory_space<vmem>>[vector<16xi32>], vector<16xf32>,
    %add3A_501 = arith.constant 1409 : i32
    %add3A_502 = vector.broadcast %add3A_501 : i32 to vector<16xi32>
    %add3A_503 = arith.addi %iota3A, %add3A_502 : vector<16xi32>
    %get3A_504 = arith.constant 17 : i32
    %get3A_505 = arith.index_cast %get3A_504 : i32 to index
    %get3A_506 = arith.constant 48 : index
    %get3A_507 = tpu.vector_load %arg6[%get3A_505, %get3A_506] {strides = array<i32>} : memref<18x64xf32, #tpu.memory_space<vmem>>, vector<16xf32>,
    tpu.vector_store_idx %arg7[%add3A_503], %get3A_507 : memref<1440xf32, #tpu.memory_space<vmem>>[vector<16xi32>], vector<16xf32>,
    "tpu.region"() ({
      %run_scoped3A = tpu.sem_alloc : memref<!tpu.dma_semaphore, #tpu.memory_space<semaphore_mem>>
      %dma_start3A_633 = arith.constant 0 : i32
      %dma_start3A_634 = tpu.memref_slice %arg3[%dma_start3A_633, %mul3A_4] : memref<50x16384xi32, #tpu.memory_space<hbm>> -> memref<50x512xi32, #tpu.memory_space<hbm>>
      %dma_start3A_635 = arith.constant 0 : i32
      %dma_start3A_636 = tpu.memref_slice %arg3[%dma_start3A_635, %mul3A_4] : memref<50x16384xi32, #tpu.memory_space<hbm>> -> memref<50x512xi32, #tpu.memory_space<hbm>>
      tpu.enqueue_dma source(%dma_start3A_636 : memref<50x512xi32, #tpu.memory_space<hbm>>) target(%arg5 : memref<50x512xi32, #tpu.memory_space<vmem>>) target_semaphore(%run_scoped3A : memref<!tpu.dma_semaphore, #tpu.memory_space<semaphore_mem>>)
      %dma_wait3A_637 = arith.constant 0 : i32
      %dma_wait3A_638 = tpu.memref_slice %arg3[%dma_wait3A_637, %mul3A_4] : memref<50x16384xi32, #tpu.memory_space<hbm>> -> memref<50x512xi32, #tpu.memory_space<hbm>>
      %dma_wait3A_639 = arith.constant 0 : i32
      %dma_wait3A_640 = tpu.memref_slice %arg3[%dma_wait3A_639, %mul3A_4] : memref<50x16384xi32, #tpu.memory_space<hbm>> -> memref<50x512xi32, #tpu.memory_space<hbm>>
      tpu.wait_dma2 semaphore(%run_scoped3A : memref<!tpu.dma_semaphore, #tpu.memory_space<semaphore_mem>>) src(%dma_wait3A_640 : memref<50x512xi32, #tpu.memory_space<hbm>>) dst(%arg5 : memref<50x512xi32, #tpu.memory_space<vmem>>)
      tpu.yield
    }) : () -> ()
    %scan3A = arith.constant 0 : i32
    %scan3A_508 = arith.constant 0 : i32
    %scan3A_509 = arith.constant 0 : i32
    %scan3A_510 = arith.constant 4 : i32
    %scan3A_511 = arith.addi %scan3A_509, %scan3A_510 : i32
    %scan3A_512 = arith.constant 1 : i32
    scf.for %scan3A_633 = %scan3A_509 to %scan3A_511 step %scan3A_512  : i32 {
      %scan3A_634 = arith.constant 0 : i32
      %scan3A_635 = arith.constant 8 : i32
      %scan3A_636 = arith.addi %scan3A_634, %scan3A_635 : i32
      %scan3A_637 = arith.constant 1 : i32
      scf.for %scan3A_639 = %scan3A_634 to %scan3A_636 step %scan3A_637  : i32 {
        %mul3A_640 = arith.constant 128 : i32
        %mul3A_641 = arith.muli %scan3A_633, %mul3A_640 : i32
        %mul3A_642 = arith.constant 16 : i32
        %mul3A_643 = arith.muli %scan3A_639, %mul3A_642 : i32
        %add3A_644 = arith.addi %mul3A_641, %mul3A_643 : i32
        %get3A_645 = arith.constant 0 : i32
        %get3A_646 = arith.index_cast %get3A_645 : i32 to index
        %get3A_647 = arith.index_cast %add3A_644 : i32 to index
        %get3A_648 = tpu.vector_load %arg5[%get3A_646, %get3A_647] {strides = array<i32>} : memref<50x512xi32, #tpu.memory_space<vmem>>, vector<16xi32>,
        %mul3A_649 = arith.constant 80 : i32
        %mul3A_650 = vector.broadcast %mul3A_649 : i32 to vector<16xi32>
        %mul3A_651 = arith.muli %get3A_648, %mul3A_650 : vector<16xi32>
        %and3A = arith.constant 15 : i32
        %and3A_652 = vector.broadcast %and3A : i32 to vector<16xi32>
        %and3A_653 = arith.andi %get3A_648, %and3A_652 : vector<16xi32>
        %add3A_654 = arith.addi %mul3A_651, %and3A_653 : vector<16xi32>
        %parallel_loop3A = arith.constant 0 : i32
        %parallel_loop3A_655 = arith.constant 64 : i32
        %parallel_loop3A_656 = arith.constant 1 : i32
        scf.for %parallel_loop3A_657 = %parallel_loop3A to %parallel_loop3A_655 step %parallel_loop3A_656  : i32 {
          %parallel_loop3A_658 = vector.broadcast %parallel_loop3A_657 : i32 to vector<16xi32>
          %parallel_loop3A_659 = arith.addi %add3A_654, %parallel_loop3A_658 : vector<16xi32>
          %parallel_loop3A_660 = tpu.vector_load_idx %arg7[%parallel_loop3A_659] : memref<1440xf32, #tpu.memory_space<vmem>>[vector<16xi32>], vector<16xf32>,
          %parallel_loop3A_661 = arith.constant 3 : i32
          %parallel_loop3A_662 = arith.shrsi %parallel_loop3A_657, %parallel_loop3A_661 : i32
          %parallel_loop3A_663 = arith.constant 7 : i32
          %parallel_loop3A_664 = arith.andi %parallel_loop3A_657, %parallel_loop3A_663 : i32
          %parallel_loop3A_665 = arith.constant 16 : i32
          %parallel_loop3A_666 = arith.muli %scan3A_639, %parallel_loop3A_665 : i32
          %parallel_loop3A_667 = arith.constant 0 : i32
          %parallel_loop3A_668 = arith.constant 0 : i32
          %parallel_loop3A_669 = arith.constant 0 : i32
          %parallel_loop3A_670 = arith.constant 0 : i32
          %parallel_loop3A_671 = tpu.memref_slice %arg8[%scan3A_508, %parallel_loop3A_667, %parallel_loop3A_668, %parallel_loop3A_669, %parallel_loop3A_670] : memref<2x8x4x8x128xf32, #tpu.memory_space<vmem>> -> memref<1x8x4x8x128xf32, #tpu.memory_space<vmem>>
          %parallel_loop3A_672 = tpu.memref_squeeze %parallel_loop3A_671 : memref<1x8x4x8x128xf32, #tpu.memory_space<vmem>> -> memref<8x4x8x128xf32, #tpu.memory_space<vmem>>
          %parallel_loop3A_673 = arith.index_cast %parallel_loop3A_662 : i32 to index
          %parallel_loop3A_674 = arith.index_cast %scan3A_633 : i32 to index
          %parallel_loop3A_675 = arith.index_cast %parallel_loop3A_664 : i32 to index
          %parallel_loop3A_676 = arith.index_cast %parallel_loop3A_666 : i32 to index
          %parallel_loop3A_677 = tpu.vector_load %parallel_loop3A_672[%parallel_loop3A_673, %parallel_loop3A_674, %parallel_loop3A_675, %parallel_loop3A_676] {strides = array<i32>} : memref<8x4x8x128xf32, #tpu.memory_space<vmem>>, vector<16xf32>,
          tpu.vector_store %parallel_loop3A_672[%parallel_loop3A_673, %parallel_loop3A_674, %parallel_loop3A_675, %parallel_loop3A_676], %parallel_loop3A_660 {strides = array<i32>} : memref<8x4x8x128xf32, #tpu.memory_space<vmem>>, vector<16xf32>,
        } {sc.loop_unroll_factor = 8 : i64, sc.parallel_access}
      }
      %scan3A_638 = arith.constant 8 : i32
    }
    %scan3A_513 = arith.constant 4 : i32
    %dma_start3A = arith.constant 0 : i32
    %dma_start3A_514 = arith.constant 0 : i32
    %dma_start3A_515 = arith.constant 0 : i32
    %dma_start3A_516 = arith.constant 0 : i32
    %dma_start3A_517 = arith.constant 0 : i32
    %dma_start3A_518 = arith.constant 0 : i32
    %dma_start3A_519 = arith.constant 0 : i32
    %dma_start3A_520 = tpu.memref_slice %arg8[%dma_start3A, %dma_start3A_516, %dma_start3A_517, %dma_start3A_518, %dma_start3A_519] : memref<2x8x4x8x128xf32, #tpu.memory_space<vmem>> -> memref<1x8x4x8x128xf32, #tpu.memory_space<vmem>>
    %dma_start3A_521 = tpu.memref_squeeze %dma_start3A_520 : memref<1x8x4x8x128xf32, #tpu.memory_space<vmem>> -> memref<8x4x8x128xf32, #tpu.memory_space<vmem>>
    %dma_start3A_522 = arith.constant 0 : i32
    %dma_start3A_523 = arith.constant 0 : i32
    %dma_start3A_524 = arith.constant 0 : i32
    %dma_start3A_525 = tpu.memref_slice %arg4[%dma_start3A_514, %dma_start3A_522, %mul3A_2, %dma_start3A_523, %dma_start3A_524] : memref<50x8x128x8x128xf32, #tpu.memory_space<hbm>> -> memref<1x8x4x8x128xf32, #tpu.memory_space<hbm>>
    %dma_start3A_526 = tpu.memref_squeeze %dma_start3A_525 : memref<1x8x4x8x128xf32, #tpu.memory_space<hbm>> -> memref<8x4x8x128xf32, #tpu.memory_space<hbm>>
    %dma_start3A_527 = tpu.memref_slice %arg9[%dma_start3A_515] : memref<2x!tpu.dma_semaphore, #tpu.memory_space<semaphore_mem>> -> memref<1x!tpu.dma_semaphore, #tpu.memory_space<semaphore_mem>>
    %dma_start3A_528 = tpu.memref_squeeze %dma_start3A_527 : memref<1x!tpu.dma_semaphore, #tpu.memory_space<semaphore_mem>> -> memref<!tpu.dma_semaphore, #tpu.memory_space<semaphore_mem>>
    %dma_start3A_529 = arith.constant 0 : i32
    %dma_start3A_530 = arith.constant 0 : i32
    %dma_start3A_531 = arith.constant 0 : i32
    %dma_start3A_532 = tpu.memref_slice %arg4[%dma_start3A_514, %dma_start3A_529, %mul3A_2, %dma_start3A_530, %dma_start3A_531] : memref<50x8x128x8x128xf32, #tpu.memory_space<hbm>> -> memref<1x8x4x8x128xf32, #tpu.memory_space<hbm>>
    %dma_start3A_533 = tpu.memref_squeeze %dma_start3A_532 : memref<1x8x4x8x128xf32, #tpu.memory_space<hbm>> -> memref<8x4x8x128xf32, #tpu.memory_space<hbm>>
    %dma_start3A_534 = arith.constant 0 : i32
    %dma_start3A_535 = arith.constant 0 : i32
    %dma_start3A_536 = arith.constant 0 : i32
    %dma_start3A_537 = arith.constant 0 : i32
    %dma_start3A_538 = tpu.memref_slice %arg8[%dma_start3A, %dma_start3A_534, %dma_start3A_535, %dma_start3A_536, %dma_start3A_537] : memref<2x8x4x8x128xf32, #tpu.memory_space<vmem>> -> memref<1x8x4x8x128xf32, #tpu.memory_space<vmem>>
    %dma_start3A_539 = tpu.memref_squeeze %dma_start3A_538 : memref<1x8x4x8x128xf32, #tpu.memory_space<vmem>> -> memref<8x4x8x128xf32, #tpu.memory_space<vmem>>
    tpu.enqueue_dma source(%dma_start3A_539 : memref<8x4x8x128xf32, #tpu.memory_space<vmem>>) target(%dma_start3A_533 : memref<8x4x8x128xf32, #tpu.memory_space<hbm>>) target_semaphore(%dma_start3A_528 : memref<!tpu.dma_semaphore, #tpu.memory_space<semaphore_mem>>)
    %scan3A_540 = arith.constant 0 : i32
    %scan3A_541 = arith.constant 1 : i32
    %scan3A_542 = arith.constant 0 : i32
    %scan3A_543 = arith.constant 4 : i32
    %scan3A_544 = arith.addi %scan3A_542, %scan3A_543 : i32
    %scan3A_545 = arith.constant 1 : i32
    scf.for %scan3A_633 = %scan3A_542 to %scan3A_544 step %scan3A_545  : i32 {
      %scan3A_634 = arith.constant 0 : i32
      %scan3A_635 = arith.constant 8 : i32
      %scan3A_636 = arith.addi %scan3A_634, %scan3A_635 : i32
      %scan3A_637 = arith.constant 1 : i32
      scf.for %scan3A_639 = %scan3A_634 to %scan3A_636 step %scan3A_637  : i32 {
        %mul3A_640 = arith.constant 128 : i32
        %mul3A_641 = arith.muli %scan3A_633, %mul3A_640 : i32
        %mul3A_642 = arith.constant 16 : i32
        %mul3A_643 = arith.muli %scan3A_639, %mul3A_642 : i32
        %add3A_644 = arith.addi %mul3A_641, %mul3A_643 : i32
        %get3A_645 = arith.constant 1 : i32
        %get3A_646 = arith.index_cast %get3A_645 : i32 to index
        %get3A_647 = arith.index_cast %add3A_644 : i32 to index
        %get3A_648 = tpu.vector_load %arg5[%get3A_646, %get3A_647] {strides = array<i32>} : memref<50x512xi32, #tpu.memory_space<vmem>>, vector<16xi32>,
        %mul3A_649 = arith.constant 80 : i32
        %mul3A_650 = vector.broadcast %mul3A_649 : i32 to vector<16xi32>
        %mul3A_651 = arith.muli %get3A_648, %mul3A_650 : vector<16xi32>
        %and3A = arith.constant 15 : i32
        %and3A_652 = vector.broadcast %and3A : i32 to vector<16xi32>
        %and3A_653 = arith.andi %get3A_648, %and3A_652 : vector<16xi32>
        %add3A_654 = arith.addi %mul3A_651, %and3A_653 : vector<16xi32>
        %parallel_loop3A = arith.constant 0 : i32
        %parallel_loop3A_655 = arith.constant 64 : i32
        %parallel_loop3A_656 = arith.constant 1 : i32
        scf.for %parallel_loop3A_657 = %parallel_loop3A to %parallel_loop3A_655 step %parallel_loop3A_656  : i32 {
          %parallel_loop3A_658 = vector.broadcast %parallel_loop3A_657 : i32 to vector<16xi32>
          %parallel_loop3A_659 = arith.addi %add3A_654, %parallel_loop3A_658 : vector<16xi32>
          %parallel_loop3A_660 = tpu.vector_load_idx %arg7[%parallel_loop3A_659] : memref<1440xf32, #tpu.memory_space<vmem>>[vector<16xi32>], vector<16xf32>,
          %parallel_loop3A_661 = arith.constant 3 : i32
          %parallel_loop3A_662 = arith.shrsi %parallel_loop3A_657, %parallel_loop3A_661 : i32
          %parallel_loop3A_663 = arith.constant 7 : i32
          %parallel_loop3A_664 = arith.andi %parallel_loop3A_657, %parallel_loop3A_663 : i32
          %parallel_loop3A_665 = arith.constant 16 : i32
          %parallel_loop3A_666 = arith.muli %scan3A_639, %parallel_loop3A_665 : i32
          %parallel_loop3A_667 = arith.constant 0 : i32
          %parallel_loop3A_668 = arith.constant 0 : i32
          %parallel_loop3A_669 = arith.constant 0 : i32
          %parallel_loop3A_670 = arith.constant 0 : i32
          %parallel_loop3A_671 = tpu.memref_slice %arg8[%scan3A_541, %parallel_loop3A_667, %parallel_loop3A_668, %parallel_loop3A_669, %parallel_loop3A_670] : memref<2x8x4x8x128xf32, #tpu.memory_space<vmem>> -> memref<1x8x4x8x128xf32, #tpu.memory_space<vmem>>
          %parallel_loop3A_672 = tpu.memref_squeeze %parallel_loop3A_671 : memref<1x8x4x8x128xf32, #tpu.memory_space<vmem>> -> memref<8x4x8x128xf32, #tpu.memory_space<vmem>>
          %parallel_loop3A_673 = arith.index_cast %parallel_loop3A_662 : i32 to index
          %parallel_loop3A_674 = arith.index_cast %scan3A_633 : i32 to index
          %parallel_loop3A_675 = arith.index_cast %parallel_loop3A_664 : i32 to index
          %parallel_loop3A_676 = arith.index_cast %parallel_loop3A_666 : i32 to index
          %parallel_loop3A_677 = tpu.vector_load %parallel_loop3A_672[%parallel_loop3A_673, %parallel_loop3A_674, %parallel_loop3A_675, %parallel_loop3A_676] {strides = array<i32>} : memref<8x4x8x128xf32, #tpu.memory_space<vmem>>, vector<16xf32>,
          tpu.vector_store %parallel_loop3A_672[%parallel_loop3A_673, %parallel_loop3A_674, %parallel_loop3A_675, %parallel_loop3A_676], %parallel_loop3A_660 {strides = array<i32>} : memref<8x4x8x128xf32, #tpu.memory_space<vmem>>, vector<16xf32>,
        } {sc.loop_unroll_factor = 8 : i64, sc.parallel_access}
      }
      %scan3A_638 = arith.constant 8 : i32
    }
    %scan3A_546 = arith.constant 4 : i32
    %dma_start3A_547 = arith.constant 1 : i32
    %dma_start3A_548 = arith.constant 1 : i32
    %dma_start3A_549 = arith.constant 1 : i32
    %dma_start3A_550 = arith.constant 0 : i32
    %dma_start3A_551 = arith.constant 0 : i32
    %dma_start3A_552 = arith.constant 0 : i32
    %dma_start3A_553 = arith.constant 0 : i32
    %dma_start3A_554 = tpu.memref_slice %arg8[%dma_start3A_547, %dma_start3A_550, %dma_start3A_551, %dma_start3A_552, %dma_start3A_553] : memref<2x8x4x8x128xf32, #tpu.memory_space<vmem>> -> memref<1x8x4x8x128xf32, #tpu.memory_space<vmem>>
    %dma_start3A_555 = tpu.memref_squeeze %dma_start3A_554 : memref<1x8x4x8x128xf32, #tpu.memory_space<vmem>> -> memref<8x4x8x128xf32, #tpu.memory_space<vmem>>
    %dma_start3A_556 = arith.constant 0 : i32
    %dma_start3A_557 = arith.constant 0 : i32
    %dma_start3A_558 = arith.constant 0 : i32
    %dma_start3A_559 = tpu.memref_slice %arg4[%dma_start3A_548, %dma_start3A_556, %mul3A_2, %dma_start3A_557, %dma_start3A_558] : memref<50x8x128x8x128xf32, #tpu.memory_space<hbm>> -> memref<1x8x4x8x128xf32, #tpu.memory_space<hbm>>
    %dma_start3A_560 = tpu.memref_squeeze %dma_start3A_559 : memref<1x8x4x8x128xf32, #tpu.memory_space<hbm>> -> memref<8x4x8x128xf32, #tpu.memory_space<hbm>>
    %dma_start3A_561 = tpu.memref_slice %arg9[%dma_start3A_549] : memref<2x!tpu.dma_semaphore, #tpu.memory_space<semaphore_mem>> -> memref<1x!tpu.dma_semaphore, #tpu.memory_space<semaphore_mem>>
    %dma_start3A_562 = tpu.memref_squeeze %dma_start3A_561 : memref<1x!tpu.dma_semaphore, #tpu.memory_space<semaphore_mem>> -> memref<!tpu.dma_semaphore, #tpu.memory_space<semaphore_mem>>
    %dma_start3A_563 = arith.constant 0 : i32
    %dma_start3A_564 = arith.constant 0 : i32
    %dma_start3A_565 = arith.constant 0 : i32
    %dma_start3A_566 = tpu.memref_slice %arg4[%dma_start3A_548, %dma_start3A_563, %mul3A_2, %dma_start3A_564, %dma_start3A_565] : memref<50x8x128x8x128xf32, #tpu.memory_space<hbm>> -> memref<1x8x4x8x128xf32, #tpu.memory_space<hbm>>
    %dma_start3A_567 = tpu.memref_squeeze %dma_start3A_566 : memref<1x8x4x8x128xf32, #tpu.memory_space<hbm>> -> memref<8x4x8x128xf32, #tpu.memory_space<hbm>>
    %dma_start3A_568 = arith.constant 0 : i32
    %dma_start3A_569 = arith.constant 0 : i32
    %dma_start3A_570 = arith.constant 0 : i32
    %dma_start3A_571 = arith.constant 0 : i32
    %dma_start3A_572 = tpu.memref_slice %arg8[%dma_start3A_547, %dma_start3A_568, %dma_start3A_569, %dma_start3A_570, %dma_start3A_571] : memref<2x8x4x8x128xf32, #tpu.memory_space<vmem>> -> memref<1x8x4x8x128xf32, #tpu.memory_space<vmem>>
    %dma_start3A_573 = tpu.memref_squeeze %dma_start3A_572 : memref<1x8x4x8x128xf32, #tpu.memory_space<vmem>> -> memref<8x4x8x128xf32, #tpu.memory_space<vmem>>
    tpu.enqueue_dma source(%dma_start3A_573 : memref<8x4x8x128xf32, #tpu.memory_space<vmem>>) target(%dma_start3A_567 : memref<8x4x8x128xf32, #tpu.memory_space<hbm>>) target_semaphore(%dma_start3A_562 : memref<!tpu.dma_semaphore, #tpu.memory_space<semaphore_mem>>)
    %scan3A_574 = arith.constant 0 : i32
    %scan3A_575 = arith.constant 1 : i32
    %scan3A_576 = arith.constant 24 : i32
    %scan3A_577 = arith.addi %scan3A_575, %scan3A_576 : i32
    %scan3A_578 = arith.constant 1 : i32
    scf.for %scan3A_633 = %scan3A_575 to %scan3A_577 step %scan3A_578  : i32 {
      %mul3A_634 = arith.constant 2 : i32
      %mul3A_635 = arith.muli %scan3A_633, %mul3A_634 : i32
      %add3A_636 = arith.constant 0 : i32
      %add3A_637 = arith.addi %mul3A_635, %add3A_636 : i32
      %dma_wait3A_638 = arith.constant 0 : i32
      %dma_wait3A_639 = arith.constant 0 : i32
      %dma_wait3A_640 = arith.constant 0 : i32
      %dma_wait3A_641 = arith.constant 0 : i32
      %dma_wait3A_642 = arith.constant 0 : i32
      %dma_wait3A_643 = arith.constant 0 : i32
      %dma_wait3A_644 = arith.constant 0 : i32
      %dma_wait3A_645 = tpu.memref_slice %arg8[%dma_wait3A_638, %dma_wait3A_641, %dma_wait3A_642, %dma_wait3A_643, %dma_wait3A_644] : memref<2x8x4x8x128xf32, #tpu.memory_space<vmem>> -> memref<1x8x4x8x128xf32, #tpu.memory_space<vmem>>
      %dma_wait3A_646 = tpu.memref_squeeze %dma_wait3A_645 : memref<1x8x4x8x128xf32, #tpu.memory_space<vmem>> -> memref<8x4x8x128xf32, #tpu.memory_space<vmem>>
      %dma_wait3A_647 = arith.constant 0 : i32
      %dma_wait3A_648 = arith.constant 0 : i32
      %dma_wait3A_649 = arith.constant 0 : i32
      %dma_wait3A_650 = tpu.memref_slice %arg4[%dma_wait3A_639, %dma_wait3A_647, %mul3A_2, %dma_wait3A_648, %dma_wait3A_649] : memref<50x8x128x8x128xf32, #tpu.memory_space<hbm>> -> memref<1x8x4x8x128xf32, #tpu.memory_space<hbm>>
      %dma_wait3A_651 = tpu.memref_squeeze %dma_wait3A_650 : memref<1x8x4x8x128xf32, #tpu.memory_space<hbm>> -> memref<8x4x8x128xf32, #tpu.memory_space<hbm>>
      %dma_wait3A_652 = tpu.memref_slice %arg9[%dma_wait3A_640] : memref<2x!tpu.dma_semaphore, #tpu.memory_space<semaphore_mem>> -> memref<1x!tpu.dma_semaphore, #tpu.memory_space<semaphore_mem>>
      %dma_wait3A_653 = tpu.memref_squeeze %dma_wait3A_652 : memref<1x!tpu.dma_semaphore, #tpu.memory_space<semaphore_mem>> -> memref<!tpu.dma_semaphore, #tpu.memory_space<semaphore_mem>>
      %dma_wait3A_654 = arith.constant 0 : i32
      %dma_wait3A_655 = arith.constant 0 : i32
      %dma_wait3A_656 = arith.constant 0 : i32
      %dma_wait3A_657 = tpu.memref_slice %arg4[%dma_wait3A_639, %dma_wait3A_654, %mul3A_2, %dma_wait3A_655, %dma_wait3A_656] : memref<50x8x128x8x128xf32, #tpu.memory_space<hbm>> -> memref<1x8x4x8x128xf32, #tpu.memory_space<hbm>>
      %dma_wait3A_658 = tpu.memref_squeeze %dma_wait3A_657 : memref<1x8x4x8x128xf32, #tpu.memory_space<hbm>> -> memref<8x4x8x128xf32, #tpu.memory_space<hbm>>
      %dma_wait3A_659 = arith.constant 0 : i32
      %dma_wait3A_660 = arith.constant 0 : i32
      %dma_wait3A_661 = arith.constant 0 : i32
      %dma_wait3A_662 = arith.constant 0 : i32
      %dma_wait3A_663 = tpu.memref_slice %arg8[%dma_wait3A_638, %dma_wait3A_659, %dma_wait3A_660, %dma_wait3A_661, %dma_wait3A_662] : memref<2x8x4x8x128xf32, #tpu.memory_space<vmem>> -> memref<1x8x4x8x128xf32, #tpu.memory_space<vmem>>
      %dma_wait3A_664 = tpu.memref_squeeze %dma_wait3A_663 : memref<1x8x4x8x128xf32, #tpu.memory_space<vmem>> -> memref<8x4x8x128xf32, #tpu.memory_space<vmem>>
      tpu.wait_dma2 semaphore(%dma_wait3A_653 : memref<!tpu.dma_semaphore, #tpu.memory_space<semaphore_mem>>) src(%dma_wait3A_664 : memref<8x4x8x128xf32, #tpu.memory_space<vmem>>) dst(%dma_wait3A_658 : memref<8x4x8x128xf32, #tpu.memory_space<hbm>>)
      %scan3A_665 = arith.constant 0 : i32
      %scan3A_666 = arith.constant 0 : i32
      %scan3A_667 = arith.constant 0 : i32
      %scan3A_668 = arith.constant 4 : i32
      %scan3A_669 = arith.addi %scan3A_667, %scan3A_668 : i32
      %scan3A_670 = arith.constant 1 : i32
      scf.for %scan3A_762 = %scan3A_667 to %scan3A_669 step %scan3A_670  : i32 {
        %scan3A_763 = arith.constant 0 : i32
        %scan3A_764 = arith.constant 8 : i32
        %scan3A_765 = arith.addi %scan3A_763, %scan3A_764 : i32
        %scan3A_766 = arith.constant 1 : i32
        scf.for %scan3A_768 = %scan3A_763 to %scan3A_765 step %scan3A_766  : i32 {
          %mul3A_769 = arith.constant 128 : i32
          %mul3A_770 = arith.muli %scan3A_762, %mul3A_769 : i32
          %mul3A_771 = arith.constant 16 : i32
          %mul3A_772 = arith.muli %scan3A_768, %mul3A_771 : i32
          %add3A_773 = arith.addi %mul3A_770, %mul3A_772 : i32
          %get3A_774 = arith.index_cast %add3A_637 : i32 to index
          %get3A_775 = arith.index_cast %add3A_773 : i32 to index
          %get3A_776 = tpu.vector_load %arg5[%get3A_774, %get3A_775] {strides = array<i32>} : memref<50x512xi32, #tpu.memory_space<vmem>>, vector<16xi32>,
          %mul3A_777 = arith.constant 80 : i32
          %mul3A_778 = vector.broadcast %mul3A_777 : i32 to vector<16xi32>
          %mul3A_779 = arith.muli %get3A_776, %mul3A_778 : vector<16xi32>
          %and3A = arith.constant 15 : i32
          %and3A_780 = vector.broadcast %and3A : i32 to vector<16xi32>
          %and3A_781 = arith.andi %get3A_776, %and3A_780 : vector<16xi32>
          %add3A_782 = arith.addi %mul3A_779, %and3A_781 : vector<16xi32>
          %parallel_loop3A = arith.constant 0 : i32
          %parallel_loop3A_783 = arith.constant 64 : i32
          %parallel_loop3A_784 = arith.constant 1 : i32
          scf.for %parallel_loop3A_785 = %parallel_loop3A to %parallel_loop3A_783 step %parallel_loop3A_784  : i32 {
            %parallel_loop3A_786 = vector.broadcast %parallel_loop3A_785 : i32 to vector<16xi32>
            %parallel_loop3A_787 = arith.addi %add3A_782, %parallel_loop3A_786 : vector<16xi32>
            %parallel_loop3A_788 = tpu.vector_load_idx %arg7[%parallel_loop3A_787] : memref<1440xf32, #tpu.memory_space<vmem>>[vector<16xi32>], vector<16xf32>,
            %parallel_loop3A_789 = arith.constant 3 : i32
            %parallel_loop3A_790 = arith.shrsi %parallel_loop3A_785, %parallel_loop3A_789 : i32
            %parallel_loop3A_791 = arith.constant 7 : i32
            %parallel_loop3A_792 = arith.andi %parallel_loop3A_785, %parallel_loop3A_791 : i32
            %parallel_loop3A_793 = arith.constant 16 : i32
            %parallel_loop3A_794 = arith.muli %scan3A_768, %parallel_loop3A_793 : i32
            %parallel_loop3A_795 = arith.constant 0 : i32
            %parallel_loop3A_796 = arith.constant 0 : i32
            %parallel_loop3A_797 = arith.constant 0 : i32
            %parallel_loop3A_798 = arith.constant 0 : i32
            %parallel_loop3A_799 = tpu.memref_slice %arg8[%scan3A_666, %parallel_loop3A_795, %parallel_loop3A_796, %parallel_loop3A_797, %parallel_loop3A_798] : memref<2x8x4x8x128xf32, #tpu.memory_space<vmem>> -> memref<1x8x4x8x128xf32, #tpu.memory_space<vmem>>
            %parallel_loop3A_800 = tpu.memref_squeeze %parallel_loop3A_799 : memref<1x8x4x8x128xf32, #tpu.memory_space<vmem>> -> memref<8x4x8x128xf32, #tpu.memory_space<vmem>>
            %parallel_loop3A_801 = arith.index_cast %parallel_loop3A_790 : i32 to index
            %parallel_loop3A_802 = arith.index_cast %scan3A_762 : i32 to index
            %parallel_loop3A_803 = arith.index_cast %parallel_loop3A_792 : i32 to index
            %parallel_loop3A_804 = arith.index_cast %parallel_loop3A_794 : i32 to index
            %parallel_loop3A_805 = tpu.vector_load %parallel_loop3A_800[%parallel_loop3A_801, %parallel_loop3A_802, %parallel_loop3A_803, %parallel_loop3A_804] {strides = array<i32>} : memref<8x4x8x128xf32, #tpu.memory_space<vmem>>, vector<16xf32>,
            tpu.vector_store %parallel_loop3A_800[%parallel_loop3A_801, %parallel_loop3A_802, %parallel_loop3A_803, %parallel_loop3A_804], %parallel_loop3A_788 {strides = array<i32>} : memref<8x4x8x128xf32, #tpu.memory_space<vmem>>, vector<16xf32>,
          } {sc.loop_unroll_factor = 8 : i64, sc.parallel_access}
        }
        %scan3A_767 = arith.constant 8 : i32
      }
      %scan3A_671 = arith.constant 4 : i32
      %dma_start3A_672 = arith.constant 0 : i32
      %dma_start3A_673 = arith.constant 0 : i32
      %dma_start3A_674 = arith.constant 0 : i32
      %dma_start3A_675 = arith.constant 0 : i32
      %dma_start3A_676 = arith.constant 0 : i32
      %dma_start3A_677 = arith.constant 0 : i32
      %dma_start3A_678 = tpu.memref_slice %arg8[%dma_start3A_672, %dma_start3A_674, %dma_start3A_675, %dma_start3A_676, %dma_start3A_677] : memref<2x8x4x8x128xf32, #tpu.memory_space<vmem>> -> memref<1x8x4x8x128xf32, #tpu.memory_space<vmem>>
      %dma_start3A_679 = tpu.memref_squeeze %dma_start3A_678 : memref<1x8x4x8x128xf32, #tpu.memory_space<vmem>> -> memref<8x4x8x128xf32, #tpu.memory_space<vmem>>
      %dma_start3A_680 = arith.constant 0 : i32
      %dma_start3A_681 = arith.constant 0 : i32
      %dma_start3A_682 = arith.constant 0 : i32
      %dma_start3A_683 = tpu.memref_slice %arg4[%add3A_637, %dma_start3A_680, %mul3A_2, %dma_start3A_681, %dma_start3A_682] : memref<50x8x128x8x128xf32, #tpu.memory_space<hbm>> -> memref<1x8x4x8x128xf32, #tpu.memory_space<hbm>>
      %dma_start3A_684 = tpu.memref_squeeze %dma_start3A_683 : memref<1x8x4x8x128xf32, #tpu.memory_space<hbm>> -> memref<8x4x8x128xf32, #tpu.memory_space<hbm>>
      %dma_start3A_685 = tpu.memref_slice %arg9[%dma_start3A_673] : memref<2x!tpu.dma_semaphore, #tpu.memory_space<semaphore_mem>> -> memref<1x!tpu.dma_semaphore, #tpu.memory_space<semaphore_mem>>
      %dma_start3A_686 = tpu.memref_squeeze %dma_start3A_685 : memref<1x!tpu.dma_semaphore, #tpu.memory_space<semaphore_mem>> -> memref<!tpu.dma_semaphore, #tpu.memory_space<semaphore_mem>>
      %dma_start3A_687 = arith.constant 0 : i32
      %dma_start3A_688 = arith.constant 0 : i32
      %dma_start3A_689 = arith.constant 0 : i32
      %dma_start3A_690 = tpu.memref_slice %arg4[%add3A_637, %dma_start3A_687, %mul3A_2, %dma_start3A_688, %dma_start3A_689] : memref<50x8x128x8x128xf32, #tpu.memory_space<hbm>> -> memref<1x8x4x8x128xf32, #tpu.memory_space<hbm>>
      %dma_start3A_691 = tpu.memref_squeeze %dma_start3A_690 : memref<1x8x4x8x128xf32, #tpu.memory_space<hbm>> -> memref<8x4x8x128xf32, #tpu.memory_space<hbm>>
      %dma_start3A_692 = arith.constant 0 : i32
      %dma_start3A_693 = arith.constant 0 : i32
      %dma_start3A_694 = arith.constant 0 : i32
      %dma_start3A_695 = arith.constant 0 : i32
      %dma_start3A_696 = tpu.memref_slice %arg8[%dma_start3A_672, %dma_start3A_692, %dma_start3A_693, %dma_start3A_694, %dma_start3A_695] : memref<2x8x4x8x128xf32, #tpu.memory_space<vmem>> -> memref<1x8x4x8x128xf32, #tpu.memory_space<vmem>>
      %dma_start3A_697 = tpu.memref_squeeze %dma_start3A_696 : memref<1x8x4x8x128xf32, #tpu.memory_space<vmem>> -> memref<8x4x8x128xf32, #tpu.memory_space<vmem>>
      tpu.enqueue_dma source(%dma_start3A_697 : memref<8x4x8x128xf32, #tpu.memory_space<vmem>>) target(%dma_start3A_691 : memref<8x4x8x128xf32, #tpu.memory_space<hbm>>) target_semaphore(%dma_start3A_686 : memref<!tpu.dma_semaphore, #tpu.memory_space<semaphore_mem>>)
      %mul3A_698 = arith.constant 2 : i32
      %mul3A_699 = arith.muli %scan3A_633, %mul3A_698 : i32
      %add3A_700 = arith.constant 1 : i32
      %add3A_701 = arith.addi %mul3A_699, %add3A_700 : i32
      %dma_wait3A_702 = arith.constant 1 : i32
      %dma_wait3A_703 = arith.constant 0 : i32
      %dma_wait3A_704 = arith.constant 1 : i32
      %dma_wait3A_705 = arith.constant 0 : i32
      %dma_wait3A_706 = arith.constant 0 : i32
      %dma_wait3A_707 = arith.constant 0 : i32
      %dma_wait3A_708 = arith.constant 0 : i32
      %dma_wait3A_709 = tpu.memref_slice %arg8[%dma_wait3A_702, %dma_wait3A_705, %dma_wait3A_706, %dma_wait3A_707, %dma_wait3A_708] : memref<2x8x4x8x128xf32, #tpu.memory_space<vmem>> -> memref<1x8x4x8x128xf32, #tpu.memory_space<vmem>>
      %dma_wait3A_710 = tpu.memref_squeeze %dma_wait3A_709 : memref<1x8x4x8x128xf32, #tpu.memory_space<vmem>> -> memref<8x4x8x128xf32, #tpu.memory_space<vmem>>
      %dma_wait3A_711 = arith.constant 0 : i32
      %dma_wait3A_712 = arith.constant 0 : i32
      %dma_wait3A_713 = arith.constant 0 : i32
      %dma_wait3A_714 = tpu.memref_slice %arg4[%dma_wait3A_703, %dma_wait3A_711, %mul3A_2, %dma_wait3A_712, %dma_wait3A_713] : memref<50x8x128x8x128xf32, #tpu.memory_space<hbm>> -> memref<1x8x4x8x128xf32, #tpu.memory_space<hbm>>
      %dma_wait3A_715 = tpu.memref_squeeze %dma_wait3A_714 : memref<1x8x4x8x128xf32, #tpu.memory_space<hbm>> -> memref<8x4x8x128xf32, #tpu.memory_space<hbm>>
      %dma_wait3A_716 = tpu.memref_slice %arg9[%dma_wait3A_704] : memref<2x!tpu.dma_semaphore, #tpu.memory_space<semaphore_mem>> -> memref<1x!tpu.dma_semaphore, #tpu.memory_space<semaphore_mem>>
      %dma_wait3A_717 = tpu.memref_squeeze %dma_wait3A_716 : memref<1x!tpu.dma_semaphore, #tpu.memory_space<semaphore_mem>> -> memref<!tpu.dma_semaphore, #tpu.memory_space<semaphore_mem>>
      %dma_wait3A_718 = arith.constant 0 : i32
      %dma_wait3A_719 = arith.constant 0 : i32
      %dma_wait3A_720 = arith.constant 0 : i32
      %dma_wait3A_721 = tpu.memref_slice %arg4[%dma_wait3A_703, %dma_wait3A_718, %mul3A_2, %dma_wait3A_719, %dma_wait3A_720] : memref<50x8x128x8x128xf32, #tpu.memory_space<hbm>> -> memref<1x8x4x8x128xf32, #tpu.memory_space<hbm>>
      %dma_wait3A_722 = tpu.memref_squeeze %dma_wait3A_721 : memref<1x8x4x8x128xf32, #tpu.memory_space<hbm>> -> memref<8x4x8x128xf32, #tpu.memory_space<hbm>>
      %dma_wait3A_723 = arith.constant 0 : i32
      %dma_wait3A_724 = arith.constant 0 : i32
      %dma_wait3A_725 = arith.constant 0 : i32
      %dma_wait3A_726 = arith.constant 0 : i32
      %dma_wait3A_727 = tpu.memref_slice %arg8[%dma_wait3A_702, %dma_wait3A_723, %dma_wait3A_724, %dma_wait3A_725, %dma_wait3A_726] : memref<2x8x4x8x128xf32, #tpu.memory_space<vmem>> -> memref<1x8x4x8x128xf32, #tpu.memory_space<vmem>>
      %dma_wait3A_728 = tpu.memref_squeeze %dma_wait3A_727 : memref<1x8x4x8x128xf32, #tpu.memory_space<vmem>> -> memref<8x4x8x128xf32, #tpu.memory_space<vmem>>
      tpu.wait_dma2 semaphore(%dma_wait3A_717 : memref<!tpu.dma_semaphore, #tpu.memory_space<semaphore_mem>>) src(%dma_wait3A_728 : memref<8x4x8x128xf32, #tpu.memory_space<vmem>>) dst(%dma_wait3A_722 : memref<8x4x8x128xf32, #tpu.memory_space<hbm>>)
      %scan3A_729 = arith.constant 0 : i32
      %scan3A_730 = arith.constant 1 : i32
      %scan3A_731 = arith.constant 0 : i32
      %scan3A_732 = arith.constant 4 : i32
      %scan3A_733 = arith.addi %scan3A_731, %scan3A_732 : i32
      %scan3A_734 = arith.constant 1 : i32
      scf.for %scan3A_762 = %scan3A_731 to %scan3A_733 step %scan3A_734  : i32 {
        %scan3A_763 = arith.constant 0 : i32
        %scan3A_764 = arith.constant 8 : i32
        %scan3A_765 = arith.addi %scan3A_763, %scan3A_764 : i32
        %scan3A_766 = arith.constant 1 : i32
        scf.for %scan3A_768 = %scan3A_763 to %scan3A_765 step %scan3A_766  : i32 {
          %mul3A_769 = arith.constant 128 : i32
          %mul3A_770 = arith.muli %scan3A_762, %mul3A_769 : i32
          %mul3A_771 = arith.constant 16 : i32
          %mul3A_772 = arith.muli %scan3A_768, %mul3A_771 : i32
          %add3A_773 = arith.addi %mul3A_770, %mul3A_772 : i32
          %get3A_774 = arith.index_cast %add3A_701 : i32 to index
          %get3A_775 = arith.index_cast %add3A_773 : i32 to index
          %get3A_776 = tpu.vector_load %arg5[%get3A_774, %get3A_775] {strides = array<i32>} : memref<50x512xi32, #tpu.memory_space<vmem>>, vector<16xi32>,
          %mul3A_777 = arith.constant 80 : i32
          %mul3A_778 = vector.broadcast %mul3A_777 : i32 to vector<16xi32>
          %mul3A_779 = arith.muli %get3A_776, %mul3A_778 : vector<16xi32>
          %and3A = arith.constant 15 : i32
          %and3A_780 = vector.broadcast %and3A : i32 to vector<16xi32>
          %and3A_781 = arith.andi %get3A_776, %and3A_780 : vector<16xi32>
          %add3A_782 = arith.addi %mul3A_779, %and3A_781 : vector<16xi32>
          %parallel_loop3A = arith.constant 0 : i32
          %parallel_loop3A_783 = arith.constant 64 : i32
          %parallel_loop3A_784 = arith.constant 1 : i32
          scf.for %parallel_loop3A_785 = %parallel_loop3A to %parallel_loop3A_783 step %parallel_loop3A_784  : i32 {
            %parallel_loop3A_786 = vector.broadcast %parallel_loop3A_785 : i32 to vector<16xi32>
            %parallel_loop3A_787 = arith.addi %add3A_782, %parallel_loop3A_786 : vector<16xi32>
            %parallel_loop3A_788 = tpu.vector_load_idx %arg7[%parallel_loop3A_787] : memref<1440xf32, #tpu.memory_space<vmem>>[vector<16xi32>], vector<16xf32>,
            %parallel_loop3A_789 = arith.constant 3 : i32
            %parallel_loop3A_790 = arith.shrsi %parallel_loop3A_785, %parallel_loop3A_789 : i32
            %parallel_loop3A_791 = arith.constant 7 : i32
            %parallel_loop3A_792 = arith.andi %parallel_loop3A_785, %parallel_loop3A_791 : i32
            %parallel_loop3A_793 = arith.constant 16 : i32
            %parallel_loop3A_794 = arith.muli %scan3A_768, %parallel_loop3A_793 : i32
            %parallel_loop3A_795 = arith.constant 0 : i32
            %parallel_loop3A_796 = arith.constant 0 : i32
            %parallel_loop3A_797 = arith.constant 0 : i32
            %parallel_loop3A_798 = arith.constant 0 : i32
            %parallel_loop3A_799 = tpu.memref_slice %arg8[%scan3A_730, %parallel_loop3A_795, %parallel_loop3A_796, %parallel_loop3A_797, %parallel_loop3A_798] : memref<2x8x4x8x128xf32, #tpu.memory_space<vmem>> -> memref<1x8x4x8x128xf32, #tpu.memory_space<vmem>>
            %parallel_loop3A_800 = tpu.memref_squeeze %parallel_loop3A_799 : memref<1x8x4x8x128xf32, #tpu.memory_space<vmem>> -> memref<8x4x8x128xf32, #tpu.memory_space<vmem>>
            %parallel_loop3A_801 = arith.index_cast %parallel_loop3A_790 : i32 to index
            %parallel_loop3A_802 = arith.index_cast %scan3A_762 : i32 to index
            %parallel_loop3A_803 = arith.index_cast %parallel_loop3A_792 : i32 to index
            %parallel_loop3A_804 = arith.index_cast %parallel_loop3A_794 : i32 to index
            %parallel_loop3A_805 = tpu.vector_load %parallel_loop3A_800[%parallel_loop3A_801, %parallel_loop3A_802, %parallel_loop3A_803, %parallel_loop3A_804] {strides = array<i32>} : memref<8x4x8x128xf32, #tpu.memory_space<vmem>>, vector<16xf32>,
            tpu.vector_store %parallel_loop3A_800[%parallel_loop3A_801, %parallel_loop3A_802, %parallel_loop3A_803, %parallel_loop3A_804], %parallel_loop3A_788 {strides = array<i32>} : memref<8x4x8x128xf32, #tpu.memory_space<vmem>>, vector<16xf32>,
          } {sc.loop_unroll_factor = 8 : i64, sc.parallel_access}
        }
        %scan3A_767 = arith.constant 8 : i32
      }
      %scan3A_735 = arith.constant 4 : i32
      %dma_start3A_736 = arith.constant 1 : i32
      %dma_start3A_737 = arith.constant 1 : i32
      %dma_start3A_738 = arith.constant 0 : i32
      %dma_start3A_739 = arith.constant 0 : i32
      %dma_start3A_740 = arith.constant 0 : i32
      %dma_start3A_741 = arith.constant 0 : i32
      %dma_start3A_742 = tpu.memref_slice %arg8[%dma_start3A_736, %dma_start3A_738, %dma_start3A_739, %dma_start3A_740, %dma_start3A_741] : memref<2x8x4x8x128xf32, #tpu.memory_space<vmem>> -> memref<1x8x4x8x128xf32, #tpu.memory_space<vmem>>
      %dma_start3A_743 = tpu.memref_squeeze %dma_start3A_742 : memref<1x8x4x8x128xf32, #tpu.memory_space<vmem>> -> memref<8x4x8x128xf32, #tpu.memory_space<vmem>>
      %dma_start3A_744 = arith.constant 0 : i32
      %dma_start3A_745 = arith.constant 0 : i32
      %dma_start3A_746 = arith.constant 0 : i32
      %dma_start3A_747 = tpu.memref_slice %arg4[%add3A_701, %dma_start3A_744, %mul3A_2, %dma_start3A_745, %dma_start3A_746] : memref<50x8x128x8x128xf32, #tpu.memory_space<hbm>> -> memref<1x8x4x8x128xf32, #tpu.memory_space<hbm>>
      %dma_start3A_748 = tpu.memref_squeeze %dma_start3A_747 : memref<1x8x4x8x128xf32, #tpu.memory_space<hbm>> -> memref<8x4x8x128xf32, #tpu.memory_space<hbm>>
      %dma_start3A_749 = tpu.memref_slice %arg9[%dma_start3A_737] : memref<2x!tpu.dma_semaphore, #tpu.memory_space<semaphore_mem>> -> memref<1x!tpu.dma_semaphore, #tpu.memory_space<semaphore_mem>>
      %dma_start3A_750 = tpu.memref_squeeze %dma_start3A_749 : memref<1x!tpu.dma_semaphore, #tpu.memory_space<semaphore_mem>> -> memref<!tpu.dma_semaphore, #tpu.memory_space<semaphore_mem>>
      %dma_start3A_751 = arith.constant 0 : i32
      %dma_start3A_752 = arith.constant 0 : i32
      %dma_start3A_753 = arith.constant 0 : i32
      %dma_start3A_754 = tpu.memref_slice %arg4[%add3A_701, %dma_start3A_751, %mul3A_2, %dma_start3A_752, %dma_start3A_753] : memref<50x8x128x8x128xf32, #tpu.memory_space<hbm>> -> memref<1x8x4x8x128xf32, #tpu.memory_space<hbm>>
      %dma_start3A_755 = tpu.memref_squeeze %dma_start3A_754 : memref<1x8x4x8x128xf32, #tpu.memory_space<hbm>> -> memref<8x4x8x128xf32, #tpu.memory_space<hbm>>
      %dma_start3A_756 = arith.constant 0 : i32
      %dma_start3A_757 = arith.constant 0 : i32
      %dma_start3A_758 = arith.constant 0 : i32
      %dma_start3A_759 = arith.constant 0 : i32
      %dma_start3A_760 = tpu.memref_slice %arg8[%dma_start3A_736, %dma_start3A_756, %dma_start3A_757, %dma_start3A_758, %dma_start3A_759] : memref<2x8x4x8x128xf32, #tpu.memory_space<vmem>> -> memref<1x8x4x8x128xf32, #tpu.memory_space<vmem>>
      %dma_start3A_761 = tpu.memref_squeeze %dma_start3A_760 : memref<1x8x4x8x128xf32, #tpu.memory_space<vmem>> -> memref<8x4x8x128xf32, #tpu.memory_space<vmem>>
      tpu.enqueue_dma source(%dma_start3A_761 : memref<8x4x8x128xf32, #tpu.memory_space<vmem>>) target(%dma_start3A_755 : memref<8x4x8x128xf32, #tpu.memory_space<hbm>>) target_semaphore(%dma_start3A_750 : memref<!tpu.dma_semaphore, #tpu.memory_space<semaphore_mem>>)
    }
    %scan3A_579 = arith.constant 24 : i32
    %dma_wait3A = arith.constant 0 : i32
    %dma_wait3A_580 = arith.constant 0 : i32
    %dma_wait3A_581 = arith.constant 0 : i32
    %dma_wait3A_582 = arith.constant 0 : i32
    %dma_wait3A_583 = arith.constant 0 : i32
    %dma_wait3A_584 = arith.constant 0 : i32
    %dma_wait3A_585 = arith.constant 0 : i32
    %dma_wait3A_586 = tpu.memref_slice %arg8[%dma_wait3A, %dma_wait3A_582, %dma_wait3A_583, %dma_wait3A_584, %dma_wait3A_585] : memref<2x8x4x8x128xf32, #tpu.memory_space<vmem>> -> memref<1x8x4x8x128xf32, #tpu.memory_space<vmem>>
    %dma_wait3A_587 = tpu.memref_squeeze %dma_wait3A_586 : memref<1x8x4x8x128xf32, #tpu.memory_space<vmem>> -> memref<8x4x8x128xf32, #tpu.memory_space<vmem>>
    %dma_wait3A_588 = arith.constant 0 : i32
    %dma_wait3A_589 = arith.constant 0 : i32
    %dma_wait3A_590 = arith.constant 0 : i32
    %dma_wait3A_591 = tpu.memref_slice %arg4[%dma_wait3A_580, %dma_wait3A_588, %mul3A_2, %dma_wait3A_589, %dma_wait3A_590] : memref<50x8x128x8x128xf32, #tpu.memory_space<hbm>> -> memref<1x8x4x8x128xf32, #tpu.memory_space<hbm>>
    %dma_wait3A_592 = tpu.memref_squeeze %dma_wait3A_591 : memref<1x8x4x8x128xf32, #tpu.memory_space<hbm>> -> memref<8x4x8x128xf32, #tpu.memory_space<hbm>>
    %dma_wait3A_593 = tpu.memref_slice %arg9[%dma_wait3A_581] : memref<2x!tpu.dma_semaphore, #tpu.memory_space<semaphore_mem>> -> memref<1x!tpu.dma_semaphore, #tpu.memory_space<semaphore_mem>>
    %dma_wait3A_594 = tpu.memref_squeeze %dma_wait3A_593 : memref<1x!tpu.dma_semaphore, #tpu.memory_space<semaphore_mem>> -> memref<!tpu.dma_semaphore, #tpu.memory_space<semaphore_mem>>
    %dma_wait3A_595 = arith.constant 0 : i32
    %dma_wait3A_596 = arith.constant 0 : i32
    %dma_wait3A_597 = arith.constant 0 : i32
    %dma_wait3A_598 = tpu.memref_slice %arg4[%dma_wait3A_580, %dma_wait3A_595, %mul3A_2, %dma_wait3A_596, %dma_wait3A_597] : memref<50x8x128x8x128xf32, #tpu.memory_space<hbm>> -> memref<1x8x4x8x128xf32, #tpu.memory_space<hbm>>
    %dma_wait3A_599 = tpu.memref_squeeze %dma_wait3A_598 : memref<1x8x4x8x128xf32, #tpu.memory_space<hbm>> -> memref<8x4x8x128xf32, #tpu.memory_space<hbm>>
    %dma_wait3A_600 = arith.constant 0 : i32
    %dma_wait3A_601 = arith.constant 0 : i32
    %dma_wait3A_602 = arith.constant 0 : i32
    %dma_wait3A_603 = arith.constant 0 : i32
    %dma_wait3A_604 = tpu.memref_slice %arg8[%dma_wait3A, %dma_wait3A_600, %dma_wait3A_601, %dma_wait3A_602, %dma_wait3A_603] : memref<2x8x4x8x128xf32, #tpu.memory_space<vmem>> -> memref<1x8x4x8x128xf32, #tpu.memory_space<vmem>>
    %dma_wait3A_605 = tpu.memref_squeeze %dma_wait3A_604 : memref<1x8x4x8x128xf32, #tpu.memory_space<vmem>> -> memref<8x4x8x128xf32, #tpu.memory_space<vmem>>
    tpu.wait_dma2 semaphore(%dma_wait3A_594 : memref<!tpu.dma_semaphore, #tpu.memory_space<semaphore_mem>>) src(%dma_wait3A_605 : memref<8x4x8x128xf32, #tpu.memory_space<vmem>>) dst(%dma_wait3A_599 : memref<8x4x8x128xf32, #tpu.memory_space<hbm>>)
    %dma_wait3A_606 = arith.constant 1 : i32
    %dma_wait3A_607 = arith.constant 0 : i32
    %dma_wait3A_608 = arith.constant 1 : i32
    %dma_wait3A_609 = arith.constant 0 : i32
    %dma_wait3A_610 = arith.constant 0 : i32
    %dma_wait3A_611 = arith.constant 0 : i32
    %dma_wait3A_612 = arith.constant 0 : i32
    %dma_wait3A_613 = tpu.memref_slice %arg8[%dma_wait3A_606, %dma_wait3A_609, %dma_wait3A_610, %dma_wait3A_611, %dma_wait3A_612] : memref<2x8x4x8x128xf32, #tpu.memory_space<vmem>> -> memref<1x8x4x8x128xf32, #tpu.memory_space<vmem>>
    %dma_wait3A_614 = tpu.memref_squeeze %dma_wait3A_613 : memref<1x8x4x8x128xf32, #tpu.memory_space<vmem>> -> memref<8x4x8x128xf32, #tpu.memory_space<vmem>>
    %dma_wait3A_615 = arith.constant 0 : i32
    %dma_wait3A_616 = arith.constant 0 : i32
    %dma_wait3A_617 = arith.constant 0 : i32
    %dma_wait3A_618 = tpu.memref_slice %arg4[%dma_wait3A_607, %dma_wait3A_615, %mul3A_2, %dma_wait3A_616, %dma_wait3A_617] : memref<50x8x128x8x128xf32, #tpu.memory_space<hbm>> -> memref<1x8x4x8x128xf32, #tpu.memory_space<hbm>>
    %dma_wait3A_619 = tpu.memref_squeeze %dma_wait3A_618 : memref<1x8x4x8x128xf32, #tpu.memory_space<hbm>> -> memref<8x4x8x128xf32, #tpu.memory_space<hbm>>
    %dma_wait3A_620 = tpu.memref_slice %arg9[%dma_wait3A_608] : memref<2x!tpu.dma_semaphore, #tpu.memory_space<semaphore_mem>> -> memref<1x!tpu.dma_semaphore, #tpu.memory_space<semaphore_mem>>
    %dma_wait3A_621 = tpu.memref_squeeze %dma_wait3A_620 : memref<1x!tpu.dma_semaphore, #tpu.memory_space<semaphore_mem>> -> memref<!tpu.dma_semaphore, #tpu.memory_space<semaphore_mem>>
    %dma_wait3A_622 = arith.constant 0 : i32
    %dma_wait3A_623 = arith.constant 0 : i32
    %dma_wait3A_624 = arith.constant 0 : i32
    %dma_wait3A_625 = tpu.memref_slice %arg4[%dma_wait3A_607, %dma_wait3A_622, %mul3A_2, %dma_wait3A_623, %dma_wait3A_624] : memref<50x8x128x8x128xf32, #tpu.memory_space<hbm>> -> memref<1x8x4x8x128xf32, #tpu.memory_space<hbm>>
    %dma_wait3A_626 = tpu.memref_squeeze %dma_wait3A_625 : memref<1x8x4x8x128xf32, #tpu.memory_space<hbm>> -> memref<8x4x8x128xf32, #tpu.memory_space<hbm>>
    %dma_wait3A_627 = arith.constant 0 : i32
    %dma_wait3A_628 = arith.constant 0 : i32
    %dma_wait3A_629 = arith.constant 0 : i32
    %dma_wait3A_630 = arith.constant 0 : i32
    %dma_wait3A_631 = tpu.memref_slice %arg8[%dma_wait3A_606, %dma_wait3A_627, %dma_wait3A_628, %dma_wait3A_629, %dma_wait3A_630] : memref<2x8x4x8x128xf32, #tpu.memory_space<vmem>> -> memref<1x8x4x8x128xf32, #tpu.memory_space<vmem>>
    %dma_wait3A_632 = tpu.memref_squeeze %dma_wait3A_631 : memref<1x8x4x8x128xf32, #tpu.memory_space<vmem>> -> memref<8x4x8x128xf32, #tpu.memory_space<vmem>>
    tpu.wait_dma2 semaphore(%dma_wait3A_621 : memref<!tpu.dma_semaphore, #tpu.memory_space<semaphore_mem>>) src(%dma_wait3A_632 : memref<8x4x8x128xf32, #tpu.memory_space<vmem>>) dst(%dma_wait3A_626 : memref<8x4x8x128xf32, #tpu.memory_space<hbm>>)
    return
  }
}

module attributes {stable_mosaic.version = 14 : i64} {
  func.func @_tc_body(%arg0: i32, %arg1: i32, %arg2: memref<64x32xbf16, #tpu.memory_space<vmem>>, %arg3: memref<1x1x16384xi32, #tpu.memory_space<vmem>>, %arg4: memref<1x8x128x8x128xf32, #tpu.memory_space<vmem>>) attributes {dimension_semantics = [#tpu.dimension_semantics<arbitrary>, #tpu.dimension_semantics<arbitrary>], iteration_bounds = array<i64: 50, 1>, scalar_prefetch = 0 : i64, scratch_operands = 0 : i64, tpu.core_type = #tpu.core_type<tc>, window_params = [{pipeline_mode = #tpu.pipeline_mode<synchronous>, transform_indices = @transform_0, window_bounds = array<i64: 64, 32>}, {transform_indices = @transform_1, window_bounds = array<i64: 1, 1, 16384>}, {transform_indices = @transform_2, window_bounds = array<i64: 1, 8, 128, 8, 128>}]} {
    %get3A = arith.constant 0 : index
    %get3A_0 = arith.constant 0 : index
    %get3A_1 = arith.constant 0 : index
    %get3A_2 = vector.load %arg3[%get3A, %get3A_0, %get3A_1] : memref<1x1x16384xi32, #tpu.memory_space<vmem>>, vector<1x1x16384xi32>
    %get3A_3 = vector.shape_cast %get3A_2 : vector<1x1x16384xi32> to vector<1x16384xi32>
    %iota3A = tpu.iota {dimensions = array<i32: 0>} : vector<32x16384xi32>
    %broadcast_in_dim3A = vector.shape_cast %get3A_3 : vector<1x16384xi32> to vector<1x16384xi32>
    %broadcast_in_dim3A_4 = vector.broadcast %broadcast_in_dim3A : vector<1x16384xi32> to vector<32x16384xi32>
    %eq3A = arith.cmpi eq, %broadcast_in_dim3A_4, %iota3A : vector<32x16384xi32>
    %get3A_5 = arith.constant 0 : index
    %get3A_6 = arith.constant 0 : index
    %get3A_7 = vector.load %arg2[%get3A_5, %get3A_6] : memref<64x32xbf16, #tpu.memory_space<vmem>>, vector<64x32xbf16>
    %convert_element_type3A = arith.extui %eq3A : vector<32x16384xi1> to vector<32x16384xi32>
    %convert_element_type3A_8 = arith.sitofp %convert_element_type3A : vector<32x16384xi32> to vector<32x16384xf32>
    %convert_element_type3A_9 = arith.truncf %convert_element_type3A_8 : vector<32x16384xf32> to vector<32x16384xbf16>
    %dot_general3A = arith.constant dense<0.000000e+00> : vector<64x16384xf32>
    %dot_general3A_10 = tpu.matmul %get3A_7, %convert_element_type3A_9, %dot_general3A {dimension_numbers = #tpu.dot_dimension_numbers<[1], [0], [0], [1], [0, 0, 1, 1], [], []>, transpose_lhs_hint = false} : vector<64x32xbf16>, vector<32x16384xbf16>, vector<64x16384xf32> -> vector<64x16384xf32>
    %slice3A = vector.extract_strided_slice %dot_general3A_10 {offsets = [0, 0], sizes = [64, 128], strides = [1, 1]} : vector<64x16384xf32> to vector<64x128xf32>
    %reshape3A = vector.shape_cast %slice3A : vector<64x128xf32> to vector<8x8x128xf32>
    %swap3A = arith.constant 0 : index
    %swap3A_11 = arith.constant 0 : index
    %swap3A_12 = arith.constant 0 : index
    %swap3A_13 = arith.constant 0 : index
    %swap3A_14 = arith.constant 0 : index
    %swap3A_15 = vector.load %arg4[%swap3A, %swap3A_11, %swap3A_12, %swap3A_13, %swap3A_14] : memref<1x8x128x8x128xf32, #tpu.memory_space<vmem>>, vector<1x8x1x8x128xf32>
    %swap3A_16 = vector.shape_cast %swap3A_15 : vector<1x8x1x8x128xf32> to vector<8x8x128xf32>
    %swap3A_17 = vector.shape_cast %reshape3A : vector<8x8x128xf32> to vector<1x8x1x8x128xf32>
    tpu.vector_store %arg4[%swap3A, %swap3A_11, %swap3A_12, %swap3A_13, %swap3A_14], %swap3A_17 {strides = array<i32>} : memref<1x8x128x8x128xf32, #tpu.memory_space<vmem>>, vector<1x8x1x8x128xf32>,
    %slice3A_18 = vector.extract_strided_slice %dot_general3A_10 {offsets = [0, 128], sizes = [64, 128], strides = [1, 1]} : vector<64x16384xf32> to vector<64x128xf32>
    %reshape3A_19 = vector.shape_cast %slice3A_18 : vector<64x128xf32> to vector<8x8x128xf32>
    %swap3A_20 = arith.constant 0 : index
    %swap3A_21 = arith.constant 0 : index
    %swap3A_22 = arith.constant 1 : index
    %swap3A_23 = arith.constant 0 : index
    %swap3A_24 = arith.constant 0 : index
    %swap3A_25 = vector.load %arg4[%swap3A_20, %swap3A_21, %swap3A_22, %swap3A_23, %swap3A_24] : memref<1x8x128x8x128xf32, #tpu.memory_space<vmem>>, vector<1x8x1x8x128xf32>
    %swap3A_26 = vector.shape_cast %swap3A_25 : vector<1x8x1x8x128xf32> to vector<8x8x128xf32>
    %swap3A_27 = vector.shape_cast %reshape3A_19 : vector<8x8x128xf32> to vector<1x8x1x8x128xf32>
    tpu.vector_store %arg4[%swap3A_20, %swap3A_21, %swap3A_22, %swap3A_23, %swap3A_24], %swap3A_27 {strides = array<i32>} : memref<1x8x128x8x128xf32, #tpu.memory_space<vmem>>, vector<1x8x1x8x128xf32>,
    %slice3A_28 = vector.extract_strided_slice %dot_general3A_10 {offsets = [0, 256], sizes = [64, 128], strides = [1, 1]} : vector<64x16384xf32> to vector<64x128xf32>
    %reshape3A_29 = vector.shape_cast %slice3A_28 : vector<64x128xf32> to vector<8x8x128xf32>
    %swap3A_30 = arith.constant 0 : index
    %swap3A_31 = arith.constant 0 : index
    %swap3A_32 = arith.constant 2 : index
    %swap3A_33 = arith.constant 0 : index
    %swap3A_34 = arith.constant 0 : index
    %swap3A_35 = vector.load %arg4[%swap3A_30, %swap3A_31, %swap3A_32, %swap3A_33, %swap3A_34] : memref<1x8x128x8x128xf32, #tpu.memory_space<vmem>>, vector<1x8x1x8x128xf32>
    %swap3A_36 = vector.shape_cast %swap3A_35 : vector<1x8x1x8x128xf32> to vector<8x8x128xf32>
    %swap3A_37 = vector.shape_cast %reshape3A_29 : vector<8x8x128xf32> to vector<1x8x1x8x128xf32>
    tpu.vector_store %arg4[%swap3A_30, %swap3A_31, %swap3A_32, %swap3A_33, %swap3A_34], %swap3A_37 {strides = array<i32>} : memref<1x8x128x8x128xf32, #tpu.memory_space<vmem>>, vector<1x8x1x8x128xf32>,
    %slice3A_38 = vector.extract_strided_slice %dot_general3A_10 {offsets = [0, 384], sizes = [64, 128], strides = [1, 1]} : vector<64x16384xf32> to vector<64x128xf32>
    %reshape3A_39 = vector.shape_cast %slice3A_38 : vector<64x128xf32> to vector<8x8x128xf32>
    %swap3A_40 = arith.constant 0 : index
    %swap3A_41 = arith.constant 0 : index
    %swap3A_42 = arith.constant 3 : index
    %swap3A_43 = arith.constant 0 : index
    %swap3A_44 = arith.constant 0 : index
    %swap3A_45 = vector.load %arg4[%swap3A_40, %swap3A_41, %swap3A_42, %swap3A_43, %swap3A_44] : memref<1x8x128x8x128xf32, #tpu.memory_space<vmem>>, vector<1x8x1x8x128xf32>
    %swap3A_46 = vector.shape_cast %swap3A_45 : vector<1x8x1x8x128xf32> to vector<8x8x128xf32>
    %swap3A_47 = vector.shape_cast %reshape3A_39 : vector<8x8x128xf32> to vector<1x8x1x8x128xf32>
    tpu.vector_store %arg4[%swap3A_40, %swap3A_41, %swap3A_42, %swap3A_43, %swap3A_44], %swap3A_47 {strides = array<i32>} : memref<1x8x128x8x128xf32, #tpu.memory_space<vmem>>, vector<1x8x1x8x128xf32>,
    %slice3A_48 = vector.extract_strided_slice %dot_general3A_10 {offsets = [0, 512], sizes = [64, 128], strides = [1, 1]} : vector<64x16384xf32> to vector<64x128xf32>
    %reshape3A_49 = vector.shape_cast %slice3A_48 : vector<64x128xf32> to vector<8x8x128xf32>
    %swap3A_50 = arith.constant 0 : index
    %swap3A_51 = arith.constant 0 : index
    %swap3A_52 = arith.constant 4 : index
    %swap3A_53 = arith.constant 0 : index
    %swap3A_54 = arith.constant 0 : index
    %swap3A_55 = vector.load %arg4[%swap3A_50, %swap3A_51, %swap3A_52, %swap3A_53, %swap3A_54] : memref<1x8x128x8x128xf32, #tpu.memory_space<vmem>>, vector<1x8x1x8x128xf32>
    %swap3A_56 = vector.shape_cast %swap3A_55 : vector<1x8x1x8x128xf32> to vector<8x8x128xf32>
    %swap3A_57 = vector.shape_cast %reshape3A_49 : vector<8x8x128xf32> to vector<1x8x1x8x128xf32>
    tpu.vector_store %arg4[%swap3A_50, %swap3A_51, %swap3A_52, %swap3A_53, %swap3A_54], %swap3A_57 {strides = array<i32>} : memref<1x8x128x8x128xf32, #tpu.memory_space<vmem>>, vector<1x8x1x8x128xf32>,
    %slice3A_58 = vector.extract_strided_slice %dot_general3A_10 {offsets = [0, 640], sizes = [64, 128], strides = [1, 1]} : vector<64x16384xf32> to vector<64x128xf32>
    %reshape3A_59 = vector.shape_cast %slice3A_58 : vector<64x128xf32> to vector<8x8x128xf32>
    %swap3A_60 = arith.constant 0 : index
    %swap3A_61 = arith.constant 0 : index
    %swap3A_62 = arith.constant 5 : index
    %swap3A_63 = arith.constant 0 : index
    %swap3A_64 = arith.constant 0 : index
    %swap3A_65 = vector.load %arg4[%swap3A_60, %swap3A_61, %swap3A_62, %swap3A_63, %swap3A_64] : memref<1x8x128x8x128xf32, #tpu.memory_space<vmem>>, vector<1x8x1x8x128xf32>
    %swap3A_66 = vector.shape_cast %swap3A_65 : vector<1x8x1x8x128xf32> to vector<8x8x128xf32>
    %swap3A_67 = vector.shape_cast %reshape3A_59 : vector<8x8x128xf32> to vector<1x8x1x8x128xf32>
    tpu.vector_store %arg4[%swap3A_60, %swap3A_61, %swap3A_62, %swap3A_63, %swap3A_64], %swap3A_67 {strides = array<i32>} : memref<1x8x128x8x128xf32, #tpu.memory_space<vmem>>, vector<1x8x1x8x128xf32>,
    %slice3A_68 = vector.extract_strided_slice %dot_general3A_10 {offsets = [0, 768], sizes = [64, 128], strides = [1, 1]} : vector<64x16384xf32> to vector<64x128xf32>
    %reshape3A_69 = vector.shape_cast %slice3A_68 : vector<64x128xf32> to vector<8x8x128xf32>
    %swap3A_70 = arith.constant 0 : index
    %swap3A_71 = arith.constant 0 : index
    %swap3A_72 = arith.constant 6 : index
    %swap3A_73 = arith.constant 0 : index
    %swap3A_74 = arith.constant 0 : index
    %swap3A_75 = vector.load %arg4[%swap3A_70, %swap3A_71, %swap3A_72, %swap3A_73, %swap3A_74] : memref<1x8x128x8x128xf32, #tpu.memory_space<vmem>>, vector<1x8x1x8x128xf32>
    %swap3A_76 = vector.shape_cast %swap3A_75 : vector<1x8x1x8x128xf32> to vector<8x8x128xf32>
    %swap3A_77 = vector.shape_cast %reshape3A_69 : vector<8x8x128xf32> to vector<1x8x1x8x128xf32>
    tpu.vector_store %arg4[%swap3A_70, %swap3A_71, %swap3A_72, %swap3A_73, %swap3A_74], %swap3A_77 {strides = array<i32>} : memref<1x8x128x8x128xf32, #tpu.memory_space<vmem>>, vector<1x8x1x8x128xf32>,
    %slice3A_78 = vector.extract_strided_slice %dot_general3A_10 {offsets = [0, 896], sizes = [64, 128], strides = [1, 1]} : vector<64x16384xf32> to vector<64x128xf32>
    %reshape3A_79 = vector.shape_cast %slice3A_78 : vector<64x128xf32> to vector<8x8x128xf32>
    %swap3A_80 = arith.constant 0 : index
    %swap3A_81 = arith.constant 0 : index
    %swap3A_82 = arith.constant 7 : index
    %swap3A_83 = arith.constant 0 : index
    %swap3A_84 = arith.constant 0 : index
    %swap3A_85 = vector.load %arg4[%swap3A_80, %swap3A_81, %swap3A_82, %swap3A_83, %swap3A_84] : memref<1x8x128x8x128xf32, #tpu.memory_space<vmem>>, vector<1x8x1x8x128xf32>
    %swap3A_86 = vector.shape_cast %swap3A_85 : vector<1x8x1x8x128xf32> to vector<8x8x128xf32>
    %swap3A_87 = vector.shape_cast %reshape3A_79 : vector<8x8x128xf32> to vector<1x8x1x8x128xf32>
    tpu.vector_store %arg4[%swap3A_80, %swap3A_81, %swap3A_82, %swap3A_83, %swap3A_84], %swap3A_87 {strides = array<i32>} : memref<1x8x128x8x128xf32, #tpu.memory_space<vmem>>, vector<1x8x1x8x128xf32>,
    %slice3A_88 = vector.extract_strided_slice %dot_general3A_10 {offsets = [0, 1024], sizes = [64, 128], strides = [1, 1]} : vector<64x16384xf32> to vector<64x128xf32>
    %reshape3A_89 = vector.shape_cast %slice3A_88 : vector<64x128xf32> to vector<8x8x128xf32>
    %swap3A_90 = arith.constant 0 : index
    %swap3A_91 = arith.constant 0 : index
    %swap3A_92 = arith.constant 8 : index
    %swap3A_93 = arith.constant 0 : index
    %swap3A_94 = arith.constant 0 : index
    %swap3A_95 = vector.load %arg4[%swap3A_90, %swap3A_91, %swap3A_92, %swap3A_93, %swap3A_94] : memref<1x8x128x8x128xf32, #tpu.memory_space<vmem>>, vector<1x8x1x8x128xf32>
    %swap3A_96 = vector.shape_cast %swap3A_95 : vector<1x8x1x8x128xf32> to vector<8x8x128xf32>
    %swap3A_97 = vector.shape_cast %reshape3A_89 : vector<8x8x128xf32> to vector<1x8x1x8x128xf32>
    tpu.vector_store %arg4[%swap3A_90, %swap3A_91, %swap3A_92, %swap3A_93, %swap3A_94], %swap3A_97 {strides = array<i32>} : memref<1x8x128x8x128xf32, #tpu.memory_space<vmem>>, vector<1x8x1x8x128xf32>,
    %slice3A_98 = vector.extract_strided_slice %dot_general3A_10 {offsets = [0, 1152], sizes = [64, 128], strides = [1, 1]} : vector<64x16384xf32> to vector<64x128xf32>
    %reshape3A_99 = vector.shape_cast %slice3A_98 : vector<64x128xf32> to vector<8x8x128xf32>
    %swap3A_100 = arith.constant 0 : index
    %swap3A_101 = arith.constant 0 : index
    %swap3A_102 = arith.constant 9 : index
    %swap3A_103 = arith.constant 0 : index
    %swap3A_104 = arith.constant 0 : index
    %swap3A_105 = vector.load %arg4[%swap3A_100, %swap3A_101, %swap3A_102, %swap3A_103, %swap3A_104] : memref<1x8x128x8x128xf32, #tpu.memory_space<vmem>>, vector<1x8x1x8x128xf32>
    %swap3A_106 = vector.shape_cast %swap3A_105 : vector<1x8x1x8x128xf32> to vector<8x8x128xf32>
    %swap3A_107 = vector.shape_cast %reshape3A_99 : vector<8x8x128xf32> to vector<1x8x1x8x128xf32>
    tpu.vector_store %arg4[%swap3A_100, %swap3A_101, %swap3A_102, %swap3A_103, %swap3A_104], %swap3A_107 {strides = array<i32>} : memref<1x8x128x8x128xf32, #tpu.memory_space<vmem>>, vector<1x8x1x8x128xf32>,
    %slice3A_108 = vector.extract_strided_slice %dot_general3A_10 {offsets = [0, 1280], sizes = [64, 128], strides = [1, 1]} : vector<64x16384xf32> to vector<64x128xf32>
    %reshape3A_109 = vector.shape_cast %slice3A_108 : vector<64x128xf32> to vector<8x8x128xf32>
    %swap3A_110 = arith.constant 0 : index
    %swap3A_111 = arith.constant 0 : index
    %swap3A_112 = arith.constant 10 : index
    %swap3A_113 = arith.constant 0 : index
    %swap3A_114 = arith.constant 0 : index
    %swap3A_115 = vector.load %arg4[%swap3A_110, %swap3A_111, %swap3A_112, %swap3A_113, %swap3A_114] : memref<1x8x128x8x128xf32, #tpu.memory_space<vmem>>, vector<1x8x1x8x128xf32>
    %swap3A_116 = vector.shape_cast %swap3A_115 : vector<1x8x1x8x128xf32> to vector<8x8x128xf32>
    %swap3A_117 = vector.shape_cast %reshape3A_109 : vector<8x8x128xf32> to vector<1x8x1x8x128xf32>
    tpu.vector_store %arg4[%swap3A_110, %swap3A_111, %swap3A_112, %swap3A_113, %swap3A_114], %swap3A_117 {strides = array<i32>} : memref<1x8x128x8x128xf32, #tpu.memory_space<vmem>>, vector<1x8x1x8x128xf32>,
    %slice3A_118 = vector.extract_strided_slice %dot_general3A_10 {offsets = [0, 1408], sizes = [64, 128], strides = [1, 1]} : vector<64x16384xf32> to vector<64x128xf32>
    %reshape3A_119 = vector.shape_cast %slice3A_118 : vector<64x128xf32> to vector<8x8x128xf32>
    %swap3A_120 = arith.constant 0 : index
    %swap3A_121 = arith.constant 0 : index
    %swap3A_122 = arith.constant 11 : index
    %swap3A_123 = arith.constant 0 : index
    %swap3A_124 = arith.constant 0 : index
    %swap3A_125 = vector.load %arg4[%swap3A_120, %swap3A_121, %swap3A_122, %swap3A_123, %swap3A_124] : memref<1x8x128x8x128xf32, #tpu.memory_space<vmem>>, vector<1x8x1x8x128xf32>
    %swap3A_126 = vector.shape_cast %swap3A_125 : vector<1x8x1x8x128xf32> to vector<8x8x128xf32>
    %swap3A_127 = vector.shape_cast %reshape3A_119 : vector<8x8x128xf32> to vector<1x8x1x8x128xf32>
    tpu.vector_store %arg4[%swap3A_120, %swap3A_121, %swap3A_122, %swap3A_123, %swap3A_124], %swap3A_127 {strides = array<i32>} : memref<1x8x128x8x128xf32, #tpu.memory_space<vmem>>, vector<1x8x1x8x128xf32>,
    %slice3A_128 = vector.extract_strided_slice %dot_general3A_10 {offsets = [0, 1536], sizes = [64, 128], strides = [1, 1]} : vector<64x16384xf32> to vector<64x128xf32>
    %reshape3A_129 = vector.shape_cast %slice3A_128 : vector<64x128xf32> to vector<8x8x128xf32>
    %swap3A_130 = arith.constant 0 : index
    %swap3A_131 = arith.constant 0 : index
    %swap3A_132 = arith.constant 12 : index
    %swap3A_133 = arith.constant 0 : index
    %swap3A_134 = arith.constant 0 : index
    %swap3A_135 = vector.load %arg4[%swap3A_130, %swap3A_131, %swap3A_132, %swap3A_133, %swap3A_134] : memref<1x8x128x8x128xf32, #tpu.memory_space<vmem>>, vector<1x8x1x8x128xf32>
    %swap3A_136 = vector.shape_cast %swap3A_135 : vector<1x8x1x8x128xf32> to vector<8x8x128xf32>
    %swap3A_137 = vector.shape_cast %reshape3A_129 : vector<8x8x128xf32> to vector<1x8x1x8x128xf32>
    tpu.vector_store %arg4[%swap3A_130, %swap3A_131, %swap3A_132, %swap3A_133, %swap3A_134], %swap3A_137 {strides = array<i32>} : memref<1x8x128x8x128xf32, #tpu.memory_space<vmem>>, vector<1x8x1x8x128xf32>,
    %slice3A_138 = vector.extract_strided_slice %dot_general3A_10 {offsets = [0, 1664], sizes = [64, 128], strides = [1, 1]} : vector<64x16384xf32> to vector<64x128xf32>
    %reshape3A_139 = vector.shape_cast %slice3A_138 : vector<64x128xf32> to vector<8x8x128xf32>
    %swap3A_140 = arith.constant 0 : index
    %swap3A_141 = arith.constant 0 : index
    %swap3A_142 = arith.constant 13 : index
    %swap3A_143 = arith.constant 0 : index
    %swap3A_144 = arith.constant 0 : index
    %swap3A_145 = vector.load %arg4[%swap3A_140, %swap3A_141, %swap3A_142, %swap3A_143, %swap3A_144] : memref<1x8x128x8x128xf32, #tpu.memory_space<vmem>>, vector<1x8x1x8x128xf32>
    %swap3A_146 = vector.shape_cast %swap3A_145 : vector<1x8x1x8x128xf32> to vector<8x8x128xf32>
    %swap3A_147 = vector.shape_cast %reshape3A_139 : vector<8x8x128xf32> to vector<1x8x1x8x128xf32>
    tpu.vector_store %arg4[%swap3A_140, %swap3A_141, %swap3A_142, %swap3A_143, %swap3A_144], %swap3A_147 {strides = array<i32>} : memref<1x8x128x8x128xf32, #tpu.memory_space<vmem>>, vector<1x8x1x8x128xf32>,
    %slice3A_148 = vector.extract_strided_slice %dot_general3A_10 {offsets = [0, 1792], sizes = [64, 128], strides = [1, 1]} : vector<64x16384xf32> to vector<64x128xf32>
    %reshape3A_149 = vector.shape_cast %slice3A_148 : vector<64x128xf32> to vector<8x8x128xf32>
    %swap3A_150 = arith.constant 0 : index
    %swap3A_151 = arith.constant 0 : index
    %swap3A_152 = arith.constant 14 : index
    %swap3A_153 = arith.constant 0 : index
    %swap3A_154 = arith.constant 0 : index
    %swap3A_155 = vector.load %arg4[%swap3A_150, %swap3A_151, %swap3A_152, %swap3A_153, %swap3A_154] : memref<1x8x128x8x128xf32, #tpu.memory_space<vmem>>, vector<1x8x1x8x128xf32>
    %swap3A_156 = vector.shape_cast %swap3A_155 : vector<1x8x1x8x128xf32> to vector<8x8x128xf32>
    %swap3A_157 = vector.shape_cast %reshape3A_149 : vector<8x8x128xf32> to vector<1x8x1x8x128xf32>
    tpu.vector_store %arg4[%swap3A_150, %swap3A_151, %swap3A_152, %swap3A_153, %swap3A_154], %swap3A_157 {strides = array<i32>} : memref<1x8x128x8x128xf32, #tpu.memory_space<vmem>>, vector<1x8x1x8x128xf32>,
    %slice3A_158 = vector.extract_strided_slice %dot_general3A_10 {offsets = [0, 1920], sizes = [64, 128], strides = [1, 1]} : vector<64x16384xf32> to vector<64x128xf32>
    %reshape3A_159 = vector.shape_cast %slice3A_158 : vector<64x128xf32> to vector<8x8x128xf32>
    %swap3A_160 = arith.constant 0 : index
    %swap3A_161 = arith.constant 0 : index
    %swap3A_162 = arith.constant 15 : index
    %swap3A_163 = arith.constant 0 : index
    %swap3A_164 = arith.constant 0 : index
    %swap3A_165 = vector.load %arg4[%swap3A_160, %swap3A_161, %swap3A_162, %swap3A_163, %swap3A_164] : memref<1x8x128x8x128xf32, #tpu.memory_space<vmem>>, vector<1x8x1x8x128xf32>
    %swap3A_166 = vector.shape_cast %swap3A_165 : vector<1x8x1x8x128xf32> to vector<8x8x128xf32>
    %swap3A_167 = vector.shape_cast %reshape3A_159 : vector<8x8x128xf32> to vector<1x8x1x8x128xf32>
    tpu.vector_store %arg4[%swap3A_160, %swap3A_161, %swap3A_162, %swap3A_163, %swap3A_164], %swap3A_167 {strides = array<i32>} : memref<1x8x128x8x128xf32, #tpu.memory_space<vmem>>, vector<1x8x1x8x128xf32>,
    %slice3A_168 = vector.extract_strided_slice %dot_general3A_10 {offsets = [0, 2048], sizes = [64, 128], strides = [1, 1]} : vector<64x16384xf32> to vector<64x128xf32>
    %reshape3A_169 = vector.shape_cast %slice3A_168 : vector<64x128xf32> to vector<8x8x128xf32>
    %swap3A_170 = arith.constant 0 : index
    %swap3A_171 = arith.constant 0 : index
    %swap3A_172 = arith.constant 16 : index
    %swap3A_173 = arith.constant 0 : index
    %swap3A_174 = arith.constant 0 : index
    %swap3A_175 = vector.load %arg4[%swap3A_170, %swap3A_171, %swap3A_172, %swap3A_173, %swap3A_174] : memref<1x8x128x8x128xf32, #tpu.memory_space<vmem>>, vector<1x8x1x8x128xf32>
    %swap3A_176 = vector.shape_cast %swap3A_175 : vector<1x8x1x8x128xf32> to vector<8x8x128xf32>
    %swap3A_177 = vector.shape_cast %reshape3A_169 : vector<8x8x128xf32> to vector<1x8x1x8x128xf32>
    tpu.vector_store %arg4[%swap3A_170, %swap3A_171, %swap3A_172, %swap3A_173, %swap3A_174], %swap3A_177 {strides = array<i32>} : memref<1x8x128x8x128xf32, #tpu.memory_space<vmem>>, vector<1x8x1x8x128xf32>,
    %slice3A_178 = vector.extract_strided_slice %dot_general3A_10 {offsets = [0, 2176], sizes = [64, 128], strides = [1, 1]} : vector<64x16384xf32> to vector<64x128xf32>
    %reshape3A_179 = vector.shape_cast %slice3A_178 : vector<64x128xf32> to vector<8x8x128xf32>
    %swap3A_180 = arith.constant 0 : index
    %swap3A_181 = arith.constant 0 : index
    %swap3A_182 = arith.constant 17 : index
    %swap3A_183 = arith.constant 0 : index
    %swap3A_184 = arith.constant 0 : index
    %swap3A_185 = vector.load %arg4[%swap3A_180, %swap3A_181, %swap3A_182, %swap3A_183, %swap3A_184] : memref<1x8x128x8x128xf32, #tpu.memory_space<vmem>>, vector<1x8x1x8x128xf32>
    %swap3A_186 = vector.shape_cast %swap3A_185 : vector<1x8x1x8x128xf32> to vector<8x8x128xf32>
    %swap3A_187 = vector.shape_cast %reshape3A_179 : vector<8x8x128xf32> to vector<1x8x1x8x128xf32>
    tpu.vector_store %arg4[%swap3A_180, %swap3A_181, %swap3A_182, %swap3A_183, %swap3A_184], %swap3A_187 {strides = array<i32>} : memref<1x8x128x8x128xf32, #tpu.memory_space<vmem>>, vector<1x8x1x8x128xf32>,
    %slice3A_188 = vector.extract_strided_slice %dot_general3A_10 {offsets = [0, 2304], sizes = [64, 128], strides = [1, 1]} : vector<64x16384xf32> to vector<64x128xf32>
    %reshape3A_189 = vector.shape_cast %slice3A_188 : vector<64x128xf32> to vector<8x8x128xf32>
    %swap3A_190 = arith.constant 0 : index
    %swap3A_191 = arith.constant 0 : index
    %swap3A_192 = arith.constant 18 : index
    %swap3A_193 = arith.constant 0 : index
    %swap3A_194 = arith.constant 0 : index
    %swap3A_195 = vector.load %arg4[%swap3A_190, %swap3A_191, %swap3A_192, %swap3A_193, %swap3A_194] : memref<1x8x128x8x128xf32, #tpu.memory_space<vmem>>, vector<1x8x1x8x128xf32>
    %swap3A_196 = vector.shape_cast %swap3A_195 : vector<1x8x1x8x128xf32> to vector<8x8x128xf32>
    %swap3A_197 = vector.shape_cast %reshape3A_189 : vector<8x8x128xf32> to vector<1x8x1x8x128xf32>
    tpu.vector_store %arg4[%swap3A_190, %swap3A_191, %swap3A_192, %swap3A_193, %swap3A_194], %swap3A_197 {strides = array<i32>} : memref<1x8x128x8x128xf32, #tpu.memory_space<vmem>>, vector<1x8x1x8x128xf32>,
    %slice3A_198 = vector.extract_strided_slice %dot_general3A_10 {offsets = [0, 2432], sizes = [64, 128], strides = [1, 1]} : vector<64x16384xf32> to vector<64x128xf32>
    %reshape3A_199 = vector.shape_cast %slice3A_198 : vector<64x128xf32> to vector<8x8x128xf32>
    %swap3A_200 = arith.constant 0 : index
    %swap3A_201 = arith.constant 0 : index
    %swap3A_202 = arith.constant 19 : index
    %swap3A_203 = arith.constant 0 : index
    %swap3A_204 = arith.constant 0 : index
    %swap3A_205 = vector.load %arg4[%swap3A_200, %swap3A_201, %swap3A_202, %swap3A_203, %swap3A_204] : memref<1x8x128x8x128xf32, #tpu.memory_space<vmem>>, vector<1x8x1x8x128xf32>
    %swap3A_206 = vector.shape_cast %swap3A_205 : vector<1x8x1x8x128xf32> to vector<8x8x128xf32>
    %swap3A_207 = vector.shape_cast %reshape3A_199 : vector<8x8x128xf32> to vector<1x8x1x8x128xf32>
    tpu.vector_store %arg4[%swap3A_200, %swap3A_201, %swap3A_202, %swap3A_203, %swap3A_204], %swap3A_207 {strides = array<i32>} : memref<1x8x128x8x128xf32, #tpu.memory_space<vmem>>, vector<1x8x1x8x128xf32>,
    %slice3A_208 = vector.extract_strided_slice %dot_general3A_10 {offsets = [0, 2560], sizes = [64, 128], strides = [1, 1]} : vector<64x16384xf32> to vector<64x128xf32>
    %reshape3A_209 = vector.shape_cast %slice3A_208 : vector<64x128xf32> to vector<8x8x128xf32>
    %swap3A_210 = arith.constant 0 : index
    %swap3A_211 = arith.constant 0 : index
    %swap3A_212 = arith.constant 20 : index
    %swap3A_213 = arith.constant 0 : index
    %swap3A_214 = arith.constant 0 : index
    %swap3A_215 = vector.load %arg4[%swap3A_210, %swap3A_211, %swap3A_212, %swap3A_213, %swap3A_214] : memref<1x8x128x8x128xf32, #tpu.memory_space<vmem>>, vector<1x8x1x8x128xf32>
    %swap3A_216 = vector.shape_cast %swap3A_215 : vector<1x8x1x8x128xf32> to vector<8x8x128xf32>
    %swap3A_217 = vector.shape_cast %reshape3A_209 : vector<8x8x128xf32> to vector<1x8x1x8x128xf32>
    tpu.vector_store %arg4[%swap3A_210, %swap3A_211, %swap3A_212, %swap3A_213, %swap3A_214], %swap3A_217 {strides = array<i32>} : memref<1x8x128x8x128xf32, #tpu.memory_space<vmem>>, vector<1x8x1x8x128xf32>,
    %slice3A_218 = vector.extract_strided_slice %dot_general3A_10 {offsets = [0, 2688], sizes = [64, 128], strides = [1, 1]} : vector<64x16384xf32> to vector<64x128xf32>
    %reshape3A_219 = vector.shape_cast %slice3A_218 : vector<64x128xf32> to vector<8x8x128xf32>
    %swap3A_220 = arith.constant 0 : index
    %swap3A_221 = arith.constant 0 : index
    %swap3A_222 = arith.constant 21 : index
    %swap3A_223 = arith.constant 0 : index
    %swap3A_224 = arith.constant 0 : index
    %swap3A_225 = vector.load %arg4[%swap3A_220, %swap3A_221, %swap3A_222, %swap3A_223, %swap3A_224] : memref<1x8x128x8x128xf32, #tpu.memory_space<vmem>>, vector<1x8x1x8x128xf32>
    %swap3A_226 = vector.shape_cast %swap3A_225 : vector<1x8x1x8x128xf32> to vector<8x8x128xf32>
    %swap3A_227 = vector.shape_cast %reshape3A_219 : vector<8x8x128xf32> to vector<1x8x1x8x128xf32>
    tpu.vector_store %arg4[%swap3A_220, %swap3A_221, %swap3A_222, %swap3A_223, %swap3A_224], %swap3A_227 {strides = array<i32>} : memref<1x8x128x8x128xf32, #tpu.memory_space<vmem>>, vector<1x8x1x8x128xf32>,
    %slice3A_228 = vector.extract_strided_slice %dot_general3A_10 {offsets = [0, 2816], sizes = [64, 128], strides = [1, 1]} : vector<64x16384xf32> to vector<64x128xf32>
    %reshape3A_229 = vector.shape_cast %slice3A_228 : vector<64x128xf32> to vector<8x8x128xf32>
    %swap3A_230 = arith.constant 0 : index
    %swap3A_231 = arith.constant 0 : index
    %swap3A_232 = arith.constant 22 : index
    %swap3A_233 = arith.constant 0 : index
    %swap3A_234 = arith.constant 0 : index
    %swap3A_235 = vector.load %arg4[%swap3A_230, %swap3A_231, %swap3A_232, %swap3A_233, %swap3A_234] : memref<1x8x128x8x128xf32, #tpu.memory_space<vmem>>, vector<1x8x1x8x128xf32>
    %swap3A_236 = vector.shape_cast %swap3A_235 : vector<1x8x1x8x128xf32> to vector<8x8x128xf32>
    %swap3A_237 = vector.shape_cast %reshape3A_229 : vector<8x8x128xf32> to vector<1x8x1x8x128xf32>
    tpu.vector_store %arg4[%swap3A_230, %swap3A_231, %swap3A_232, %swap3A_233, %swap3A_234], %swap3A_237 {strides = array<i32>} : memref<1x8x128x8x128xf32, #tpu.memory_space<vmem>>, vector<1x8x1x8x128xf32>,
    %slice3A_238 = vector.extract_strided_slice %dot_general3A_10 {offsets = [0, 2944], sizes = [64, 128], strides = [1, 1]} : vector<64x16384xf32> to vector<64x128xf32>
    %reshape3A_239 = vector.shape_cast %slice3A_238 : vector<64x128xf32> to vector<8x8x128xf32>
    %swap3A_240 = arith.constant 0 : index
    %swap3A_241 = arith.constant 0 : index
    %swap3A_242 = arith.constant 23 : index
    %swap3A_243 = arith.constant 0 : index
    %swap3A_244 = arith.constant 0 : index
    %swap3A_245 = vector.load %arg4[%swap3A_240, %swap3A_241, %swap3A_242, %swap3A_243, %swap3A_244] : memref<1x8x128x8x128xf32, #tpu.memory_space<vmem>>, vector<1x8x1x8x128xf32>
    %swap3A_246 = vector.shape_cast %swap3A_245 : vector<1x8x1x8x128xf32> to vector<8x8x128xf32>
    %swap3A_247 = vector.shape_cast %reshape3A_239 : vector<8x8x128xf32> to vector<1x8x1x8x128xf32>
    tpu.vector_store %arg4[%swap3A_240, %swap3A_241, %swap3A_242, %swap3A_243, %swap3A_244], %swap3A_247 {strides = array<i32>} : memref<1x8x128x8x128xf32, #tpu.memory_space<vmem>>, vector<1x8x1x8x128xf32>,
    %slice3A_248 = vector.extract_strided_slice %dot_general3A_10 {offsets = [0, 3072], sizes = [64, 128], strides = [1, 1]} : vector<64x16384xf32> to vector<64x128xf32>
    %reshape3A_249 = vector.shape_cast %slice3A_248 : vector<64x128xf32> to vector<8x8x128xf32>
    %swap3A_250 = arith.constant 0 : index
    %swap3A_251 = arith.constant 0 : index
    %swap3A_252 = arith.constant 24 : index
    %swap3A_253 = arith.constant 0 : index
    %swap3A_254 = arith.constant 0 : index
    %swap3A_255 = vector.load %arg4[%swap3A_250, %swap3A_251, %swap3A_252, %swap3A_253, %swap3A_254] : memref<1x8x128x8x128xf32, #tpu.memory_space<vmem>>, vector<1x8x1x8x128xf32>
    %swap3A_256 = vector.shape_cast %swap3A_255 : vector<1x8x1x8x128xf32> to vector<8x8x128xf32>
    %swap3A_257 = vector.shape_cast %reshape3A_249 : vector<8x8x128xf32> to vector<1x8x1x8x128xf32>
    tpu.vector_store %arg4[%swap3A_250, %swap3A_251, %swap3A_252, %swap3A_253, %swap3A_254], %swap3A_257 {strides = array<i32>} : memref<1x8x128x8x128xf32, #tpu.memory_space<vmem>>, vector<1x8x1x8x128xf32>,
    %slice3A_258 = vector.extract_strided_slice %dot_general3A_10 {offsets = [0, 3200], sizes = [64, 128], strides = [1, 1]} : vector<64x16384xf32> to vector<64x128xf32>
    %reshape3A_259 = vector.shape_cast %slice3A_258 : vector<64x128xf32> to vector<8x8x128xf32>
    %swap3A_260 = arith.constant 0 : index
    %swap3A_261 = arith.constant 0 : index
    %swap3A_262 = arith.constant 25 : index
    %swap3A_263 = arith.constant 0 : index
    %swap3A_264 = arith.constant 0 : index
    %swap3A_265 = vector.load %arg4[%swap3A_260, %swap3A_261, %swap3A_262, %swap3A_263, %swap3A_264] : memref<1x8x128x8x128xf32, #tpu.memory_space<vmem>>, vector<1x8x1x8x128xf32>
    %swap3A_266 = vector.shape_cast %swap3A_265 : vector<1x8x1x8x128xf32> to vector<8x8x128xf32>
    %swap3A_267 = vector.shape_cast %reshape3A_259 : vector<8x8x128xf32> to vector<1x8x1x8x128xf32>
    tpu.vector_store %arg4[%swap3A_260, %swap3A_261, %swap3A_262, %swap3A_263, %swap3A_264], %swap3A_267 {strides = array<i32>} : memref<1x8x128x8x128xf32, #tpu.memory_space<vmem>>, vector<1x8x1x8x128xf32>,
    %slice3A_268 = vector.extract_strided_slice %dot_general3A_10 {offsets = [0, 3328], sizes = [64, 128], strides = [1, 1]} : vector<64x16384xf32> to vector<64x128xf32>
    %reshape3A_269 = vector.shape_cast %slice3A_268 : vector<64x128xf32> to vector<8x8x128xf32>
    %swap3A_270 = arith.constant 0 : index
    %swap3A_271 = arith.constant 0 : index
    %swap3A_272 = arith.constant 26 : index
    %swap3A_273 = arith.constant 0 : index
    %swap3A_274 = arith.constant 0 : index
    %swap3A_275 = vector.load %arg4[%swap3A_270, %swap3A_271, %swap3A_272, %swap3A_273, %swap3A_274] : memref<1x8x128x8x128xf32, #tpu.memory_space<vmem>>, vector<1x8x1x8x128xf32>
    %swap3A_276 = vector.shape_cast %swap3A_275 : vector<1x8x1x8x128xf32> to vector<8x8x128xf32>
    %swap3A_277 = vector.shape_cast %reshape3A_269 : vector<8x8x128xf32> to vector<1x8x1x8x128xf32>
    tpu.vector_store %arg4[%swap3A_270, %swap3A_271, %swap3A_272, %swap3A_273, %swap3A_274], %swap3A_277 {strides = array<i32>} : memref<1x8x128x8x128xf32, #tpu.memory_space<vmem>>, vector<1x8x1x8x128xf32>,
    %slice3A_278 = vector.extract_strided_slice %dot_general3A_10 {offsets = [0, 3456], sizes = [64, 128], strides = [1, 1]} : vector<64x16384xf32> to vector<64x128xf32>
    %reshape3A_279 = vector.shape_cast %slice3A_278 : vector<64x128xf32> to vector<8x8x128xf32>
    %swap3A_280 = arith.constant 0 : index
    %swap3A_281 = arith.constant 0 : index
    %swap3A_282 = arith.constant 27 : index
    %swap3A_283 = arith.constant 0 : index
    %swap3A_284 = arith.constant 0 : index
    %swap3A_285 = vector.load %arg4[%swap3A_280, %swap3A_281, %swap3A_282, %swap3A_283, %swap3A_284] : memref<1x8x128x8x128xf32, #tpu.memory_space<vmem>>, vector<1x8x1x8x128xf32>
    %swap3A_286 = vector.shape_cast %swap3A_285 : vector<1x8x1x8x128xf32> to vector<8x8x128xf32>
    %swap3A_287 = vector.shape_cast %reshape3A_279 : vector<8x8x128xf32> to vector<1x8x1x8x128xf32>
    tpu.vector_store %arg4[%swap3A_280, %swap3A_281, %swap3A_282, %swap3A_283, %swap3A_284], %swap3A_287 {strides = array<i32>} : memref<1x8x128x8x128xf32, #tpu.memory_space<vmem>>, vector<1x8x1x8x128xf32>,
    %slice3A_288 = vector.extract_strided_slice %dot_general3A_10 {offsets = [0, 3584], sizes = [64, 128], strides = [1, 1]} : vector<64x16384xf32> to vector<64x128xf32>
    %reshape3A_289 = vector.shape_cast %slice3A_288 : vector<64x128xf32> to vector<8x8x128xf32>
    %swap3A_290 = arith.constant 0 : index
    %swap3A_291 = arith.constant 0 : index
    %swap3A_292 = arith.constant 28 : index
    %swap3A_293 = arith.constant 0 : index
    %swap3A_294 = arith.constant 0 : index
    %swap3A_295 = vector.load %arg4[%swap3A_290, %swap3A_291, %swap3A_292, %swap3A_293, %swap3A_294] : memref<1x8x128x8x128xf32, #tpu.memory_space<vmem>>, vector<1x8x1x8x128xf32>
    %swap3A_296 = vector.shape_cast %swap3A_295 : vector<1x8x1x8x128xf32> to vector<8x8x128xf32>
    %swap3A_297 = vector.shape_cast %reshape3A_289 : vector<8x8x128xf32> to vector<1x8x1x8x128xf32>
    tpu.vector_store %arg4[%swap3A_290, %swap3A_291, %swap3A_292, %swap3A_293, %swap3A_294], %swap3A_297 {strides = array<i32>} : memref<1x8x128x8x128xf32, #tpu.memory_space<vmem>>, vector<1x8x1x8x128xf32>,
    %slice3A_298 = vector.extract_strided_slice %dot_general3A_10 {offsets = [0, 3712], sizes = [64, 128], strides = [1, 1]} : vector<64x16384xf32> to vector<64x128xf32>
    %reshape3A_299 = vector.shape_cast %slice3A_298 : vector<64x128xf32> to vector<8x8x128xf32>
    %swap3A_300 = arith.constant 0 : index
    %swap3A_301 = arith.constant 0 : index
    %swap3A_302 = arith.constant 29 : index
    %swap3A_303 = arith.constant 0 : index
    %swap3A_304 = arith.constant 0 : index
    %swap3A_305 = vector.load %arg4[%swap3A_300, %swap3A_301, %swap3A_302, %swap3A_303, %swap3A_304] : memref<1x8x128x8x128xf32, #tpu.memory_space<vmem>>, vector<1x8x1x8x128xf32>
    %swap3A_306 = vector.shape_cast %swap3A_305 : vector<1x8x1x8x128xf32> to vector<8x8x128xf32>
    %swap3A_307 = vector.shape_cast %reshape3A_299 : vector<8x8x128xf32> to vector<1x8x1x8x128xf32>
    tpu.vector_store %arg4[%swap3A_300, %swap3A_301, %swap3A_302, %swap3A_303, %swap3A_304], %swap3A_307 {strides = array<i32>} : memref<1x8x128x8x128xf32, #tpu.memory_space<vmem>>, vector<1x8x1x8x128xf32>,
    %slice3A_308 = vector.extract_strided_slice %dot_general3A_10 {offsets = [0, 3840], sizes = [64, 128], strides = [1, 1]} : vector<64x16384xf32> to vector<64x128xf32>
    %reshape3A_309 = vector.shape_cast %slice3A_308 : vector<64x128xf32> to vector<8x8x128xf32>
    %swap3A_310 = arith.constant 0 : index
    %swap3A_311 = arith.constant 0 : index
    %swap3A_312 = arith.constant 30 : index
    %swap3A_313 = arith.constant 0 : index
    %swap3A_314 = arith.constant 0 : index
    %swap3A_315 = vector.load %arg4[%swap3A_310, %swap3A_311, %swap3A_312, %swap3A_313, %swap3A_314] : memref<1x8x128x8x128xf32, #tpu.memory_space<vmem>>, vector<1x8x1x8x128xf32>
    %swap3A_316 = vector.shape_cast %swap3A_315 : vector<1x8x1x8x128xf32> to vector<8x8x128xf32>
    %swap3A_317 = vector.shape_cast %reshape3A_309 : vector<8x8x128xf32> to vector<1x8x1x8x128xf32>
    tpu.vector_store %arg4[%swap3A_310, %swap3A_311, %swap3A_312, %swap3A_313, %swap3A_314], %swap3A_317 {strides = array<i32>} : memref<1x8x128x8x128xf32, #tpu.memory_space<vmem>>, vector<1x8x1x8x128xf32>,
    %slice3A_318 = vector.extract_strided_slice %dot_general3A_10 {offsets = [0, 3968], sizes = [64, 128], strides = [1, 1]} : vector<64x16384xf32> to vector<64x128xf32>
    %reshape3A_319 = vector.shape_cast %slice3A_318 : vector<64x128xf32> to vector<8x8x128xf32>
    %swap3A_320 = arith.constant 0 : index
    %swap3A_321 = arith.constant 0 : index
    %swap3A_322 = arith.constant 31 : index
    %swap3A_323 = arith.constant 0 : index
    %swap3A_324 = arith.constant 0 : index
    %swap3A_325 = vector.load %arg4[%swap3A_320, %swap3A_321, %swap3A_322, %swap3A_323, %swap3A_324] : memref<1x8x128x8x128xf32, #tpu.memory_space<vmem>>, vector<1x8x1x8x128xf32>
    %swap3A_326 = vector.shape_cast %swap3A_325 : vector<1x8x1x8x128xf32> to vector<8x8x128xf32>
    %swap3A_327 = vector.shape_cast %reshape3A_319 : vector<8x8x128xf32> to vector<1x8x1x8x128xf32>
    tpu.vector_store %arg4[%swap3A_320, %swap3A_321, %swap3A_322, %swap3A_323, %swap3A_324], %swap3A_327 {strides = array<i32>} : memref<1x8x128x8x128xf32, #tpu.memory_space<vmem>>, vector<1x8x1x8x128xf32>,
    %slice3A_328 = vector.extract_strided_slice %dot_general3A_10 {offsets = [0, 4096], sizes = [64, 128], strides = [1, 1]} : vector<64x16384xf32> to vector<64x128xf32>
    %reshape3A_329 = vector.shape_cast %slice3A_328 : vector<64x128xf32> to vector<8x8x128xf32>
    %swap3A_330 = arith.constant 0 : index
    %swap3A_331 = arith.constant 0 : index
    %swap3A_332 = arith.constant 32 : index
    %swap3A_333 = arith.constant 0 : index
    %swap3A_334 = arith.constant 0 : index
    %swap3A_335 = vector.load %arg4[%swap3A_330, %swap3A_331, %swap3A_332, %swap3A_333, %swap3A_334] : memref<1x8x128x8x128xf32, #tpu.memory_space<vmem>>, vector<1x8x1x8x128xf32>
    %swap3A_336 = vector.shape_cast %swap3A_335 : vector<1x8x1x8x128xf32> to vector<8x8x128xf32>
    %swap3A_337 = vector.shape_cast %reshape3A_329 : vector<8x8x128xf32> to vector<1x8x1x8x128xf32>
    tpu.vector_store %arg4[%swap3A_330, %swap3A_331, %swap3A_332, %swap3A_333, %swap3A_334], %swap3A_337 {strides = array<i32>} : memref<1x8x128x8x128xf32, #tpu.memory_space<vmem>>, vector<1x8x1x8x128xf32>,
    %slice3A_338 = vector.extract_strided_slice %dot_general3A_10 {offsets = [0, 4224], sizes = [64, 128], strides = [1, 1]} : vector<64x16384xf32> to vector<64x128xf32>
    %reshape3A_339 = vector.shape_cast %slice3A_338 : vector<64x128xf32> to vector<8x8x128xf32>
    %swap3A_340 = arith.constant 0 : index
    %swap3A_341 = arith.constant 0 : index
    %swap3A_342 = arith.constant 33 : index
    %swap3A_343 = arith.constant 0 : index
    %swap3A_344 = arith.constant 0 : index
    %swap3A_345 = vector.load %arg4[%swap3A_340, %swap3A_341, %swap3A_342, %swap3A_343, %swap3A_344] : memref<1x8x128x8x128xf32, #tpu.memory_space<vmem>>, vector<1x8x1x8x128xf32>
    %swap3A_346 = vector.shape_cast %swap3A_345 : vector<1x8x1x8x128xf32> to vector<8x8x128xf32>
    %swap3A_347 = vector.shape_cast %reshape3A_339 : vector<8x8x128xf32> to vector<1x8x1x8x128xf32>
    tpu.vector_store %arg4[%swap3A_340, %swap3A_341, %swap3A_342, %swap3A_343, %swap3A_344], %swap3A_347 {strides = array<i32>} : memref<1x8x128x8x128xf32, #tpu.memory_space<vmem>>, vector<1x8x1x8x128xf32>,
    %slice3A_348 = vector.extract_strided_slice %dot_general3A_10 {offsets = [0, 4352], sizes = [64, 128], strides = [1, 1]} : vector<64x16384xf32> to vector<64x128xf32>
    %reshape3A_349 = vector.shape_cast %slice3A_348 : vector<64x128xf32> to vector<8x8x128xf32>
    %swap3A_350 = arith.constant 0 : index
    %swap3A_351 = arith.constant 0 : index
    %swap3A_352 = arith.constant 34 : index
    %swap3A_353 = arith.constant 0 : index
    %swap3A_354 = arith.constant 0 : index
    %swap3A_355 = vector.load %arg4[%swap3A_350, %swap3A_351, %swap3A_352, %swap3A_353, %swap3A_354] : memref<1x8x128x8x128xf32, #tpu.memory_space<vmem>>, vector<1x8x1x8x128xf32>
    %swap3A_356 = vector.shape_cast %swap3A_355 : vector<1x8x1x8x128xf32> to vector<8x8x128xf32>
    %swap3A_357 = vector.shape_cast %reshape3A_349 : vector<8x8x128xf32> to vector<1x8x1x8x128xf32>
    tpu.vector_store %arg4[%swap3A_350, %swap3A_351, %swap3A_352, %swap3A_353, %swap3A_354], %swap3A_357 {strides = array<i32>} : memref<1x8x128x8x128xf32, #tpu.memory_space<vmem>>, vector<1x8x1x8x128xf32>,
    %slice3A_358 = vector.extract_strided_slice %dot_general3A_10 {offsets = [0, 4480], sizes = [64, 128], strides = [1, 1]} : vector<64x16384xf32> to vector<64x128xf32>
    %reshape3A_359 = vector.shape_cast %slice3A_358 : vector<64x128xf32> to vector<8x8x128xf32>
    %swap3A_360 = arith.constant 0 : index
    %swap3A_361 = arith.constant 0 : index
    %swap3A_362 = arith.constant 35 : index
    %swap3A_363 = arith.constant 0 : index
    %swap3A_364 = arith.constant 0 : index
    %swap3A_365 = vector.load %arg4[%swap3A_360, %swap3A_361, %swap3A_362, %swap3A_363, %swap3A_364] : memref<1x8x128x8x128xf32, #tpu.memory_space<vmem>>, vector<1x8x1x8x128xf32>
    %swap3A_366 = vector.shape_cast %swap3A_365 : vector<1x8x1x8x128xf32> to vector<8x8x128xf32>
    %swap3A_367 = vector.shape_cast %reshape3A_359 : vector<8x8x128xf32> to vector<1x8x1x8x128xf32>
    tpu.vector_store %arg4[%swap3A_360, %swap3A_361, %swap3A_362, %swap3A_363, %swap3A_364], %swap3A_367 {strides = array<i32>} : memref<1x8x128x8x128xf32, #tpu.memory_space<vmem>>, vector<1x8x1x8x128xf32>,
    %slice3A_368 = vector.extract_strided_slice %dot_general3A_10 {offsets = [0, 4608], sizes = [64, 128], strides = [1, 1]} : vector<64x16384xf32> to vector<64x128xf32>
    %reshape3A_369 = vector.shape_cast %slice3A_368 : vector<64x128xf32> to vector<8x8x128xf32>
    %swap3A_370 = arith.constant 0 : index
    %swap3A_371 = arith.constant 0 : index
    %swap3A_372 = arith.constant 36 : index
    %swap3A_373 = arith.constant 0 : index
    %swap3A_374 = arith.constant 0 : index
    %swap3A_375 = vector.load %arg4[%swap3A_370, %swap3A_371, %swap3A_372, %swap3A_373, %swap3A_374] : memref<1x8x128x8x128xf32, #tpu.memory_space<vmem>>, vector<1x8x1x8x128xf32>
    %swap3A_376 = vector.shape_cast %swap3A_375 : vector<1x8x1x8x128xf32> to vector<8x8x128xf32>
    %swap3A_377 = vector.shape_cast %reshape3A_369 : vector<8x8x128xf32> to vector<1x8x1x8x128xf32>
    tpu.vector_store %arg4[%swap3A_370, %swap3A_371, %swap3A_372, %swap3A_373, %swap3A_374], %swap3A_377 {strides = array<i32>} : memref<1x8x128x8x128xf32, #tpu.memory_space<vmem>>, vector<1x8x1x8x128xf32>,
    %slice3A_378 = vector.extract_strided_slice %dot_general3A_10 {offsets = [0, 4736], sizes = [64, 128], strides = [1, 1]} : vector<64x16384xf32> to vector<64x128xf32>
    %reshape3A_379 = vector.shape_cast %slice3A_378 : vector<64x128xf32> to vector<8x8x128xf32>
    %swap3A_380 = arith.constant 0 : index
    %swap3A_381 = arith.constant 0 : index
    %swap3A_382 = arith.constant 37 : index
    %swap3A_383 = arith.constant 0 : index
    %swap3A_384 = arith.constant 0 : index
    %swap3A_385 = vector.load %arg4[%swap3A_380, %swap3A_381, %swap3A_382, %swap3A_383, %swap3A_384] : memref<1x8x128x8x128xf32, #tpu.memory_space<vmem>>, vector<1x8x1x8x128xf32>
    %swap3A_386 = vector.shape_cast %swap3A_385 : vector<1x8x1x8x128xf32> to vector<8x8x128xf32>
    %swap3A_387 = vector.shape_cast %reshape3A_379 : vector<8x8x128xf32> to vector<1x8x1x8x128xf32>
    tpu.vector_store %arg4[%swap3A_380, %swap3A_381, %swap3A_382, %swap3A_383, %swap3A_384], %swap3A_387 {strides = array<i32>} : memref<1x8x128x8x128xf32, #tpu.memory_space<vmem>>, vector<1x8x1x8x128xf32>,
    %slice3A_388 = vector.extract_strided_slice %dot_general3A_10 {offsets = [0, 4864], sizes = [64, 128], strides = [1, 1]} : vector<64x16384xf32> to vector<64x128xf32>
    %reshape3A_389 = vector.shape_cast %slice3A_388 : vector<64x128xf32> to vector<8x8x128xf32>
    %swap3A_390 = arith.constant 0 : index
    %swap3A_391 = arith.constant 0 : index
    %swap3A_392 = arith.constant 38 : index
    %swap3A_393 = arith.constant 0 : index
    %swap3A_394 = arith.constant 0 : index
    %swap3A_395 = vector.load %arg4[%swap3A_390, %swap3A_391, %swap3A_392, %swap3A_393, %swap3A_394] : memref<1x8x128x8x128xf32, #tpu.memory_space<vmem>>, vector<1x8x1x8x128xf32>
    %swap3A_396 = vector.shape_cast %swap3A_395 : vector<1x8x1x8x128xf32> to vector<8x8x128xf32>
    %swap3A_397 = vector.shape_cast %reshape3A_389 : vector<8x8x128xf32> to vector<1x8x1x8x128xf32>
    tpu.vector_store %arg4[%swap3A_390, %swap3A_391, %swap3A_392, %swap3A_393, %swap3A_394], %swap3A_397 {strides = array<i32>} : memref<1x8x128x8x128xf32, #tpu.memory_space<vmem>>, vector<1x8x1x8x128xf32>,
    %slice3A_398 = vector.extract_strided_slice %dot_general3A_10 {offsets = [0, 4992], sizes = [64, 128], strides = [1, 1]} : vector<64x16384xf32> to vector<64x128xf32>
    %reshape3A_399 = vector.shape_cast %slice3A_398 : vector<64x128xf32> to vector<8x8x128xf32>
    %swap3A_400 = arith.constant 0 : index
    %swap3A_401 = arith.constant 0 : index
    %swap3A_402 = arith.constant 39 : index
    %swap3A_403 = arith.constant 0 : index
    %swap3A_404 = arith.constant 0 : index
    %swap3A_405 = vector.load %arg4[%swap3A_400, %swap3A_401, %swap3A_402, %swap3A_403, %swap3A_404] : memref<1x8x128x8x128xf32, #tpu.memory_space<vmem>>, vector<1x8x1x8x128xf32>
    %swap3A_406 = vector.shape_cast %swap3A_405 : vector<1x8x1x8x128xf32> to vector<8x8x128xf32>
    %swap3A_407 = vector.shape_cast %reshape3A_399 : vector<8x8x128xf32> to vector<1x8x1x8x128xf32>
    tpu.vector_store %arg4[%swap3A_400, %swap3A_401, %swap3A_402, %swap3A_403, %swap3A_404], %swap3A_407 {strides = array<i32>} : memref<1x8x128x8x128xf32, #tpu.memory_space<vmem>>, vector<1x8x1x8x128xf32>,
    %slice3A_408 = vector.extract_strided_slice %dot_general3A_10 {offsets = [0, 5120], sizes = [64, 128], strides = [1, 1]} : vector<64x16384xf32> to vector<64x128xf32>
    %reshape3A_409 = vector.shape_cast %slice3A_408 : vector<64x128xf32> to vector<8x8x128xf32>
    %swap3A_410 = arith.constant 0 : index
    %swap3A_411 = arith.constant 0 : index
    %swap3A_412 = arith.constant 40 : index
    %swap3A_413 = arith.constant 0 : index
    %swap3A_414 = arith.constant 0 : index
    %swap3A_415 = vector.load %arg4[%swap3A_410, %swap3A_411, %swap3A_412, %swap3A_413, %swap3A_414] : memref<1x8x128x8x128xf32, #tpu.memory_space<vmem>>, vector<1x8x1x8x128xf32>
    %swap3A_416 = vector.shape_cast %swap3A_415 : vector<1x8x1x8x128xf32> to vector<8x8x128xf32>
    %swap3A_417 = vector.shape_cast %reshape3A_409 : vector<8x8x128xf32> to vector<1x8x1x8x128xf32>
    tpu.vector_store %arg4[%swap3A_410, %swap3A_411, %swap3A_412, %swap3A_413, %swap3A_414], %swap3A_417 {strides = array<i32>} : memref<1x8x128x8x128xf32, #tpu.memory_space<vmem>>, vector<1x8x1x8x128xf32>,
    %slice3A_418 = vector.extract_strided_slice %dot_general3A_10 {offsets = [0, 5248], sizes = [64, 128], strides = [1, 1]} : vector<64x16384xf32> to vector<64x128xf32>
    %reshape3A_419 = vector.shape_cast %slice3A_418 : vector<64x128xf32> to vector<8x8x128xf32>
    %swap3A_420 = arith.constant 0 : index
    %swap3A_421 = arith.constant 0 : index
    %swap3A_422 = arith.constant 41 : index
    %swap3A_423 = arith.constant 0 : index
    %swap3A_424 = arith.constant 0 : index
    %swap3A_425 = vector.load %arg4[%swap3A_420, %swap3A_421, %swap3A_422, %swap3A_423, %swap3A_424] : memref<1x8x128x8x128xf32, #tpu.memory_space<vmem>>, vector<1x8x1x8x128xf32>
    %swap3A_426 = vector.shape_cast %swap3A_425 : vector<1x8x1x8x128xf32> to vector<8x8x128xf32>
    %swap3A_427 = vector.shape_cast %reshape3A_419 : vector<8x8x128xf32> to vector<1x8x1x8x128xf32>
    tpu.vector_store %arg4[%swap3A_420, %swap3A_421, %swap3A_422, %swap3A_423, %swap3A_424], %swap3A_427 {strides = array<i32>} : memref<1x8x128x8x128xf32, #tpu.memory_space<vmem>>, vector<1x8x1x8x128xf32>,
    %slice3A_428 = vector.extract_strided_slice %dot_general3A_10 {offsets = [0, 5376], sizes = [64, 128], strides = [1, 1]} : vector<64x16384xf32> to vector<64x128xf32>
    %reshape3A_429 = vector.shape_cast %slice3A_428 : vector<64x128xf32> to vector<8x8x128xf32>
    %swap3A_430 = arith.constant 0 : index
    %swap3A_431 = arith.constant 0 : index
    %swap3A_432 = arith.constant 42 : index
    %swap3A_433 = arith.constant 0 : index
    %swap3A_434 = arith.constant 0 : index
    %swap3A_435 = vector.load %arg4[%swap3A_430, %swap3A_431, %swap3A_432, %swap3A_433, %swap3A_434] : memref<1x8x128x8x128xf32, #tpu.memory_space<vmem>>, vector<1x8x1x8x128xf32>
    %swap3A_436 = vector.shape_cast %swap3A_435 : vector<1x8x1x8x128xf32> to vector<8x8x128xf32>
    %swap3A_437 = vector.shape_cast %reshape3A_429 : vector<8x8x128xf32> to vector<1x8x1x8x128xf32>
    tpu.vector_store %arg4[%swap3A_430, %swap3A_431, %swap3A_432, %swap3A_433, %swap3A_434], %swap3A_437 {strides = array<i32>} : memref<1x8x128x8x128xf32, #tpu.memory_space<vmem>>, vector<1x8x1x8x128xf32>,
    %slice3A_438 = vector.extract_strided_slice %dot_general3A_10 {offsets = [0, 5504], sizes = [64, 128], strides = [1, 1]} : vector<64x16384xf32> to vector<64x128xf32>
    %reshape3A_439 = vector.shape_cast %slice3A_438 : vector<64x128xf32> to vector<8x8x128xf32>
    %swap3A_440 = arith.constant 0 : index
    %swap3A_441 = arith.constant 0 : index
    %swap3A_442 = arith.constant 43 : index
    %swap3A_443 = arith.constant 0 : index
    %swap3A_444 = arith.constant 0 : index
    %swap3A_445 = vector.load %arg4[%swap3A_440, %swap3A_441, %swap3A_442, %swap3A_443, %swap3A_444] : memref<1x8x128x8x128xf32, #tpu.memory_space<vmem>>, vector<1x8x1x8x128xf32>
    %swap3A_446 = vector.shape_cast %swap3A_445 : vector<1x8x1x8x128xf32> to vector<8x8x128xf32>
    %swap3A_447 = vector.shape_cast %reshape3A_439 : vector<8x8x128xf32> to vector<1x8x1x8x128xf32>
    tpu.vector_store %arg4[%swap3A_440, %swap3A_441, %swap3A_442, %swap3A_443, %swap3A_444], %swap3A_447 {strides = array<i32>} : memref<1x8x128x8x128xf32, #tpu.memory_space<vmem>>, vector<1x8x1x8x128xf32>,
    %slice3A_448 = vector.extract_strided_slice %dot_general3A_10 {offsets = [0, 5632], sizes = [64, 128], strides = [1, 1]} : vector<64x16384xf32> to vector<64x128xf32>
    %reshape3A_449 = vector.shape_cast %slice3A_448 : vector<64x128xf32> to vector<8x8x128xf32>
    %swap3A_450 = arith.constant 0 : index
    %swap3A_451 = arith.constant 0 : index
    %swap3A_452 = arith.constant 44 : index
    %swap3A_453 = arith.constant 0 : index
    %swap3A_454 = arith.constant 0 : index
    %swap3A_455 = vector.load %arg4[%swap3A_450, %swap3A_451, %swap3A_452, %swap3A_453, %swap3A_454] : memref<1x8x128x8x128xf32, #tpu.memory_space<vmem>>, vector<1x8x1x8x128xf32>
    %swap3A_456 = vector.shape_cast %swap3A_455 : vector<1x8x1x8x128xf32> to vector<8x8x128xf32>
    %swap3A_457 = vector.shape_cast %reshape3A_449 : vector<8x8x128xf32> to vector<1x8x1x8x128xf32>
    tpu.vector_store %arg4[%swap3A_450, %swap3A_451, %swap3A_452, %swap3A_453, %swap3A_454], %swap3A_457 {strides = array<i32>} : memref<1x8x128x8x128xf32, #tpu.memory_space<vmem>>, vector<1x8x1x8x128xf32>,
    %slice3A_458 = vector.extract_strided_slice %dot_general3A_10 {offsets = [0, 5760], sizes = [64, 128], strides = [1, 1]} : vector<64x16384xf32> to vector<64x128xf32>
    %reshape3A_459 = vector.shape_cast %slice3A_458 : vector<64x128xf32> to vector<8x8x128xf32>
    %swap3A_460 = arith.constant 0 : index
    %swap3A_461 = arith.constant 0 : index
    %swap3A_462 = arith.constant 45 : index
    %swap3A_463 = arith.constant 0 : index
    %swap3A_464 = arith.constant 0 : index
    %swap3A_465 = vector.load %arg4[%swap3A_460, %swap3A_461, %swap3A_462, %swap3A_463, %swap3A_464] : memref<1x8x128x8x128xf32, #tpu.memory_space<vmem>>, vector<1x8x1x8x128xf32>
    %swap3A_466 = vector.shape_cast %swap3A_465 : vector<1x8x1x8x128xf32> to vector<8x8x128xf32>
    %swap3A_467 = vector.shape_cast %reshape3A_459 : vector<8x8x128xf32> to vector<1x8x1x8x128xf32>
    tpu.vector_store %arg4[%swap3A_460, %swap3A_461, %swap3A_462, %swap3A_463, %swap3A_464], %swap3A_467 {strides = array<i32>} : memref<1x8x128x8x128xf32, #tpu.memory_space<vmem>>, vector<1x8x1x8x128xf32>,
    %slice3A_468 = vector.extract_strided_slice %dot_general3A_10 {offsets = [0, 5888], sizes = [64, 128], strides = [1, 1]} : vector<64x16384xf32> to vector<64x128xf32>
    %reshape3A_469 = vector.shape_cast %slice3A_468 : vector<64x128xf32> to vector<8x8x128xf32>
    %swap3A_470 = arith.constant 0 : index
    %swap3A_471 = arith.constant 0 : index
    %swap3A_472 = arith.constant 46 : index
    %swap3A_473 = arith.constant 0 : index
    %swap3A_474 = arith.constant 0 : index
    %swap3A_475 = vector.load %arg4[%swap3A_470, %swap3A_471, %swap3A_472, %swap3A_473, %swap3A_474] : memref<1x8x128x8x128xf32, #tpu.memory_space<vmem>>, vector<1x8x1x8x128xf32>
    %swap3A_476 = vector.shape_cast %swap3A_475 : vector<1x8x1x8x128xf32> to vector<8x8x128xf32>
    %swap3A_477 = vector.shape_cast %reshape3A_469 : vector<8x8x128xf32> to vector<1x8x1x8x128xf32>
    tpu.vector_store %arg4[%swap3A_470, %swap3A_471, %swap3A_472, %swap3A_473, %swap3A_474], %swap3A_477 {strides = array<i32>} : memref<1x8x128x8x128xf32, #tpu.memory_space<vmem>>, vector<1x8x1x8x128xf32>,
    %slice3A_478 = vector.extract_strided_slice %dot_general3A_10 {offsets = [0, 6016], sizes = [64, 128], strides = [1, 1]} : vector<64x16384xf32> to vector<64x128xf32>
    %reshape3A_479 = vector.shape_cast %slice3A_478 : vector<64x128xf32> to vector<8x8x128xf32>
    %swap3A_480 = arith.constant 0 : index
    %swap3A_481 = arith.constant 0 : index
    %swap3A_482 = arith.constant 47 : index
    %swap3A_483 = arith.constant 0 : index
    %swap3A_484 = arith.constant 0 : index
    %swap3A_485 = vector.load %arg4[%swap3A_480, %swap3A_481, %swap3A_482, %swap3A_483, %swap3A_484] : memref<1x8x128x8x128xf32, #tpu.memory_space<vmem>>, vector<1x8x1x8x128xf32>
    %swap3A_486 = vector.shape_cast %swap3A_485 : vector<1x8x1x8x128xf32> to vector<8x8x128xf32>
    %swap3A_487 = vector.shape_cast %reshape3A_479 : vector<8x8x128xf32> to vector<1x8x1x8x128xf32>
    tpu.vector_store %arg4[%swap3A_480, %swap3A_481, %swap3A_482, %swap3A_483, %swap3A_484], %swap3A_487 {strides = array<i32>} : memref<1x8x128x8x128xf32, #tpu.memory_space<vmem>>, vector<1x8x1x8x128xf32>,
    %slice3A_488 = vector.extract_strided_slice %dot_general3A_10 {offsets = [0, 6144], sizes = [64, 128], strides = [1, 1]} : vector<64x16384xf32> to vector<64x128xf32>
    %reshape3A_489 = vector.shape_cast %slice3A_488 : vector<64x128xf32> to vector<8x8x128xf32>
    %swap3A_490 = arith.constant 0 : index
    %swap3A_491 = arith.constant 0 : index
    %swap3A_492 = arith.constant 48 : index
    %swap3A_493 = arith.constant 0 : index
    %swap3A_494 = arith.constant 0 : index
    %swap3A_495 = vector.load %arg4[%swap3A_490, %swap3A_491, %swap3A_492, %swap3A_493, %swap3A_494] : memref<1x8x128x8x128xf32, #tpu.memory_space<vmem>>, vector<1x8x1x8x128xf32>
    %swap3A_496 = vector.shape_cast %swap3A_495 : vector<1x8x1x8x128xf32> to vector<8x8x128xf32>
    %swap3A_497 = vector.shape_cast %reshape3A_489 : vector<8x8x128xf32> to vector<1x8x1x8x128xf32>
    tpu.vector_store %arg4[%swap3A_490, %swap3A_491, %swap3A_492, %swap3A_493, %swap3A_494], %swap3A_497 {strides = array<i32>} : memref<1x8x128x8x128xf32, #tpu.memory_space<vmem>>, vector<1x8x1x8x128xf32>,
    %slice3A_498 = vector.extract_strided_slice %dot_general3A_10 {offsets = [0, 6272], sizes = [64, 128], strides = [1, 1]} : vector<64x16384xf32> to vector<64x128xf32>
    %reshape3A_499 = vector.shape_cast %slice3A_498 : vector<64x128xf32> to vector<8x8x128xf32>
    %swap3A_500 = arith.constant 0 : index
    %swap3A_501 = arith.constant 0 : index
    %swap3A_502 = arith.constant 49 : index
    %swap3A_503 = arith.constant 0 : index
    %swap3A_504 = arith.constant 0 : index
    %swap3A_505 = vector.load %arg4[%swap3A_500, %swap3A_501, %swap3A_502, %swap3A_503, %swap3A_504] : memref<1x8x128x8x128xf32, #tpu.memory_space<vmem>>, vector<1x8x1x8x128xf32>
    %swap3A_506 = vector.shape_cast %swap3A_505 : vector<1x8x1x8x128xf32> to vector<8x8x128xf32>
    %swap3A_507 = vector.shape_cast %reshape3A_499 : vector<8x8x128xf32> to vector<1x8x1x8x128xf32>
    tpu.vector_store %arg4[%swap3A_500, %swap3A_501, %swap3A_502, %swap3A_503, %swap3A_504], %swap3A_507 {strides = array<i32>} : memref<1x8x128x8x128xf32, #tpu.memory_space<vmem>>, vector<1x8x1x8x128xf32>,
    %slice3A_508 = vector.extract_strided_slice %dot_general3A_10 {offsets = [0, 6400], sizes = [64, 128], strides = [1, 1]} : vector<64x16384xf32> to vector<64x128xf32>
    %reshape3A_509 = vector.shape_cast %slice3A_508 : vector<64x128xf32> to vector<8x8x128xf32>
    %swap3A_510 = arith.constant 0 : index
    %swap3A_511 = arith.constant 0 : index
    %swap3A_512 = arith.constant 50 : index
    %swap3A_513 = arith.constant 0 : index
    %swap3A_514 = arith.constant 0 : index
    %swap3A_515 = vector.load %arg4[%swap3A_510, %swap3A_511, %swap3A_512, %swap3A_513, %swap3A_514] : memref<1x8x128x8x128xf32, #tpu.memory_space<vmem>>, vector<1x8x1x8x128xf32>
    %swap3A_516 = vector.shape_cast %swap3A_515 : vector<1x8x1x8x128xf32> to vector<8x8x128xf32>
    %swap3A_517 = vector.shape_cast %reshape3A_509 : vector<8x8x128xf32> to vector<1x8x1x8x128xf32>
    tpu.vector_store %arg4[%swap3A_510, %swap3A_511, %swap3A_512, %swap3A_513, %swap3A_514], %swap3A_517 {strides = array<i32>} : memref<1x8x128x8x128xf32, #tpu.memory_space<vmem>>, vector<1x8x1x8x128xf32>,
    %slice3A_518 = vector.extract_strided_slice %dot_general3A_10 {offsets = [0, 6528], sizes = [64, 128], strides = [1, 1]} : vector<64x16384xf32> to vector<64x128xf32>
    %reshape3A_519 = vector.shape_cast %slice3A_518 : vector<64x128xf32> to vector<8x8x128xf32>
    %swap3A_520 = arith.constant 0 : index
    %swap3A_521 = arith.constant 0 : index
    %swap3A_522 = arith.constant 51 : index
    %swap3A_523 = arith.constant 0 : index
    %swap3A_524 = arith.constant 0 : index
    %swap3A_525 = vector.load %arg4[%swap3A_520, %swap3A_521, %swap3A_522, %swap3A_523, %swap3A_524] : memref<1x8x128x8x128xf32, #tpu.memory_space<vmem>>, vector<1x8x1x8x128xf32>
    %swap3A_526 = vector.shape_cast %swap3A_525 : vector<1x8x1x8x128xf32> to vector<8x8x128xf32>
    %swap3A_527 = vector.shape_cast %reshape3A_519 : vector<8x8x128xf32> to vector<1x8x1x8x128xf32>
    tpu.vector_store %arg4[%swap3A_520, %swap3A_521, %swap3A_522, %swap3A_523, %swap3A_524], %swap3A_527 {strides = array<i32>} : memref<1x8x128x8x128xf32, #tpu.memory_space<vmem>>, vector<1x8x1x8x128xf32>,
    %slice3A_528 = vector.extract_strided_slice %dot_general3A_10 {offsets = [0, 6656], sizes = [64, 128], strides = [1, 1]} : vector<64x16384xf32> to vector<64x128xf32>
    %reshape3A_529 = vector.shape_cast %slice3A_528 : vector<64x128xf32> to vector<8x8x128xf32>
    %swap3A_530 = arith.constant 0 : index
    %swap3A_531 = arith.constant 0 : index
    %swap3A_532 = arith.constant 52 : index
    %swap3A_533 = arith.constant 0 : index
    %swap3A_534 = arith.constant 0 : index
    %swap3A_535 = vector.load %arg4[%swap3A_530, %swap3A_531, %swap3A_532, %swap3A_533, %swap3A_534] : memref<1x8x128x8x128xf32, #tpu.memory_space<vmem>>, vector<1x8x1x8x128xf32>
    %swap3A_536 = vector.shape_cast %swap3A_535 : vector<1x8x1x8x128xf32> to vector<8x8x128xf32>
    %swap3A_537 = vector.shape_cast %reshape3A_529 : vector<8x8x128xf32> to vector<1x8x1x8x128xf32>
    tpu.vector_store %arg4[%swap3A_530, %swap3A_531, %swap3A_532, %swap3A_533, %swap3A_534], %swap3A_537 {strides = array<i32>} : memref<1x8x128x8x128xf32, #tpu.memory_space<vmem>>, vector<1x8x1x8x128xf32>,
    %slice3A_538 = vector.extract_strided_slice %dot_general3A_10 {offsets = [0, 6784], sizes = [64, 128], strides = [1, 1]} : vector<64x16384xf32> to vector<64x128xf32>
    %reshape3A_539 = vector.shape_cast %slice3A_538 : vector<64x128xf32> to vector<8x8x128xf32>
    %swap3A_540 = arith.constant 0 : index
    %swap3A_541 = arith.constant 0 : index
    %swap3A_542 = arith.constant 53 : index
    %swap3A_543 = arith.constant 0 : index
    %swap3A_544 = arith.constant 0 : index
    %swap3A_545 = vector.load %arg4[%swap3A_540, %swap3A_541, %swap3A_542, %swap3A_543, %swap3A_544] : memref<1x8x128x8x128xf32, #tpu.memory_space<vmem>>, vector<1x8x1x8x128xf32>
    %swap3A_546 = vector.shape_cast %swap3A_545 : vector<1x8x1x8x128xf32> to vector<8x8x128xf32>
    %swap3A_547 = vector.shape_cast %reshape3A_539 : vector<8x8x128xf32> to vector<1x8x1x8x128xf32>
    tpu.vector_store %arg4[%swap3A_540, %swap3A_541, %swap3A_542, %swap3A_543, %swap3A_544], %swap3A_547 {strides = array<i32>} : memref<1x8x128x8x128xf32, #tpu.memory_space<vmem>>, vector<1x8x1x8x128xf32>,
    %slice3A_548 = vector.extract_strided_slice %dot_general3A_10 {offsets = [0, 6912], sizes = [64, 128], strides = [1, 1]} : vector<64x16384xf32> to vector<64x128xf32>
    %reshape3A_549 = vector.shape_cast %slice3A_548 : vector<64x128xf32> to vector<8x8x128xf32>
    %swap3A_550 = arith.constant 0 : index
    %swap3A_551 = arith.constant 0 : index
    %swap3A_552 = arith.constant 54 : index
    %swap3A_553 = arith.constant 0 : index
    %swap3A_554 = arith.constant 0 : index
    %swap3A_555 = vector.load %arg4[%swap3A_550, %swap3A_551, %swap3A_552, %swap3A_553, %swap3A_554] : memref<1x8x128x8x128xf32, #tpu.memory_space<vmem>>, vector<1x8x1x8x128xf32>
    %swap3A_556 = vector.shape_cast %swap3A_555 : vector<1x8x1x8x128xf32> to vector<8x8x128xf32>
    %swap3A_557 = vector.shape_cast %reshape3A_549 : vector<8x8x128xf32> to vector<1x8x1x8x128xf32>
    tpu.vector_store %arg4[%swap3A_550, %swap3A_551, %swap3A_552, %swap3A_553, %swap3A_554], %swap3A_557 {strides = array<i32>} : memref<1x8x128x8x128xf32, #tpu.memory_space<vmem>>, vector<1x8x1x8x128xf32>,
    %slice3A_558 = vector.extract_strided_slice %dot_general3A_10 {offsets = [0, 7040], sizes = [64, 128], strides = [1, 1]} : vector<64x16384xf32> to vector<64x128xf32>
    %reshape3A_559 = vector.shape_cast %slice3A_558 : vector<64x128xf32> to vector<8x8x128xf32>
    %swap3A_560 = arith.constant 0 : index
    %swap3A_561 = arith.constant 0 : index
    %swap3A_562 = arith.constant 55 : index
    %swap3A_563 = arith.constant 0 : index
    %swap3A_564 = arith.constant 0 : index
    %swap3A_565 = vector.load %arg4[%swap3A_560, %swap3A_561, %swap3A_562, %swap3A_563, %swap3A_564] : memref<1x8x128x8x128xf32, #tpu.memory_space<vmem>>, vector<1x8x1x8x128xf32>
    %swap3A_566 = vector.shape_cast %swap3A_565 : vector<1x8x1x8x128xf32> to vector<8x8x128xf32>
    %swap3A_567 = vector.shape_cast %reshape3A_559 : vector<8x8x128xf32> to vector<1x8x1x8x128xf32>
    tpu.vector_store %arg4[%swap3A_560, %swap3A_561, %swap3A_562, %swap3A_563, %swap3A_564], %swap3A_567 {strides = array<i32>} : memref<1x8x128x8x128xf32, #tpu.memory_space<vmem>>, vector<1x8x1x8x128xf32>,
    %slice3A_568 = vector.extract_strided_slice %dot_general3A_10 {offsets = [0, 7168], sizes = [64, 128], strides = [1, 1]} : vector<64x16384xf32> to vector<64x128xf32>
    %reshape3A_569 = vector.shape_cast %slice3A_568 : vector<64x128xf32> to vector<8x8x128xf32>
    %swap3A_570 = arith.constant 0 : index
    %swap3A_571 = arith.constant 0 : index
    %swap3A_572 = arith.constant 56 : index
    %swap3A_573 = arith.constant 0 : index
    %swap3A_574 = arith.constant 0 : index
    %swap3A_575 = vector.load %arg4[%swap3A_570, %swap3A_571, %swap3A_572, %swap3A_573, %swap3A_574] : memref<1x8x128x8x128xf32, #tpu.memory_space<vmem>>, vector<1x8x1x8x128xf32>
    %swap3A_576 = vector.shape_cast %swap3A_575 : vector<1x8x1x8x128xf32> to vector<8x8x128xf32>
    %swap3A_577 = vector.shape_cast %reshape3A_569 : vector<8x8x128xf32> to vector<1x8x1x8x128xf32>
    tpu.vector_store %arg4[%swap3A_570, %swap3A_571, %swap3A_572, %swap3A_573, %swap3A_574], %swap3A_577 {strides = array<i32>} : memref<1x8x128x8x128xf32, #tpu.memory_space<vmem>>, vector<1x8x1x8x128xf32>,
    %slice3A_578 = vector.extract_strided_slice %dot_general3A_10 {offsets = [0, 7296], sizes = [64, 128], strides = [1, 1]} : vector<64x16384xf32> to vector<64x128xf32>
    %reshape3A_579 = vector.shape_cast %slice3A_578 : vector<64x128xf32> to vector<8x8x128xf32>
    %swap3A_580 = arith.constant 0 : index
    %swap3A_581 = arith.constant 0 : index
    %swap3A_582 = arith.constant 57 : index
    %swap3A_583 = arith.constant 0 : index
    %swap3A_584 = arith.constant 0 : index
    %swap3A_585 = vector.load %arg4[%swap3A_580, %swap3A_581, %swap3A_582, %swap3A_583, %swap3A_584] : memref<1x8x128x8x128xf32, #tpu.memory_space<vmem>>, vector<1x8x1x8x128xf32>
    %swap3A_586 = vector.shape_cast %swap3A_585 : vector<1x8x1x8x128xf32> to vector<8x8x128xf32>
    %swap3A_587 = vector.shape_cast %reshape3A_579 : vector<8x8x128xf32> to vector<1x8x1x8x128xf32>
    tpu.vector_store %arg4[%swap3A_580, %swap3A_581, %swap3A_582, %swap3A_583, %swap3A_584], %swap3A_587 {strides = array<i32>} : memref<1x8x128x8x128xf32, #tpu.memory_space<vmem>>, vector<1x8x1x8x128xf32>,
    %slice3A_588 = vector.extract_strided_slice %dot_general3A_10 {offsets = [0, 7424], sizes = [64, 128], strides = [1, 1]} : vector<64x16384xf32> to vector<64x128xf32>
    %reshape3A_589 = vector.shape_cast %slice3A_588 : vector<64x128xf32> to vector<8x8x128xf32>
    %swap3A_590 = arith.constant 0 : index
    %swap3A_591 = arith.constant 0 : index
    %swap3A_592 = arith.constant 58 : index
    %swap3A_593 = arith.constant 0 : index
    %swap3A_594 = arith.constant 0 : index
    %swap3A_595 = vector.load %arg4[%swap3A_590, %swap3A_591, %swap3A_592, %swap3A_593, %swap3A_594] : memref<1x8x128x8x128xf32, #tpu.memory_space<vmem>>, vector<1x8x1x8x128xf32>
    %swap3A_596 = vector.shape_cast %swap3A_595 : vector<1x8x1x8x128xf32> to vector<8x8x128xf32>
    %swap3A_597 = vector.shape_cast %reshape3A_589 : vector<8x8x128xf32> to vector<1x8x1x8x128xf32>
    tpu.vector_store %arg4[%swap3A_590, %swap3A_591, %swap3A_592, %swap3A_593, %swap3A_594], %swap3A_597 {strides = array<i32>} : memref<1x8x128x8x128xf32, #tpu.memory_space<vmem>>, vector<1x8x1x8x128xf32>,
    %slice3A_598 = vector.extract_strided_slice %dot_general3A_10 {offsets = [0, 7552], sizes = [64, 128], strides = [1, 1]} : vector<64x16384xf32> to vector<64x128xf32>
    %reshape3A_599 = vector.shape_cast %slice3A_598 : vector<64x128xf32> to vector<8x8x128xf32>
    %swap3A_600 = arith.constant 0 : index
    %swap3A_601 = arith.constant 0 : index
    %swap3A_602 = arith.constant 59 : index
    %swap3A_603 = arith.constant 0 : index
    %swap3A_604 = arith.constant 0 : index
    %swap3A_605 = vector.load %arg4[%swap3A_600, %swap3A_601, %swap3A_602, %swap3A_603, %swap3A_604] : memref<1x8x128x8x128xf32, #tpu.memory_space<vmem>>, vector<1x8x1x8x128xf32>
    %swap3A_606 = vector.shape_cast %swap3A_605 : vector<1x8x1x8x128xf32> to vector<8x8x128xf32>
    %swap3A_607 = vector.shape_cast %reshape3A_599 : vector<8x8x128xf32> to vector<1x8x1x8x128xf32>
    tpu.vector_store %arg4[%swap3A_600, %swap3A_601, %swap3A_602, %swap3A_603, %swap3A_604], %swap3A_607 {strides = array<i32>} : memref<1x8x128x8x128xf32, #tpu.memory_space<vmem>>, vector<1x8x1x8x128xf32>,
    %slice3A_608 = vector.extract_strided_slice %dot_general3A_10 {offsets = [0, 7680], sizes = [64, 128], strides = [1, 1]} : vector<64x16384xf32> to vector<64x128xf32>
    %reshape3A_609 = vector.shape_cast %slice3A_608 : vector<64x128xf32> to vector<8x8x128xf32>
    %swap3A_610 = arith.constant 0 : index
    %swap3A_611 = arith.constant 0 : index
    %swap3A_612 = arith.constant 60 : index
    %swap3A_613 = arith.constant 0 : index
    %swap3A_614 = arith.constant 0 : index
    %swap3A_615 = vector.load %arg4[%swap3A_610, %swap3A_611, %swap3A_612, %swap3A_613, %swap3A_614] : memref<1x8x128x8x128xf32, #tpu.memory_space<vmem>>, vector<1x8x1x8x128xf32>
    %swap3A_616 = vector.shape_cast %swap3A_615 : vector<1x8x1x8x128xf32> to vector<8x8x128xf32>
    %swap3A_617 = vector.shape_cast %reshape3A_609 : vector<8x8x128xf32> to vector<1x8x1x8x128xf32>
    tpu.vector_store %arg4[%swap3A_610, %swap3A_611, %swap3A_612, %swap3A_613, %swap3A_614], %swap3A_617 {strides = array<i32>} : memref<1x8x128x8x128xf32, #tpu.memory_space<vmem>>, vector<1x8x1x8x128xf32>,
    %slice3A_618 = vector.extract_strided_slice %dot_general3A_10 {offsets = [0, 7808], sizes = [64, 128], strides = [1, 1]} : vector<64x16384xf32> to vector<64x128xf32>
    %reshape3A_619 = vector.shape_cast %slice3A_618 : vector<64x128xf32> to vector<8x8x128xf32>
    %swap3A_620 = arith.constant 0 : index
    %swap3A_621 = arith.constant 0 : index
    %swap3A_622 = arith.constant 61 : index
    %swap3A_623 = arith.constant 0 : index
    %swap3A_624 = arith.constant 0 : index
    %swap3A_625 = vector.load %arg4[%swap3A_620, %swap3A_621, %swap3A_622, %swap3A_623, %swap3A_624] : memref<1x8x128x8x128xf32, #tpu.memory_space<vmem>>, vector<1x8x1x8x128xf32>
    %swap3A_626 = vector.shape_cast %swap3A_625 : vector<1x8x1x8x128xf32> to vector<8x8x128xf32>
    %swap3A_627 = vector.shape_cast %reshape3A_619 : vector<8x8x128xf32> to vector<1x8x1x8x128xf32>
    tpu.vector_store %arg4[%swap3A_620, %swap3A_621, %swap3A_622, %swap3A_623, %swap3A_624], %swap3A_627 {strides = array<i32>} : memref<1x8x128x8x128xf32, #tpu.memory_space<vmem>>, vector<1x8x1x8x128xf32>,
    %slice3A_628 = vector.extract_strided_slice %dot_general3A_10 {offsets = [0, 7936], sizes = [64, 128], strides = [1, 1]} : vector<64x16384xf32> to vector<64x128xf32>
    %reshape3A_629 = vector.shape_cast %slice3A_628 : vector<64x128xf32> to vector<8x8x128xf32>
    %swap3A_630 = arith.constant 0 : index
    %swap3A_631 = arith.constant 0 : index
    %swap3A_632 = arith.constant 62 : index
    %swap3A_633 = arith.constant 0 : index
    %swap3A_634 = arith.constant 0 : index
    %swap3A_635 = vector.load %arg4[%swap3A_630, %swap3A_631, %swap3A_632, %swap3A_633, %swap3A_634] : memref<1x8x128x8x128xf32, #tpu.memory_space<vmem>>, vector<1x8x1x8x128xf32>
    %swap3A_636 = vector.shape_cast %swap3A_635 : vector<1x8x1x8x128xf32> to vector<8x8x128xf32>
    %swap3A_637 = vector.shape_cast %reshape3A_629 : vector<8x8x128xf32> to vector<1x8x1x8x128xf32>
    tpu.vector_store %arg4[%swap3A_630, %swap3A_631, %swap3A_632, %swap3A_633, %swap3A_634], %swap3A_637 {strides = array<i32>} : memref<1x8x128x8x128xf32, #tpu.memory_space<vmem>>, vector<1x8x1x8x128xf32>,
    %slice3A_638 = vector.extract_strided_slice %dot_general3A_10 {offsets = [0, 8064], sizes = [64, 128], strides = [1, 1]} : vector<64x16384xf32> to vector<64x128xf32>
    %reshape3A_639 = vector.shape_cast %slice3A_638 : vector<64x128xf32> to vector<8x8x128xf32>
    %swap3A_640 = arith.constant 0 : index
    %swap3A_641 = arith.constant 0 : index
    %swap3A_642 = arith.constant 63 : index
    %swap3A_643 = arith.constant 0 : index
    %swap3A_644 = arith.constant 0 : index
    %swap3A_645 = vector.load %arg4[%swap3A_640, %swap3A_641, %swap3A_642, %swap3A_643, %swap3A_644] : memref<1x8x128x8x128xf32, #tpu.memory_space<vmem>>, vector<1x8x1x8x128xf32>
    %swap3A_646 = vector.shape_cast %swap3A_645 : vector<1x8x1x8x128xf32> to vector<8x8x128xf32>
    %swap3A_647 = vector.shape_cast %reshape3A_639 : vector<8x8x128xf32> to vector<1x8x1x8x128xf32>
    tpu.vector_store %arg4[%swap3A_640, %swap3A_641, %swap3A_642, %swap3A_643, %swap3A_644], %swap3A_647 {strides = array<i32>} : memref<1x8x128x8x128xf32, #tpu.memory_space<vmem>>, vector<1x8x1x8x128xf32>,
    %slice3A_648 = vector.extract_strided_slice %dot_general3A_10 {offsets = [0, 8192], sizes = [64, 128], strides = [1, 1]} : vector<64x16384xf32> to vector<64x128xf32>
    %reshape3A_649 = vector.shape_cast %slice3A_648 : vector<64x128xf32> to vector<8x8x128xf32>
    %swap3A_650 = arith.constant 0 : index
    %swap3A_651 = arith.constant 0 : index
    %swap3A_652 = arith.constant 64 : index
    %swap3A_653 = arith.constant 0 : index
    %swap3A_654 = arith.constant 0 : index
    %swap3A_655 = vector.load %arg4[%swap3A_650, %swap3A_651, %swap3A_652, %swap3A_653, %swap3A_654] : memref<1x8x128x8x128xf32, #tpu.memory_space<vmem>>, vector<1x8x1x8x128xf32>
    %swap3A_656 = vector.shape_cast %swap3A_655 : vector<1x8x1x8x128xf32> to vector<8x8x128xf32>
    %swap3A_657 = vector.shape_cast %reshape3A_649 : vector<8x8x128xf32> to vector<1x8x1x8x128xf32>
    tpu.vector_store %arg4[%swap3A_650, %swap3A_651, %swap3A_652, %swap3A_653, %swap3A_654], %swap3A_657 {strides = array<i32>} : memref<1x8x128x8x128xf32, #tpu.memory_space<vmem>>, vector<1x8x1x8x128xf32>,
    %slice3A_658 = vector.extract_strided_slice %dot_general3A_10 {offsets = [0, 8320], sizes = [64, 128], strides = [1, 1]} : vector<64x16384xf32> to vector<64x128xf32>
    %reshape3A_659 = vector.shape_cast %slice3A_658 : vector<64x128xf32> to vector<8x8x128xf32>
    %swap3A_660 = arith.constant 0 : index
    %swap3A_661 = arith.constant 0 : index
    %swap3A_662 = arith.constant 65 : index
    %swap3A_663 = arith.constant 0 : index
    %swap3A_664 = arith.constant 0 : index
    %swap3A_665 = vector.load %arg4[%swap3A_660, %swap3A_661, %swap3A_662, %swap3A_663, %swap3A_664] : memref<1x8x128x8x128xf32, #tpu.memory_space<vmem>>, vector<1x8x1x8x128xf32>
    %swap3A_666 = vector.shape_cast %swap3A_665 : vector<1x8x1x8x128xf32> to vector<8x8x128xf32>
    %swap3A_667 = vector.shape_cast %reshape3A_659 : vector<8x8x128xf32> to vector<1x8x1x8x128xf32>
    tpu.vector_store %arg4[%swap3A_660, %swap3A_661, %swap3A_662, %swap3A_663, %swap3A_664], %swap3A_667 {strides = array<i32>} : memref<1x8x128x8x128xf32, #tpu.memory_space<vmem>>, vector<1x8x1x8x128xf32>,
    %slice3A_668 = vector.extract_strided_slice %dot_general3A_10 {offsets = [0, 8448], sizes = [64, 128], strides = [1, 1]} : vector<64x16384xf32> to vector<64x128xf32>
    %reshape3A_669 = vector.shape_cast %slice3A_668 : vector<64x128xf32> to vector<8x8x128xf32>
    %swap3A_670 = arith.constant 0 : index
    %swap3A_671 = arith.constant 0 : index
    %swap3A_672 = arith.constant 66 : index
    %swap3A_673 = arith.constant 0 : index
    %swap3A_674 = arith.constant 0 : index
    %swap3A_675 = vector.load %arg4[%swap3A_670, %swap3A_671, %swap3A_672, %swap3A_673, %swap3A_674] : memref<1x8x128x8x128xf32, #tpu.memory_space<vmem>>, vector<1x8x1x8x128xf32>
    %swap3A_676 = vector.shape_cast %swap3A_675 : vector<1x8x1x8x128xf32> to vector<8x8x128xf32>
    %swap3A_677 = vector.shape_cast %reshape3A_669 : vector<8x8x128xf32> to vector<1x8x1x8x128xf32>
    tpu.vector_store %arg4[%swap3A_670, %swap3A_671, %swap3A_672, %swap3A_673, %swap3A_674], %swap3A_677 {strides = array<i32>} : memref<1x8x128x8x128xf32, #tpu.memory_space<vmem>>, vector<1x8x1x8x128xf32>,
    %slice3A_678 = vector.extract_strided_slice %dot_general3A_10 {offsets = [0, 8576], sizes = [64, 128], strides = [1, 1]} : vector<64x16384xf32> to vector<64x128xf32>
    %reshape3A_679 = vector.shape_cast %slice3A_678 : vector<64x128xf32> to vector<8x8x128xf32>
    %swap3A_680 = arith.constant 0 : index
    %swap3A_681 = arith.constant 0 : index
    %swap3A_682 = arith.constant 67 : index
    %swap3A_683 = arith.constant 0 : index
    %swap3A_684 = arith.constant 0 : index
    %swap3A_685 = vector.load %arg4[%swap3A_680, %swap3A_681, %swap3A_682, %swap3A_683, %swap3A_684] : memref<1x8x128x8x128xf32, #tpu.memory_space<vmem>>, vector<1x8x1x8x128xf32>
    %swap3A_686 = vector.shape_cast %swap3A_685 : vector<1x8x1x8x128xf32> to vector<8x8x128xf32>
    %swap3A_687 = vector.shape_cast %reshape3A_679 : vector<8x8x128xf32> to vector<1x8x1x8x128xf32>
    tpu.vector_store %arg4[%swap3A_680, %swap3A_681, %swap3A_682, %swap3A_683, %swap3A_684], %swap3A_687 {strides = array<i32>} : memref<1x8x128x8x128xf32, #tpu.memory_space<vmem>>, vector<1x8x1x8x128xf32>,
    %slice3A_688 = vector.extract_strided_slice %dot_general3A_10 {offsets = [0, 8704], sizes = [64, 128], strides = [1, 1]} : vector<64x16384xf32> to vector<64x128xf32>
    %reshape3A_689 = vector.shape_cast %slice3A_688 : vector<64x128xf32> to vector<8x8x128xf32>
    %swap3A_690 = arith.constant 0 : index
    %swap3A_691 = arith.constant 0 : index
    %swap3A_692 = arith.constant 68 : index
    %swap3A_693 = arith.constant 0 : index
    %swap3A_694 = arith.constant 0 : index
    %swap3A_695 = vector.load %arg4[%swap3A_690, %swap3A_691, %swap3A_692, %swap3A_693, %swap3A_694] : memref<1x8x128x8x128xf32, #tpu.memory_space<vmem>>, vector<1x8x1x8x128xf32>
    %swap3A_696 = vector.shape_cast %swap3A_695 : vector<1x8x1x8x128xf32> to vector<8x8x128xf32>
    %swap3A_697 = vector.shape_cast %reshape3A_689 : vector<8x8x128xf32> to vector<1x8x1x8x128xf32>
    tpu.vector_store %arg4[%swap3A_690, %swap3A_691, %swap3A_692, %swap3A_693, %swap3A_694], %swap3A_697 {strides = array<i32>} : memref<1x8x128x8x128xf32, #tpu.memory_space<vmem>>, vector<1x8x1x8x128xf32>,
    %slice3A_698 = vector.extract_strided_slice %dot_general3A_10 {offsets = [0, 8832], sizes = [64, 128], strides = [1, 1]} : vector<64x16384xf32> to vector<64x128xf32>
    %reshape3A_699 = vector.shape_cast %slice3A_698 : vector<64x128xf32> to vector<8x8x128xf32>
    %swap3A_700 = arith.constant 0 : index
    %swap3A_701 = arith.constant 0 : index
    %swap3A_702 = arith.constant 69 : index
    %swap3A_703 = arith.constant 0 : index
    %swap3A_704 = arith.constant 0 : index
    %swap3A_705 = vector.load %arg4[%swap3A_700, %swap3A_701, %swap3A_702, %swap3A_703, %swap3A_704] : memref<1x8x128x8x128xf32, #tpu.memory_space<vmem>>, vector<1x8x1x8x128xf32>
    %swap3A_706 = vector.shape_cast %swap3A_705 : vector<1x8x1x8x128xf32> to vector<8x8x128xf32>
    %swap3A_707 = vector.shape_cast %reshape3A_699 : vector<8x8x128xf32> to vector<1x8x1x8x128xf32>
    tpu.vector_store %arg4[%swap3A_700, %swap3A_701, %swap3A_702, %swap3A_703, %swap3A_704], %swap3A_707 {strides = array<i32>} : memref<1x8x128x8x128xf32, #tpu.memory_space<vmem>>, vector<1x8x1x8x128xf32>,
    %slice3A_708 = vector.extract_strided_slice %dot_general3A_10 {offsets = [0, 8960], sizes = [64, 128], strides = [1, 1]} : vector<64x16384xf32> to vector<64x128xf32>
    %reshape3A_709 = vector.shape_cast %slice3A_708 : vector<64x128xf32> to vector<8x8x128xf32>
    %swap3A_710 = arith.constant 0 : index
    %swap3A_711 = arith.constant 0 : index
    %swap3A_712 = arith.constant 70 : index
    %swap3A_713 = arith.constant 0 : index
    %swap3A_714 = arith.constant 0 : index
    %swap3A_715 = vector.load %arg4[%swap3A_710, %swap3A_711, %swap3A_712, %swap3A_713, %swap3A_714] : memref<1x8x128x8x128xf32, #tpu.memory_space<vmem>>, vector<1x8x1x8x128xf32>
    %swap3A_716 = vector.shape_cast %swap3A_715 : vector<1x8x1x8x128xf32> to vector<8x8x128xf32>
    %swap3A_717 = vector.shape_cast %reshape3A_709 : vector<8x8x128xf32> to vector<1x8x1x8x128xf32>
    tpu.vector_store %arg4[%swap3A_710, %swap3A_711, %swap3A_712, %swap3A_713, %swap3A_714], %swap3A_717 {strides = array<i32>} : memref<1x8x128x8x128xf32, #tpu.memory_space<vmem>>, vector<1x8x1x8x128xf32>,
    %slice3A_718 = vector.extract_strided_slice %dot_general3A_10 {offsets = [0, 9088], sizes = [64, 128], strides = [1, 1]} : vector<64x16384xf32> to vector<64x128xf32>
    %reshape3A_719 = vector.shape_cast %slice3A_718 : vector<64x128xf32> to vector<8x8x128xf32>
    %swap3A_720 = arith.constant 0 : index
    %swap3A_721 = arith.constant 0 : index
    %swap3A_722 = arith.constant 71 : index
    %swap3A_723 = arith.constant 0 : index
    %swap3A_724 = arith.constant 0 : index
    %swap3A_725 = vector.load %arg4[%swap3A_720, %swap3A_721, %swap3A_722, %swap3A_723, %swap3A_724] : memref<1x8x128x8x128xf32, #tpu.memory_space<vmem>>, vector<1x8x1x8x128xf32>
    %swap3A_726 = vector.shape_cast %swap3A_725 : vector<1x8x1x8x128xf32> to vector<8x8x128xf32>
    %swap3A_727 = vector.shape_cast %reshape3A_719 : vector<8x8x128xf32> to vector<1x8x1x8x128xf32>
    tpu.vector_store %arg4[%swap3A_720, %swap3A_721, %swap3A_722, %swap3A_723, %swap3A_724], %swap3A_727 {strides = array<i32>} : memref<1x8x128x8x128xf32, #tpu.memory_space<vmem>>, vector<1x8x1x8x128xf32>,
    %slice3A_728 = vector.extract_strided_slice %dot_general3A_10 {offsets = [0, 9216], sizes = [64, 128], strides = [1, 1]} : vector<64x16384xf32> to vector<64x128xf32>
    %reshape3A_729 = vector.shape_cast %slice3A_728 : vector<64x128xf32> to vector<8x8x128xf32>
    %swap3A_730 = arith.constant 0 : index
    %swap3A_731 = arith.constant 0 : index
    %swap3A_732 = arith.constant 72 : index
    %swap3A_733 = arith.constant 0 : index
    %swap3A_734 = arith.constant 0 : index
    %swap3A_735 = vector.load %arg4[%swap3A_730, %swap3A_731, %swap3A_732, %swap3A_733, %swap3A_734] : memref<1x8x128x8x128xf32, #tpu.memory_space<vmem>>, vector<1x8x1x8x128xf32>
    %swap3A_736 = vector.shape_cast %swap3A_735 : vector<1x8x1x8x128xf32> to vector<8x8x128xf32>
    %swap3A_737 = vector.shape_cast %reshape3A_729 : vector<8x8x128xf32> to vector<1x8x1x8x128xf32>
    tpu.vector_store %arg4[%swap3A_730, %swap3A_731, %swap3A_732, %swap3A_733, %swap3A_734], %swap3A_737 {strides = array<i32>} : memref<1x8x128x8x128xf32, #tpu.memory_space<vmem>>, vector<1x8x1x8x128xf32>,
    %slice3A_738 = vector.extract_strided_slice %dot_general3A_10 {offsets = [0, 9344], sizes = [64, 128], strides = [1, 1]} : vector<64x16384xf32> to vector<64x128xf32>
    %reshape3A_739 = vector.shape_cast %slice3A_738 : vector<64x128xf32> to vector<8x8x128xf32>
    %swap3A_740 = arith.constant 0 : index
    %swap3A_741 = arith.constant 0 : index
    %swap3A_742 = arith.constant 73 : index
    %swap3A_743 = arith.constant 0 : index
    %swap3A_744 = arith.constant 0 : index
    %swap3A_745 = vector.load %arg4[%swap3A_740, %swap3A_741, %swap3A_742, %swap3A_743, %swap3A_744] : memref<1x8x128x8x128xf32, #tpu.memory_space<vmem>>, vector<1x8x1x8x128xf32>
    %swap3A_746 = vector.shape_cast %swap3A_745 : vector<1x8x1x8x128xf32> to vector<8x8x128xf32>
    %swap3A_747 = vector.shape_cast %reshape3A_739 : vector<8x8x128xf32> to vector<1x8x1x8x128xf32>
    tpu.vector_store %arg4[%swap3A_740, %swap3A_741, %swap3A_742, %swap3A_743, %swap3A_744], %swap3A_747 {strides = array<i32>} : memref<1x8x128x8x128xf32, #tpu.memory_space<vmem>>, vector<1x8x1x8x128xf32>,
    %slice3A_748 = vector.extract_strided_slice %dot_general3A_10 {offsets = [0, 9472], sizes = [64, 128], strides = [1, 1]} : vector<64x16384xf32> to vector<64x128xf32>
    %reshape3A_749 = vector.shape_cast %slice3A_748 : vector<64x128xf32> to vector<8x8x128xf32>
    %swap3A_750 = arith.constant 0 : index
    %swap3A_751 = arith.constant 0 : index
    %swap3A_752 = arith.constant 74 : index
    %swap3A_753 = arith.constant 0 : index
    %swap3A_754 = arith.constant 0 : index
    %swap3A_755 = vector.load %arg4[%swap3A_750, %swap3A_751, %swap3A_752, %swap3A_753, %swap3A_754] : memref<1x8x128x8x128xf32, #tpu.memory_space<vmem>>, vector<1x8x1x8x128xf32>
    %swap3A_756 = vector.shape_cast %swap3A_755 : vector<1x8x1x8x128xf32> to vector<8x8x128xf32>
    %swap3A_757 = vector.shape_cast %reshape3A_749 : vector<8x8x128xf32> to vector<1x8x1x8x128xf32>
    tpu.vector_store %arg4[%swap3A_750, %swap3A_751, %swap3A_752, %swap3A_753, %swap3A_754], %swap3A_757 {strides = array<i32>} : memref<1x8x128x8x128xf32, #tpu.memory_space<vmem>>, vector<1x8x1x8x128xf32>,
    %slice3A_758 = vector.extract_strided_slice %dot_general3A_10 {offsets = [0, 9600], sizes = [64, 128], strides = [1, 1]} : vector<64x16384xf32> to vector<64x128xf32>
    %reshape3A_759 = vector.shape_cast %slice3A_758 : vector<64x128xf32> to vector<8x8x128xf32>
    %swap3A_760 = arith.constant 0 : index
    %swap3A_761 = arith.constant 0 : index
    %swap3A_762 = arith.constant 75 : index
    %swap3A_763 = arith.constant 0 : index
    %swap3A_764 = arith.constant 0 : index
    %swap3A_765 = vector.load %arg4[%swap3A_760, %swap3A_761, %swap3A_762, %swap3A_763, %swap3A_764] : memref<1x8x128x8x128xf32, #tpu.memory_space<vmem>>, vector<1x8x1x8x128xf32>
    %swap3A_766 = vector.shape_cast %swap3A_765 : vector<1x8x1x8x128xf32> to vector<8x8x128xf32>
    %swap3A_767 = vector.shape_cast %reshape3A_759 : vector<8x8x128xf32> to vector<1x8x1x8x128xf32>
    tpu.vector_store %arg4[%swap3A_760, %swap3A_761, %swap3A_762, %swap3A_763, %swap3A_764], %swap3A_767 {strides = array<i32>} : memref<1x8x128x8x128xf32, #tpu.memory_space<vmem>>, vector<1x8x1x8x128xf32>,
    %slice3A_768 = vector.extract_strided_slice %dot_general3A_10 {offsets = [0, 9728], sizes = [64, 128], strides = [1, 1]} : vector<64x16384xf32> to vector<64x128xf32>
    %reshape3A_769 = vector.shape_cast %slice3A_768 : vector<64x128xf32> to vector<8x8x128xf32>
    %swap3A_770 = arith.constant 0 : index
    %swap3A_771 = arith.constant 0 : index
    %swap3A_772 = arith.constant 76 : index
    %swap3A_773 = arith.constant 0 : index
    %swap3A_774 = arith.constant 0 : index
    %swap3A_775 = vector.load %arg4[%swap3A_770, %swap3A_771, %swap3A_772, %swap3A_773, %swap3A_774] : memref<1x8x128x8x128xf32, #tpu.memory_space<vmem>>, vector<1x8x1x8x128xf32>
    %swap3A_776 = vector.shape_cast %swap3A_775 : vector<1x8x1x8x128xf32> to vector<8x8x128xf32>
    %swap3A_777 = vector.shape_cast %reshape3A_769 : vector<8x8x128xf32> to vector<1x8x1x8x128xf32>
    tpu.vector_store %arg4[%swap3A_770, %swap3A_771, %swap3A_772, %swap3A_773, %swap3A_774], %swap3A_777 {strides = array<i32>} : memref<1x8x128x8x128xf32, #tpu.memory_space<vmem>>, vector<1x8x1x8x128xf32>,
    %slice3A_778 = vector.extract_strided_slice %dot_general3A_10 {offsets = [0, 9856], sizes = [64, 128], strides = [1, 1]} : vector<64x16384xf32> to vector<64x128xf32>
    %reshape3A_779 = vector.shape_cast %slice3A_778 : vector<64x128xf32> to vector<8x8x128xf32>
    %swap3A_780 = arith.constant 0 : index
    %swap3A_781 = arith.constant 0 : index
    %swap3A_782 = arith.constant 77 : index
    %swap3A_783 = arith.constant 0 : index
    %swap3A_784 = arith.constant 0 : index
    %swap3A_785 = vector.load %arg4[%swap3A_780, %swap3A_781, %swap3A_782, %swap3A_783, %swap3A_784] : memref<1x8x128x8x128xf32, #tpu.memory_space<vmem>>, vector<1x8x1x8x128xf32>
    %swap3A_786 = vector.shape_cast %swap3A_785 : vector<1x8x1x8x128xf32> to vector<8x8x128xf32>
    %swap3A_787 = vector.shape_cast %reshape3A_779 : vector<8x8x128xf32> to vector<1x8x1x8x128xf32>
    tpu.vector_store %arg4[%swap3A_780, %swap3A_781, %swap3A_782, %swap3A_783, %swap3A_784], %swap3A_787 {strides = array<i32>} : memref<1x8x128x8x128xf32, #tpu.memory_space<vmem>>, vector<1x8x1x8x128xf32>,
    %slice3A_788 = vector.extract_strided_slice %dot_general3A_10 {offsets = [0, 9984], sizes = [64, 128], strides = [1, 1]} : vector<64x16384xf32> to vector<64x128xf32>
    %reshape3A_789 = vector.shape_cast %slice3A_788 : vector<64x128xf32> to vector<8x8x128xf32>
    %swap3A_790 = arith.constant 0 : index
    %swap3A_791 = arith.constant 0 : index
    %swap3A_792 = arith.constant 78 : index
    %swap3A_793 = arith.constant 0 : index
    %swap3A_794 = arith.constant 0 : index
    %swap3A_795 = vector.load %arg4[%swap3A_790, %swap3A_791, %swap3A_792, %swap3A_793, %swap3A_794] : memref<1x8x128x8x128xf32, #tpu.memory_space<vmem>>, vector<1x8x1x8x128xf32>
    %swap3A_796 = vector.shape_cast %swap3A_795 : vector<1x8x1x8x128xf32> to vector<8x8x128xf32>
    %swap3A_797 = vector.shape_cast %reshape3A_789 : vector<8x8x128xf32> to vector<1x8x1x8x128xf32>
    tpu.vector_store %arg4[%swap3A_790, %swap3A_791, %swap3A_792, %swap3A_793, %swap3A_794], %swap3A_797 {strides = array<i32>} : memref<1x8x128x8x128xf32, #tpu.memory_space<vmem>>, vector<1x8x1x8x128xf32>,
    %slice3A_798 = vector.extract_strided_slice %dot_general3A_10 {offsets = [0, 10112], sizes = [64, 128], strides = [1, 1]} : vector<64x16384xf32> to vector<64x128xf32>
    %reshape3A_799 = vector.shape_cast %slice3A_798 : vector<64x128xf32> to vector<8x8x128xf32>
    %swap3A_800 = arith.constant 0 : index
    %swap3A_801 = arith.constant 0 : index
    %swap3A_802 = arith.constant 79 : index
    %swap3A_803 = arith.constant 0 : index
    %swap3A_804 = arith.constant 0 : index
    %swap3A_805 = vector.load %arg4[%swap3A_800, %swap3A_801, %swap3A_802, %swap3A_803, %swap3A_804] : memref<1x8x128x8x128xf32, #tpu.memory_space<vmem>>, vector<1x8x1x8x128xf32>
    %swap3A_806 = vector.shape_cast %swap3A_805 : vector<1x8x1x8x128xf32> to vector<8x8x128xf32>
    %swap3A_807 = vector.shape_cast %reshape3A_799 : vector<8x8x128xf32> to vector<1x8x1x8x128xf32>
    tpu.vector_store %arg4[%swap3A_800, %swap3A_801, %swap3A_802, %swap3A_803, %swap3A_804], %swap3A_807 {strides = array<i32>} : memref<1x8x128x8x128xf32, #tpu.memory_space<vmem>>, vector<1x8x1x8x128xf32>,
    %slice3A_808 = vector.extract_strided_slice %dot_general3A_10 {offsets = [0, 10240], sizes = [64, 128], strides = [1, 1]} : vector<64x16384xf32> to vector<64x128xf32>
    %reshape3A_809 = vector.shape_cast %slice3A_808 : vector<64x128xf32> to vector<8x8x128xf32>
    %swap3A_810 = arith.constant 0 : index
    %swap3A_811 = arith.constant 0 : index
    %swap3A_812 = arith.constant 80 : index
    %swap3A_813 = arith.constant 0 : index
    %swap3A_814 = arith.constant 0 : index
    %swap3A_815 = vector.load %arg4[%swap3A_810, %swap3A_811, %swap3A_812, %swap3A_813, %swap3A_814] : memref<1x8x128x8x128xf32, #tpu.memory_space<vmem>>, vector<1x8x1x8x128xf32>
    %swap3A_816 = vector.shape_cast %swap3A_815 : vector<1x8x1x8x128xf32> to vector<8x8x128xf32>
    %swap3A_817 = vector.shape_cast %reshape3A_809 : vector<8x8x128xf32> to vector<1x8x1x8x128xf32>
    tpu.vector_store %arg4[%swap3A_810, %swap3A_811, %swap3A_812, %swap3A_813, %swap3A_814], %swap3A_817 {strides = array<i32>} : memref<1x8x128x8x128xf32, #tpu.memory_space<vmem>>, vector<1x8x1x8x128xf32>,
    %slice3A_818 = vector.extract_strided_slice %dot_general3A_10 {offsets = [0, 10368], sizes = [64, 128], strides = [1, 1]} : vector<64x16384xf32> to vector<64x128xf32>
    %reshape3A_819 = vector.shape_cast %slice3A_818 : vector<64x128xf32> to vector<8x8x128xf32>
    %swap3A_820 = arith.constant 0 : index
    %swap3A_821 = arith.constant 0 : index
    %swap3A_822 = arith.constant 81 : index
    %swap3A_823 = arith.constant 0 : index
    %swap3A_824 = arith.constant 0 : index
    %swap3A_825 = vector.load %arg4[%swap3A_820, %swap3A_821, %swap3A_822, %swap3A_823, %swap3A_824] : memref<1x8x128x8x128xf32, #tpu.memory_space<vmem>>, vector<1x8x1x8x128xf32>
    %swap3A_826 = vector.shape_cast %swap3A_825 : vector<1x8x1x8x128xf32> to vector<8x8x128xf32>
    %swap3A_827 = vector.shape_cast %reshape3A_819 : vector<8x8x128xf32> to vector<1x8x1x8x128xf32>
    tpu.vector_store %arg4[%swap3A_820, %swap3A_821, %swap3A_822, %swap3A_823, %swap3A_824], %swap3A_827 {strides = array<i32>} : memref<1x8x128x8x128xf32, #tpu.memory_space<vmem>>, vector<1x8x1x8x128xf32>,
    %slice3A_828 = vector.extract_strided_slice %dot_general3A_10 {offsets = [0, 10496], sizes = [64, 128], strides = [1, 1]} : vector<64x16384xf32> to vector<64x128xf32>
    %reshape3A_829 = vector.shape_cast %slice3A_828 : vector<64x128xf32> to vector<8x8x128xf32>
    %swap3A_830 = arith.constant 0 : index
    %swap3A_831 = arith.constant 0 : index
    %swap3A_832 = arith.constant 82 : index
    %swap3A_833 = arith.constant 0 : index
    %swap3A_834 = arith.constant 0 : index
    %swap3A_835 = vector.load %arg4[%swap3A_830, %swap3A_831, %swap3A_832, %swap3A_833, %swap3A_834] : memref<1x8x128x8x128xf32, #tpu.memory_space<vmem>>, vector<1x8x1x8x128xf32>
    %swap3A_836 = vector.shape_cast %swap3A_835 : vector<1x8x1x8x128xf32> to vector<8x8x128xf32>
    %swap3A_837 = vector.shape_cast %reshape3A_829 : vector<8x8x128xf32> to vector<1x8x1x8x128xf32>
    tpu.vector_store %arg4[%swap3A_830, %swap3A_831, %swap3A_832, %swap3A_833, %swap3A_834], %swap3A_837 {strides = array<i32>} : memref<1x8x128x8x128xf32, #tpu.memory_space<vmem>>, vector<1x8x1x8x128xf32>,
    %slice3A_838 = vector.extract_strided_slice %dot_general3A_10 {offsets = [0, 10624], sizes = [64, 128], strides = [1, 1]} : vector<64x16384xf32> to vector<64x128xf32>
    %reshape3A_839 = vector.shape_cast %slice3A_838 : vector<64x128xf32> to vector<8x8x128xf32>
    %swap3A_840 = arith.constant 0 : index
    %swap3A_841 = arith.constant 0 : index
    %swap3A_842 = arith.constant 83 : index
    %swap3A_843 = arith.constant 0 : index
    %swap3A_844 = arith.constant 0 : index
    %swap3A_845 = vector.load %arg4[%swap3A_840, %swap3A_841, %swap3A_842, %swap3A_843, %swap3A_844] : memref<1x8x128x8x128xf32, #tpu.memory_space<vmem>>, vector<1x8x1x8x128xf32>
    %swap3A_846 = vector.shape_cast %swap3A_845 : vector<1x8x1x8x128xf32> to vector<8x8x128xf32>
    %swap3A_847 = vector.shape_cast %reshape3A_839 : vector<8x8x128xf32> to vector<1x8x1x8x128xf32>
    tpu.vector_store %arg4[%swap3A_840, %swap3A_841, %swap3A_842, %swap3A_843, %swap3A_844], %swap3A_847 {strides = array<i32>} : memref<1x8x128x8x128xf32, #tpu.memory_space<vmem>>, vector<1x8x1x8x128xf32>,
    %slice3A_848 = vector.extract_strided_slice %dot_general3A_10 {offsets = [0, 10752], sizes = [64, 128], strides = [1, 1]} : vector<64x16384xf32> to vector<64x128xf32>
    %reshape3A_849 = vector.shape_cast %slice3A_848 : vector<64x128xf32> to vector<8x8x128xf32>
    %swap3A_850 = arith.constant 0 : index
    %swap3A_851 = arith.constant 0 : index
    %swap3A_852 = arith.constant 84 : index
    %swap3A_853 = arith.constant 0 : index
    %swap3A_854 = arith.constant 0 : index
    %swap3A_855 = vector.load %arg4[%swap3A_850, %swap3A_851, %swap3A_852, %swap3A_853, %swap3A_854] : memref<1x8x128x8x128xf32, #tpu.memory_space<vmem>>, vector<1x8x1x8x128xf32>
    %swap3A_856 = vector.shape_cast %swap3A_855 : vector<1x8x1x8x128xf32> to vector<8x8x128xf32>
    %swap3A_857 = vector.shape_cast %reshape3A_849 : vector<8x8x128xf32> to vector<1x8x1x8x128xf32>
    tpu.vector_store %arg4[%swap3A_850, %swap3A_851, %swap3A_852, %swap3A_853, %swap3A_854], %swap3A_857 {strides = array<i32>} : memref<1x8x128x8x128xf32, #tpu.memory_space<vmem>>, vector<1x8x1x8x128xf32>,
    %slice3A_858 = vector.extract_strided_slice %dot_general3A_10 {offsets = [0, 10880], sizes = [64, 128], strides = [1, 1]} : vector<64x16384xf32> to vector<64x128xf32>
    %reshape3A_859 = vector.shape_cast %slice3A_858 : vector<64x128xf32> to vector<8x8x128xf32>
    %swap3A_860 = arith.constant 0 : index
    %swap3A_861 = arith.constant 0 : index
    %swap3A_862 = arith.constant 85 : index
    %swap3A_863 = arith.constant 0 : index
    %swap3A_864 = arith.constant 0 : index
    %swap3A_865 = vector.load %arg4[%swap3A_860, %swap3A_861, %swap3A_862, %swap3A_863, %swap3A_864] : memref<1x8x128x8x128xf32, #tpu.memory_space<vmem>>, vector<1x8x1x8x128xf32>
    %swap3A_866 = vector.shape_cast %swap3A_865 : vector<1x8x1x8x128xf32> to vector<8x8x128xf32>
    %swap3A_867 = vector.shape_cast %reshape3A_859 : vector<8x8x128xf32> to vector<1x8x1x8x128xf32>
    tpu.vector_store %arg4[%swap3A_860, %swap3A_861, %swap3A_862, %swap3A_863, %swap3A_864], %swap3A_867 {strides = array<i32>} : memref<1x8x128x8x128xf32, #tpu.memory_space<vmem>>, vector<1x8x1x8x128xf32>,
    %slice3A_868 = vector.extract_strided_slice %dot_general3A_10 {offsets = [0, 11008], sizes = [64, 128], strides = [1, 1]} : vector<64x16384xf32> to vector<64x128xf32>
    %reshape3A_869 = vector.shape_cast %slice3A_868 : vector<64x128xf32> to vector<8x8x128xf32>
    %swap3A_870 = arith.constant 0 : index
    %swap3A_871 = arith.constant 0 : index
    %swap3A_872 = arith.constant 86 : index
    %swap3A_873 = arith.constant 0 : index
    %swap3A_874 = arith.constant 0 : index
    %swap3A_875 = vector.load %arg4[%swap3A_870, %swap3A_871, %swap3A_872, %swap3A_873, %swap3A_874] : memref<1x8x128x8x128xf32, #tpu.memory_space<vmem>>, vector<1x8x1x8x128xf32>
    %swap3A_876 = vector.shape_cast %swap3A_875 : vector<1x8x1x8x128xf32> to vector<8x8x128xf32>
    %swap3A_877 = vector.shape_cast %reshape3A_869 : vector<8x8x128xf32> to vector<1x8x1x8x128xf32>
    tpu.vector_store %arg4[%swap3A_870, %swap3A_871, %swap3A_872, %swap3A_873, %swap3A_874], %swap3A_877 {strides = array<i32>} : memref<1x8x128x8x128xf32, #tpu.memory_space<vmem>>, vector<1x8x1x8x128xf32>,
    %slice3A_878 = vector.extract_strided_slice %dot_general3A_10 {offsets = [0, 11136], sizes = [64, 128], strides = [1, 1]} : vector<64x16384xf32> to vector<64x128xf32>
    %reshape3A_879 = vector.shape_cast %slice3A_878 : vector<64x128xf32> to vector<8x8x128xf32>
    %swap3A_880 = arith.constant 0 : index
    %swap3A_881 = arith.constant 0 : index
    %swap3A_882 = arith.constant 87 : index
    %swap3A_883 = arith.constant 0 : index
    %swap3A_884 = arith.constant 0 : index
    %swap3A_885 = vector.load %arg4[%swap3A_880, %swap3A_881, %swap3A_882, %swap3A_883, %swap3A_884] : memref<1x8x128x8x128xf32, #tpu.memory_space<vmem>>, vector<1x8x1x8x128xf32>
    %swap3A_886 = vector.shape_cast %swap3A_885 : vector<1x8x1x8x128xf32> to vector<8x8x128xf32>
    %swap3A_887 = vector.shape_cast %reshape3A_879 : vector<8x8x128xf32> to vector<1x8x1x8x128xf32>
    tpu.vector_store %arg4[%swap3A_880, %swap3A_881, %swap3A_882, %swap3A_883, %swap3A_884], %swap3A_887 {strides = array<i32>} : memref<1x8x128x8x128xf32, #tpu.memory_space<vmem>>, vector<1x8x1x8x128xf32>,
    %slice3A_888 = vector.extract_strided_slice %dot_general3A_10 {offsets = [0, 11264], sizes = [64, 128], strides = [1, 1]} : vector<64x16384xf32> to vector<64x128xf32>
    %reshape3A_889 = vector.shape_cast %slice3A_888 : vector<64x128xf32> to vector<8x8x128xf32>
    %swap3A_890 = arith.constant 0 : index
    %swap3A_891 = arith.constant 0 : index
    %swap3A_892 = arith.constant 88 : index
    %swap3A_893 = arith.constant 0 : index
    %swap3A_894 = arith.constant 0 : index
    %swap3A_895 = vector.load %arg4[%swap3A_890, %swap3A_891, %swap3A_892, %swap3A_893, %swap3A_894] : memref<1x8x128x8x128xf32, #tpu.memory_space<vmem>>, vector<1x8x1x8x128xf32>
    %swap3A_896 = vector.shape_cast %swap3A_895 : vector<1x8x1x8x128xf32> to vector<8x8x128xf32>
    %swap3A_897 = vector.shape_cast %reshape3A_889 : vector<8x8x128xf32> to vector<1x8x1x8x128xf32>
    tpu.vector_store %arg4[%swap3A_890, %swap3A_891, %swap3A_892, %swap3A_893, %swap3A_894], %swap3A_897 {strides = array<i32>} : memref<1x8x128x8x128xf32, #tpu.memory_space<vmem>>, vector<1x8x1x8x128xf32>,
    %slice3A_898 = vector.extract_strided_slice %dot_general3A_10 {offsets = [0, 11392], sizes = [64, 128], strides = [1, 1]} : vector<64x16384xf32> to vector<64x128xf32>
    %reshape3A_899 = vector.shape_cast %slice3A_898 : vector<64x128xf32> to vector<8x8x128xf32>
    %swap3A_900 = arith.constant 0 : index
    %swap3A_901 = arith.constant 0 : index
    %swap3A_902 = arith.constant 89 : index
    %swap3A_903 = arith.constant 0 : index
    %swap3A_904 = arith.constant 0 : index
    %swap3A_905 = vector.load %arg4[%swap3A_900, %swap3A_901, %swap3A_902, %swap3A_903, %swap3A_904] : memref<1x8x128x8x128xf32, #tpu.memory_space<vmem>>, vector<1x8x1x8x128xf32>
    %swap3A_906 = vector.shape_cast %swap3A_905 : vector<1x8x1x8x128xf32> to vector<8x8x128xf32>
    %swap3A_907 = vector.shape_cast %reshape3A_899 : vector<8x8x128xf32> to vector<1x8x1x8x128xf32>
    tpu.vector_store %arg4[%swap3A_900, %swap3A_901, %swap3A_902, %swap3A_903, %swap3A_904], %swap3A_907 {strides = array<i32>} : memref<1x8x128x8x128xf32, #tpu.memory_space<vmem>>, vector<1x8x1x8x128xf32>,
    %slice3A_908 = vector.extract_strided_slice %dot_general3A_10 {offsets = [0, 11520], sizes = [64, 128], strides = [1, 1]} : vector<64x16384xf32> to vector<64x128xf32>
    %reshape3A_909 = vector.shape_cast %slice3A_908 : vector<64x128xf32> to vector<8x8x128xf32>
    %swap3A_910 = arith.constant 0 : index
    %swap3A_911 = arith.constant 0 : index
    %swap3A_912 = arith.constant 90 : index
    %swap3A_913 = arith.constant 0 : index
    %swap3A_914 = arith.constant 0 : index
    %swap3A_915 = vector.load %arg4[%swap3A_910, %swap3A_911, %swap3A_912, %swap3A_913, %swap3A_914] : memref<1x8x128x8x128xf32, #tpu.memory_space<vmem>>, vector<1x8x1x8x128xf32>
    %swap3A_916 = vector.shape_cast %swap3A_915 : vector<1x8x1x8x128xf32> to vector<8x8x128xf32>
    %swap3A_917 = vector.shape_cast %reshape3A_909 : vector<8x8x128xf32> to vector<1x8x1x8x128xf32>
    tpu.vector_store %arg4[%swap3A_910, %swap3A_911, %swap3A_912, %swap3A_913, %swap3A_914], %swap3A_917 {strides = array<i32>} : memref<1x8x128x8x128xf32, #tpu.memory_space<vmem>>, vector<1x8x1x8x128xf32>,
    %slice3A_918 = vector.extract_strided_slice %dot_general3A_10 {offsets = [0, 11648], sizes = [64, 128], strides = [1, 1]} : vector<64x16384xf32> to vector<64x128xf32>
    %reshape3A_919 = vector.shape_cast %slice3A_918 : vector<64x128xf32> to vector<8x8x128xf32>
    %swap3A_920 = arith.constant 0 : index
    %swap3A_921 = arith.constant 0 : index
    %swap3A_922 = arith.constant 91 : index
    %swap3A_923 = arith.constant 0 : index
    %swap3A_924 = arith.constant 0 : index
    %swap3A_925 = vector.load %arg4[%swap3A_920, %swap3A_921, %swap3A_922, %swap3A_923, %swap3A_924] : memref<1x8x128x8x128xf32, #tpu.memory_space<vmem>>, vector<1x8x1x8x128xf32>
    %swap3A_926 = vector.shape_cast %swap3A_925 : vector<1x8x1x8x128xf32> to vector<8x8x128xf32>
    %swap3A_927 = vector.shape_cast %reshape3A_919 : vector<8x8x128xf32> to vector<1x8x1x8x128xf32>
    tpu.vector_store %arg4[%swap3A_920, %swap3A_921, %swap3A_922, %swap3A_923, %swap3A_924], %swap3A_927 {strides = array<i32>} : memref<1x8x128x8x128xf32, #tpu.memory_space<vmem>>, vector<1x8x1x8x128xf32>,
    %slice3A_928 = vector.extract_strided_slice %dot_general3A_10 {offsets = [0, 11776], sizes = [64, 128], strides = [1, 1]} : vector<64x16384xf32> to vector<64x128xf32>
    %reshape3A_929 = vector.shape_cast %slice3A_928 : vector<64x128xf32> to vector<8x8x128xf32>
    %swap3A_930 = arith.constant 0 : index
    %swap3A_931 = arith.constant 0 : index
    %swap3A_932 = arith.constant 92 : index
    %swap3A_933 = arith.constant 0 : index
    %swap3A_934 = arith.constant 0 : index
    %swap3A_935 = vector.load %arg4[%swap3A_930, %swap3A_931, %swap3A_932, %swap3A_933, %swap3A_934] : memref<1x8x128x8x128xf32, #tpu.memory_space<vmem>>, vector<1x8x1x8x128xf32>
    %swap3A_936 = vector.shape_cast %swap3A_935 : vector<1x8x1x8x128xf32> to vector<8x8x128xf32>
    %swap3A_937 = vector.shape_cast %reshape3A_929 : vector<8x8x128xf32> to vector<1x8x1x8x128xf32>
    tpu.vector_store %arg4[%swap3A_930, %swap3A_931, %swap3A_932, %swap3A_933, %swap3A_934], %swap3A_937 {strides = array<i32>} : memref<1x8x128x8x128xf32, #tpu.memory_space<vmem>>, vector<1x8x1x8x128xf32>,
    %slice3A_938 = vector.extract_strided_slice %dot_general3A_10 {offsets = [0, 11904], sizes = [64, 128], strides = [1, 1]} : vector<64x16384xf32> to vector<64x128xf32>
    %reshape3A_939 = vector.shape_cast %slice3A_938 : vector<64x128xf32> to vector<8x8x128xf32>
    %swap3A_940 = arith.constant 0 : index
    %swap3A_941 = arith.constant 0 : index
    %swap3A_942 = arith.constant 93 : index
    %swap3A_943 = arith.constant 0 : index
    %swap3A_944 = arith.constant 0 : index
    %swap3A_945 = vector.load %arg4[%swap3A_940, %swap3A_941, %swap3A_942, %swap3A_943, %swap3A_944] : memref<1x8x128x8x128xf32, #tpu.memory_space<vmem>>, vector<1x8x1x8x128xf32>
    %swap3A_946 = vector.shape_cast %swap3A_945 : vector<1x8x1x8x128xf32> to vector<8x8x128xf32>
    %swap3A_947 = vector.shape_cast %reshape3A_939 : vector<8x8x128xf32> to vector<1x8x1x8x128xf32>
    tpu.vector_store %arg4[%swap3A_940, %swap3A_941, %swap3A_942, %swap3A_943, %swap3A_944], %swap3A_947 {strides = array<i32>} : memref<1x8x128x8x128xf32, #tpu.memory_space<vmem>>, vector<1x8x1x8x128xf32>,
    %slice3A_948 = vector.extract_strided_slice %dot_general3A_10 {offsets = [0, 12032], sizes = [64, 128], strides = [1, 1]} : vector<64x16384xf32> to vector<64x128xf32>
    %reshape3A_949 = vector.shape_cast %slice3A_948 : vector<64x128xf32> to vector<8x8x128xf32>
    %swap3A_950 = arith.constant 0 : index
    %swap3A_951 = arith.constant 0 : index
    %swap3A_952 = arith.constant 94 : index
    %swap3A_953 = arith.constant 0 : index
    %swap3A_954 = arith.constant 0 : index
    %swap3A_955 = vector.load %arg4[%swap3A_950, %swap3A_951, %swap3A_952, %swap3A_953, %swap3A_954] : memref<1x8x128x8x128xf32, #tpu.memory_space<vmem>>, vector<1x8x1x8x128xf32>
    %swap3A_956 = vector.shape_cast %swap3A_955 : vector<1x8x1x8x128xf32> to vector<8x8x128xf32>
    %swap3A_957 = vector.shape_cast %reshape3A_949 : vector<8x8x128xf32> to vector<1x8x1x8x128xf32>
    tpu.vector_store %arg4[%swap3A_950, %swap3A_951, %swap3A_952, %swap3A_953, %swap3A_954], %swap3A_957 {strides = array<i32>} : memref<1x8x128x8x128xf32, #tpu.memory_space<vmem>>, vector<1x8x1x8x128xf32>,
    %slice3A_958 = vector.extract_strided_slice %dot_general3A_10 {offsets = [0, 12160], sizes = [64, 128], strides = [1, 1]} : vector<64x16384xf32> to vector<64x128xf32>
    %reshape3A_959 = vector.shape_cast %slice3A_958 : vector<64x128xf32> to vector<8x8x128xf32>
    %swap3A_960 = arith.constant 0 : index
    %swap3A_961 = arith.constant 0 : index
    %swap3A_962 = arith.constant 95 : index
    %swap3A_963 = arith.constant 0 : index
    %swap3A_964 = arith.constant 0 : index
    %swap3A_965 = vector.load %arg4[%swap3A_960, %swap3A_961, %swap3A_962, %swap3A_963, %swap3A_964] : memref<1x8x128x8x128xf32, #tpu.memory_space<vmem>>, vector<1x8x1x8x128xf32>
    %swap3A_966 = vector.shape_cast %swap3A_965 : vector<1x8x1x8x128xf32> to vector<8x8x128xf32>
    %swap3A_967 = vector.shape_cast %reshape3A_959 : vector<8x8x128xf32> to vector<1x8x1x8x128xf32>
    tpu.vector_store %arg4[%swap3A_960, %swap3A_961, %swap3A_962, %swap3A_963, %swap3A_964], %swap3A_967 {strides = array<i32>} : memref<1x8x128x8x128xf32, #tpu.memory_space<vmem>>, vector<1x8x1x8x128xf32>,
    %slice3A_968 = vector.extract_strided_slice %dot_general3A_10 {offsets = [0, 12288], sizes = [64, 128], strides = [1, 1]} : vector<64x16384xf32> to vector<64x128xf32>
    %reshape3A_969 = vector.shape_cast %slice3A_968 : vector<64x128xf32> to vector<8x8x128xf32>
    %swap3A_970 = arith.constant 0 : index
    %swap3A_971 = arith.constant 0 : index
    %swap3A_972 = arith.constant 96 : index
    %swap3A_973 = arith.constant 0 : index
    %swap3A_974 = arith.constant 0 : index
    %swap3A_975 = vector.load %arg4[%swap3A_970, %swap3A_971, %swap3A_972, %swap3A_973, %swap3A_974] : memref<1x8x128x8x128xf32, #tpu.memory_space<vmem>>, vector<1x8x1x8x128xf32>
    %swap3A_976 = vector.shape_cast %swap3A_975 : vector<1x8x1x8x128xf32> to vector<8x8x128xf32>
    %swap3A_977 = vector.shape_cast %reshape3A_969 : vector<8x8x128xf32> to vector<1x8x1x8x128xf32>
    tpu.vector_store %arg4[%swap3A_970, %swap3A_971, %swap3A_972, %swap3A_973, %swap3A_974], %swap3A_977 {strides = array<i32>} : memref<1x8x128x8x128xf32, #tpu.memory_space<vmem>>, vector<1x8x1x8x128xf32>,
    %slice3A_978 = vector.extract_strided_slice %dot_general3A_10 {offsets = [0, 12416], sizes = [64, 128], strides = [1, 1]} : vector<64x16384xf32> to vector<64x128xf32>
    %reshape3A_979 = vector.shape_cast %slice3A_978 : vector<64x128xf32> to vector<8x8x128xf32>
    %swap3A_980 = arith.constant 0 : index
    %swap3A_981 = arith.constant 0 : index
    %swap3A_982 = arith.constant 97 : index
    %swap3A_983 = arith.constant 0 : index
    %swap3A_984 = arith.constant 0 : index
    %swap3A_985 = vector.load %arg4[%swap3A_980, %swap3A_981, %swap3A_982, %swap3A_983, %swap3A_984] : memref<1x8x128x8x128xf32, #tpu.memory_space<vmem>>, vector<1x8x1x8x128xf32>
    %swap3A_986 = vector.shape_cast %swap3A_985 : vector<1x8x1x8x128xf32> to vector<8x8x128xf32>
    %swap3A_987 = vector.shape_cast %reshape3A_979 : vector<8x8x128xf32> to vector<1x8x1x8x128xf32>
    tpu.vector_store %arg4[%swap3A_980, %swap3A_981, %swap3A_982, %swap3A_983, %swap3A_984], %swap3A_987 {strides = array<i32>} : memref<1x8x128x8x128xf32, #tpu.memory_space<vmem>>, vector<1x8x1x8x128xf32>,
    %slice3A_988 = vector.extract_strided_slice %dot_general3A_10 {offsets = [0, 12544], sizes = [64, 128], strides = [1, 1]} : vector<64x16384xf32> to vector<64x128xf32>
    %reshape3A_989 = vector.shape_cast %slice3A_988 : vector<64x128xf32> to vector<8x8x128xf32>
    %swap3A_990 = arith.constant 0 : index
    %swap3A_991 = arith.constant 0 : index
    %swap3A_992 = arith.constant 98 : index
    %swap3A_993 = arith.constant 0 : index
    %swap3A_994 = arith.constant 0 : index
    %swap3A_995 = vector.load %arg4[%swap3A_990, %swap3A_991, %swap3A_992, %swap3A_993, %swap3A_994] : memref<1x8x128x8x128xf32, #tpu.memory_space<vmem>>, vector<1x8x1x8x128xf32>
    %swap3A_996 = vector.shape_cast %swap3A_995 : vector<1x8x1x8x128xf32> to vector<8x8x128xf32>
    %swap3A_997 = vector.shape_cast %reshape3A_989 : vector<8x8x128xf32> to vector<1x8x1x8x128xf32>
    tpu.vector_store %arg4[%swap3A_990, %swap3A_991, %swap3A_992, %swap3A_993, %swap3A_994], %swap3A_997 {strides = array<i32>} : memref<1x8x128x8x128xf32, #tpu.memory_space<vmem>>, vector<1x8x1x8x128xf32>,
    %slice3A_998 = vector.extract_strided_slice %dot_general3A_10 {offsets = [0, 12672], sizes = [64, 128], strides = [1, 1]} : vector<64x16384xf32> to vector<64x128xf32>
    %reshape3A_999 = vector.shape_cast %slice3A_998 : vector<64x128xf32> to vector<8x8x128xf32>
    %swap3A_1000 = arith.constant 0 : index
    %swap3A_1001 = arith.constant 0 : index
    %swap3A_1002 = arith.constant 99 : index
    %swap3A_1003 = arith.constant 0 : index
    %swap3A_1004 = arith.constant 0 : index
    %swap3A_1005 = vector.load %arg4[%swap3A_1000, %swap3A_1001, %swap3A_1002, %swap3A_1003, %swap3A_1004] : memref<1x8x128x8x128xf32, #tpu.memory_space<vmem>>, vector<1x8x1x8x128xf32>
    %swap3A_1006 = vector.shape_cast %swap3A_1005 : vector<1x8x1x8x128xf32> to vector<8x8x128xf32>
    %swap3A_1007 = vector.shape_cast %reshape3A_999 : vector<8x8x128xf32> to vector<1x8x1x8x128xf32>
    tpu.vector_store %arg4[%swap3A_1000, %swap3A_1001, %swap3A_1002, %swap3A_1003, %swap3A_1004], %swap3A_1007 {strides = array<i32>} : memref<1x8x128x8x128xf32, #tpu.memory_space<vmem>>, vector<1x8x1x8x128xf32>,
    %slice3A_1008 = vector.extract_strided_slice %dot_general3A_10 {offsets = [0, 12800], sizes = [64, 128], strides = [1, 1]} : vector<64x16384xf32> to vector<64x128xf32>
    %reshape3A_1009 = vector.shape_cast %slice3A_1008 : vector<64x128xf32> to vector<8x8x128xf32>
    %swap3A_1010 = arith.constant 0 : index
    %swap3A_1011 = arith.constant 0 : index
    %swap3A_1012 = arith.constant 100 : index
    %swap3A_1013 = arith.constant 0 : index
    %swap3A_1014 = arith.constant 0 : index
    %swap3A_1015 = vector.load %arg4[%swap3A_1010, %swap3A_1011, %swap3A_1012, %swap3A_1013, %swap3A_1014] : memref<1x8x128x8x128xf32, #tpu.memory_space<vmem>>, vector<1x8x1x8x128xf32>
    %swap3A_1016 = vector.shape_cast %swap3A_1015 : vector<1x8x1x8x128xf32> to vector<8x8x128xf32>
    %swap3A_1017 = vector.shape_cast %reshape3A_1009 : vector<8x8x128xf32> to vector<1x8x1x8x128xf32>
    tpu.vector_store %arg4[%swap3A_1010, %swap3A_1011, %swap3A_1012, %swap3A_1013, %swap3A_1014], %swap3A_1017 {strides = array<i32>} : memref<1x8x128x8x128xf32, #tpu.memory_space<vmem>>, vector<1x8x1x8x128xf32>,
    %slice3A_1018 = vector.extract_strided_slice %dot_general3A_10 {offsets = [0, 12928], sizes = [64, 128], strides = [1, 1]} : vector<64x16384xf32> to vector<64x128xf32>
    %reshape3A_1019 = vector.shape_cast %slice3A_1018 : vector<64x128xf32> to vector<8x8x128xf32>
    %swap3A_1020 = arith.constant 0 : index
    %swap3A_1021 = arith.constant 0 : index
    %swap3A_1022 = arith.constant 101 : index
    %swap3A_1023 = arith.constant 0 : index
    %swap3A_1024 = arith.constant 0 : index
    %swap3A_1025 = vector.load %arg4[%swap3A_1020, %swap3A_1021, %swap3A_1022, %swap3A_1023, %swap3A_1024] : memref<1x8x128x8x128xf32, #tpu.memory_space<vmem>>, vector<1x8x1x8x128xf32>
    %swap3A_1026 = vector.shape_cast %swap3A_1025 : vector<1x8x1x8x128xf32> to vector<8x8x128xf32>
    %swap3A_1027 = vector.shape_cast %reshape3A_1019 : vector<8x8x128xf32> to vector<1x8x1x8x128xf32>
    tpu.vector_store %arg4[%swap3A_1020, %swap3A_1021, %swap3A_1022, %swap3A_1023, %swap3A_1024], %swap3A_1027 {strides = array<i32>} : memref<1x8x128x8x128xf32, #tpu.memory_space<vmem>>, vector<1x8x1x8x128xf32>,
    %slice3A_1028 = vector.extract_strided_slice %dot_general3A_10 {offsets = [0, 13056], sizes = [64, 128], strides = [1, 1]} : vector<64x16384xf32> to vector<64x128xf32>
    %reshape3A_1029 = vector.shape_cast %slice3A_1028 : vector<64x128xf32> to vector<8x8x128xf32>
    %swap3A_1030 = arith.constant 0 : index
    %swap3A_1031 = arith.constant 0 : index
    %swap3A_1032 = arith.constant 102 : index
    %swap3A_1033 = arith.constant 0 : index
    %swap3A_1034 = arith.constant 0 : index
    %swap3A_1035 = vector.load %arg4[%swap3A_1030, %swap3A_1031, %swap3A_1032, %swap3A_1033, %swap3A_1034] : memref<1x8x128x8x128xf32, #tpu.memory_space<vmem>>, vector<1x8x1x8x128xf32>
    %swap3A_1036 = vector.shape_cast %swap3A_1035 : vector<1x8x1x8x128xf32> to vector<8x8x128xf32>
    %swap3A_1037 = vector.shape_cast %reshape3A_1029 : vector<8x8x128xf32> to vector<1x8x1x8x128xf32>
    tpu.vector_store %arg4[%swap3A_1030, %swap3A_1031, %swap3A_1032, %swap3A_1033, %swap3A_1034], %swap3A_1037 {strides = array<i32>} : memref<1x8x128x8x128xf32, #tpu.memory_space<vmem>>, vector<1x8x1x8x128xf32>,
    %slice3A_1038 = vector.extract_strided_slice %dot_general3A_10 {offsets = [0, 13184], sizes = [64, 128], strides = [1, 1]} : vector<64x16384xf32> to vector<64x128xf32>
    %reshape3A_1039 = vector.shape_cast %slice3A_1038 : vector<64x128xf32> to vector<8x8x128xf32>
    %swap3A_1040 = arith.constant 0 : index
    %swap3A_1041 = arith.constant 0 : index
    %swap3A_1042 = arith.constant 103 : index
    %swap3A_1043 = arith.constant 0 : index
    %swap3A_1044 = arith.constant 0 : index
    %swap3A_1045 = vector.load %arg4[%swap3A_1040, %swap3A_1041, %swap3A_1042, %swap3A_1043, %swap3A_1044] : memref<1x8x128x8x128xf32, #tpu.memory_space<vmem>>, vector<1x8x1x8x128xf32>
    %swap3A_1046 = vector.shape_cast %swap3A_1045 : vector<1x8x1x8x128xf32> to vector<8x8x128xf32>
    %swap3A_1047 = vector.shape_cast %reshape3A_1039 : vector<8x8x128xf32> to vector<1x8x1x8x128xf32>
    tpu.vector_store %arg4[%swap3A_1040, %swap3A_1041, %swap3A_1042, %swap3A_1043, %swap3A_1044], %swap3A_1047 {strides = array<i32>} : memref<1x8x128x8x128xf32, #tpu.memory_space<vmem>>, vector<1x8x1x8x128xf32>,
    %slice3A_1048 = vector.extract_strided_slice %dot_general3A_10 {offsets = [0, 13312], sizes = [64, 128], strides = [1, 1]} : vector<64x16384xf32> to vector<64x128xf32>
    %reshape3A_1049 = vector.shape_cast %slice3A_1048 : vector<64x128xf32> to vector<8x8x128xf32>
    %swap3A_1050 = arith.constant 0 : index
    %swap3A_1051 = arith.constant 0 : index
    %swap3A_1052 = arith.constant 104 : index
    %swap3A_1053 = arith.constant 0 : index
    %swap3A_1054 = arith.constant 0 : index
    %swap3A_1055 = vector.load %arg4[%swap3A_1050, %swap3A_1051, %swap3A_1052, %swap3A_1053, %swap3A_1054] : memref<1x8x128x8x128xf32, #tpu.memory_space<vmem>>, vector<1x8x1x8x128xf32>
    %swap3A_1056 = vector.shape_cast %swap3A_1055 : vector<1x8x1x8x128xf32> to vector<8x8x128xf32>
    %swap3A_1057 = vector.shape_cast %reshape3A_1049 : vector<8x8x128xf32> to vector<1x8x1x8x128xf32>
    tpu.vector_store %arg4[%swap3A_1050, %swap3A_1051, %swap3A_1052, %swap3A_1053, %swap3A_1054], %swap3A_1057 {strides = array<i32>} : memref<1x8x128x8x128xf32, #tpu.memory_space<vmem>>, vector<1x8x1x8x128xf32>,
    %slice3A_1058 = vector.extract_strided_slice %dot_general3A_10 {offsets = [0, 13440], sizes = [64, 128], strides = [1, 1]} : vector<64x16384xf32> to vector<64x128xf32>
    %reshape3A_1059 = vector.shape_cast %slice3A_1058 : vector<64x128xf32> to vector<8x8x128xf32>
    %swap3A_1060 = arith.constant 0 : index
    %swap3A_1061 = arith.constant 0 : index
    %swap3A_1062 = arith.constant 105 : index
    %swap3A_1063 = arith.constant 0 : index
    %swap3A_1064 = arith.constant 0 : index
    %swap3A_1065 = vector.load %arg4[%swap3A_1060, %swap3A_1061, %swap3A_1062, %swap3A_1063, %swap3A_1064] : memref<1x8x128x8x128xf32, #tpu.memory_space<vmem>>, vector<1x8x1x8x128xf32>
    %swap3A_1066 = vector.shape_cast %swap3A_1065 : vector<1x8x1x8x128xf32> to vector<8x8x128xf32>
    %swap3A_1067 = vector.shape_cast %reshape3A_1059 : vector<8x8x128xf32> to vector<1x8x1x8x128xf32>
    tpu.vector_store %arg4[%swap3A_1060, %swap3A_1061, %swap3A_1062, %swap3A_1063, %swap3A_1064], %swap3A_1067 {strides = array<i32>} : memref<1x8x128x8x128xf32, #tpu.memory_space<vmem>>, vector<1x8x1x8x128xf32>,
    %slice3A_1068 = vector.extract_strided_slice %dot_general3A_10 {offsets = [0, 13568], sizes = [64, 128], strides = [1, 1]} : vector<64x16384xf32> to vector<64x128xf32>
    %reshape3A_1069 = vector.shape_cast %slice3A_1068 : vector<64x128xf32> to vector<8x8x128xf32>
    %swap3A_1070 = arith.constant 0 : index
    %swap3A_1071 = arith.constant 0 : index
    %swap3A_1072 = arith.constant 106 : index
    %swap3A_1073 = arith.constant 0 : index
    %swap3A_1074 = arith.constant 0 : index
    %swap3A_1075 = vector.load %arg4[%swap3A_1070, %swap3A_1071, %swap3A_1072, %swap3A_1073, %swap3A_1074] : memref<1x8x128x8x128xf32, #tpu.memory_space<vmem>>, vector<1x8x1x8x128xf32>
    %swap3A_1076 = vector.shape_cast %swap3A_1075 : vector<1x8x1x8x128xf32> to vector<8x8x128xf32>
    %swap3A_1077 = vector.shape_cast %reshape3A_1069 : vector<8x8x128xf32> to vector<1x8x1x8x128xf32>
    tpu.vector_store %arg4[%swap3A_1070, %swap3A_1071, %swap3A_1072, %swap3A_1073, %swap3A_1074], %swap3A_1077 {strides = array<i32>} : memref<1x8x128x8x128xf32, #tpu.memory_space<vmem>>, vector<1x8x1x8x128xf32>,
    %slice3A_1078 = vector.extract_strided_slice %dot_general3A_10 {offsets = [0, 13696], sizes = [64, 128], strides = [1, 1]} : vector<64x16384xf32> to vector<64x128xf32>
    %reshape3A_1079 = vector.shape_cast %slice3A_1078 : vector<64x128xf32> to vector<8x8x128xf32>
    %swap3A_1080 = arith.constant 0 : index
    %swap3A_1081 = arith.constant 0 : index
    %swap3A_1082 = arith.constant 107 : index
    %swap3A_1083 = arith.constant 0 : index
    %swap3A_1084 = arith.constant 0 : index
    %swap3A_1085 = vector.load %arg4[%swap3A_1080, %swap3A_1081, %swap3A_1082, %swap3A_1083, %swap3A_1084] : memref<1x8x128x8x128xf32, #tpu.memory_space<vmem>>, vector<1x8x1x8x128xf32>
    %swap3A_1086 = vector.shape_cast %swap3A_1085 : vector<1x8x1x8x128xf32> to vector<8x8x128xf32>
    %swap3A_1087 = vector.shape_cast %reshape3A_1079 : vector<8x8x128xf32> to vector<1x8x1x8x128xf32>
    tpu.vector_store %arg4[%swap3A_1080, %swap3A_1081, %swap3A_1082, %swap3A_1083, %swap3A_1084], %swap3A_1087 {strides = array<i32>} : memref<1x8x128x8x128xf32, #tpu.memory_space<vmem>>, vector<1x8x1x8x128xf32>,
    %slice3A_1088 = vector.extract_strided_slice %dot_general3A_10 {offsets = [0, 13824], sizes = [64, 128], strides = [1, 1]} : vector<64x16384xf32> to vector<64x128xf32>
    %reshape3A_1089 = vector.shape_cast %slice3A_1088 : vector<64x128xf32> to vector<8x8x128xf32>
    %swap3A_1090 = arith.constant 0 : index
    %swap3A_1091 = arith.constant 0 : index
    %swap3A_1092 = arith.constant 108 : index
    %swap3A_1093 = arith.constant 0 : index
    %swap3A_1094 = arith.constant 0 : index
    %swap3A_1095 = vector.load %arg4[%swap3A_1090, %swap3A_1091, %swap3A_1092, %swap3A_1093, %swap3A_1094] : memref<1x8x128x8x128xf32, #tpu.memory_space<vmem>>, vector<1x8x1x8x128xf32>
    %swap3A_1096 = vector.shape_cast %swap3A_1095 : vector<1x8x1x8x128xf32> to vector<8x8x128xf32>
    %swap3A_1097 = vector.shape_cast %reshape3A_1089 : vector<8x8x128xf32> to vector<1x8x1x8x128xf32>
    tpu.vector_store %arg4[%swap3A_1090, %swap3A_1091, %swap3A_1092, %swap3A_1093, %swap3A_1094], %swap3A_1097 {strides = array<i32>} : memref<1x8x128x8x128xf32, #tpu.memory_space<vmem>>, vector<1x8x1x8x128xf32>,
    %slice3A_1098 = vector.extract_strided_slice %dot_general3A_10 {offsets = [0, 13952], sizes = [64, 128], strides = [1, 1]} : vector<64x16384xf32> to vector<64x128xf32>
    %reshape3A_1099 = vector.shape_cast %slice3A_1098 : vector<64x128xf32> to vector<8x8x128xf32>
    %swap3A_1100 = arith.constant 0 : index
    %swap3A_1101 = arith.constant 0 : index
    %swap3A_1102 = arith.constant 109 : index
    %swap3A_1103 = arith.constant 0 : index
    %swap3A_1104 = arith.constant 0 : index
    %swap3A_1105 = vector.load %arg4[%swap3A_1100, %swap3A_1101, %swap3A_1102, %swap3A_1103, %swap3A_1104] : memref<1x8x128x8x128xf32, #tpu.memory_space<vmem>>, vector<1x8x1x8x128xf32>
    %swap3A_1106 = vector.shape_cast %swap3A_1105 : vector<1x8x1x8x128xf32> to vector<8x8x128xf32>
    %swap3A_1107 = vector.shape_cast %reshape3A_1099 : vector<8x8x128xf32> to vector<1x8x1x8x128xf32>
    tpu.vector_store %arg4[%swap3A_1100, %swap3A_1101, %swap3A_1102, %swap3A_1103, %swap3A_1104], %swap3A_1107 {strides = array<i32>} : memref<1x8x128x8x128xf32, #tpu.memory_space<vmem>>, vector<1x8x1x8x128xf32>,
    %slice3A_1108 = vector.extract_strided_slice %dot_general3A_10 {offsets = [0, 14080], sizes = [64, 128], strides = [1, 1]} : vector<64x16384xf32> to vector<64x128xf32>
    %reshape3A_1109 = vector.shape_cast %slice3A_1108 : vector<64x128xf32> to vector<8x8x128xf32>
    %swap3A_1110 = arith.constant 0 : index
    %swap3A_1111 = arith.constant 0 : index
    %swap3A_1112 = arith.constant 110 : index
    %swap3A_1113 = arith.constant 0 : index
    %swap3A_1114 = arith.constant 0 : index
    %swap3A_1115 = vector.load %arg4[%swap3A_1110, %swap3A_1111, %swap3A_1112, %swap3A_1113, %swap3A_1114] : memref<1x8x128x8x128xf32, #tpu.memory_space<vmem>>, vector<1x8x1x8x128xf32>
    %swap3A_1116 = vector.shape_cast %swap3A_1115 : vector<1x8x1x8x128xf32> to vector<8x8x128xf32>
    %swap3A_1117 = vector.shape_cast %reshape3A_1109 : vector<8x8x128xf32> to vector<1x8x1x8x128xf32>
    tpu.vector_store %arg4[%swap3A_1110, %swap3A_1111, %swap3A_1112, %swap3A_1113, %swap3A_1114], %swap3A_1117 {strides = array<i32>} : memref<1x8x128x8x128xf32, #tpu.memory_space<vmem>>, vector<1x8x1x8x128xf32>,
    %slice3A_1118 = vector.extract_strided_slice %dot_general3A_10 {offsets = [0, 14208], sizes = [64, 128], strides = [1, 1]} : vector<64x16384xf32> to vector<64x128xf32>
    %reshape3A_1119 = vector.shape_cast %slice3A_1118 : vector<64x128xf32> to vector<8x8x128xf32>
    %swap3A_1120 = arith.constant 0 : index
    %swap3A_1121 = arith.constant 0 : index
    %swap3A_1122 = arith.constant 111 : index
    %swap3A_1123 = arith.constant 0 : index
    %swap3A_1124 = arith.constant 0 : index
    %swap3A_1125 = vector.load %arg4[%swap3A_1120, %swap3A_1121, %swap3A_1122, %swap3A_1123, %swap3A_1124] : memref<1x8x128x8x128xf32, #tpu.memory_space<vmem>>, vector<1x8x1x8x128xf32>
    %swap3A_1126 = vector.shape_cast %swap3A_1125 : vector<1x8x1x8x128xf32> to vector<8x8x128xf32>
    %swap3A_1127 = vector.shape_cast %reshape3A_1119 : vector<8x8x128xf32> to vector<1x8x1x8x128xf32>
    tpu.vector_store %arg4[%swap3A_1120, %swap3A_1121, %swap3A_1122, %swap3A_1123, %swap3A_1124], %swap3A_1127 {strides = array<i32>} : memref<1x8x128x8x128xf32, #tpu.memory_space<vmem>>, vector<1x8x1x8x128xf32>,
    %slice3A_1128 = vector.extract_strided_slice %dot_general3A_10 {offsets = [0, 14336], sizes = [64, 128], strides = [1, 1]} : vector<64x16384xf32> to vector<64x128xf32>
    %reshape3A_1129 = vector.shape_cast %slice3A_1128 : vector<64x128xf32> to vector<8x8x128xf32>
    %swap3A_1130 = arith.constant 0 : index
    %swap3A_1131 = arith.constant 0 : index
    %swap3A_1132 = arith.constant 112 : index
    %swap3A_1133 = arith.constant 0 : index
    %swap3A_1134 = arith.constant 0 : index
    %swap3A_1135 = vector.load %arg4[%swap3A_1130, %swap3A_1131, %swap3A_1132, %swap3A_1133, %swap3A_1134] : memref<1x8x128x8x128xf32, #tpu.memory_space<vmem>>, vector<1x8x1x8x128xf32>
    %swap3A_1136 = vector.shape_cast %swap3A_1135 : vector<1x8x1x8x128xf32> to vector<8x8x128xf32>
    %swap3A_1137 = vector.shape_cast %reshape3A_1129 : vector<8x8x128xf32> to vector<1x8x1x8x128xf32>
    tpu.vector_store %arg4[%swap3A_1130, %swap3A_1131, %swap3A_1132, %swap3A_1133, %swap3A_1134], %swap3A_1137 {strides = array<i32>} : memref<1x8x128x8x128xf32, #tpu.memory_space<vmem>>, vector<1x8x1x8x128xf32>,
    %slice3A_1138 = vector.extract_strided_slice %dot_general3A_10 {offsets = [0, 14464], sizes = [64, 128], strides = [1, 1]} : vector<64x16384xf32> to vector<64x128xf32>
    %reshape3A_1139 = vector.shape_cast %slice3A_1138 : vector<64x128xf32> to vector<8x8x128xf32>
    %swap3A_1140 = arith.constant 0 : index
    %swap3A_1141 = arith.constant 0 : index
    %swap3A_1142 = arith.constant 113 : index
    %swap3A_1143 = arith.constant 0 : index
    %swap3A_1144 = arith.constant 0 : index
    %swap3A_1145 = vector.load %arg4[%swap3A_1140, %swap3A_1141, %swap3A_1142, %swap3A_1143, %swap3A_1144] : memref<1x8x128x8x128xf32, #tpu.memory_space<vmem>>, vector<1x8x1x8x128xf32>
    %swap3A_1146 = vector.shape_cast %swap3A_1145 : vector<1x8x1x8x128xf32> to vector<8x8x128xf32>
    %swap3A_1147 = vector.shape_cast %reshape3A_1139 : vector<8x8x128xf32> to vector<1x8x1x8x128xf32>
    tpu.vector_store %arg4[%swap3A_1140, %swap3A_1141, %swap3A_1142, %swap3A_1143, %swap3A_1144], %swap3A_1147 {strides = array<i32>} : memref<1x8x128x8x128xf32, #tpu.memory_space<vmem>>, vector<1x8x1x8x128xf32>,
    %slice3A_1148 = vector.extract_strided_slice %dot_general3A_10 {offsets = [0, 14592], sizes = [64, 128], strides = [1, 1]} : vector<64x16384xf32> to vector<64x128xf32>
    %reshape3A_1149 = vector.shape_cast %slice3A_1148 : vector<64x128xf32> to vector<8x8x128xf32>
    %swap3A_1150 = arith.constant 0 : index
    %swap3A_1151 = arith.constant 0 : index
    %swap3A_1152 = arith.constant 114 : index
    %swap3A_1153 = arith.constant 0 : index
    %swap3A_1154 = arith.constant 0 : index
    %swap3A_1155 = vector.load %arg4[%swap3A_1150, %swap3A_1151, %swap3A_1152, %swap3A_1153, %swap3A_1154] : memref<1x8x128x8x128xf32, #tpu.memory_space<vmem>>, vector<1x8x1x8x128xf32>
    %swap3A_1156 = vector.shape_cast %swap3A_1155 : vector<1x8x1x8x128xf32> to vector<8x8x128xf32>
    %swap3A_1157 = vector.shape_cast %reshape3A_1149 : vector<8x8x128xf32> to vector<1x8x1x8x128xf32>
    tpu.vector_store %arg4[%swap3A_1150, %swap3A_1151, %swap3A_1152, %swap3A_1153, %swap3A_1154], %swap3A_1157 {strides = array<i32>} : memref<1x8x128x8x128xf32, #tpu.memory_space<vmem>>, vector<1x8x1x8x128xf32>,
    %slice3A_1158 = vector.extract_strided_slice %dot_general3A_10 {offsets = [0, 14720], sizes = [64, 128], strides = [1, 1]} : vector<64x16384xf32> to vector<64x128xf32>
    %reshape3A_1159 = vector.shape_cast %slice3A_1158 : vector<64x128xf32> to vector<8x8x128xf32>
    %swap3A_1160 = arith.constant 0 : index
    %swap3A_1161 = arith.constant 0 : index
    %swap3A_1162 = arith.constant 115 : index
    %swap3A_1163 = arith.constant 0 : index
    %swap3A_1164 = arith.constant 0 : index
    %swap3A_1165 = vector.load %arg4[%swap3A_1160, %swap3A_1161, %swap3A_1162, %swap3A_1163, %swap3A_1164] : memref<1x8x128x8x128xf32, #tpu.memory_space<vmem>>, vector<1x8x1x8x128xf32>
    %swap3A_1166 = vector.shape_cast %swap3A_1165 : vector<1x8x1x8x128xf32> to vector<8x8x128xf32>
    %swap3A_1167 = vector.shape_cast %reshape3A_1159 : vector<8x8x128xf32> to vector<1x8x1x8x128xf32>
    tpu.vector_store %arg4[%swap3A_1160, %swap3A_1161, %swap3A_1162, %swap3A_1163, %swap3A_1164], %swap3A_1167 {strides = array<i32>} : memref<1x8x128x8x128xf32, #tpu.memory_space<vmem>>, vector<1x8x1x8x128xf32>,
    %slice3A_1168 = vector.extract_strided_slice %dot_general3A_10 {offsets = [0, 14848], sizes = [64, 128], strides = [1, 1]} : vector<64x16384xf32> to vector<64x128xf32>
    %reshape3A_1169 = vector.shape_cast %slice3A_1168 : vector<64x128xf32> to vector<8x8x128xf32>
    %swap3A_1170 = arith.constant 0 : index
    %swap3A_1171 = arith.constant 0 : index
    %swap3A_1172 = arith.constant 116 : index
    %swap3A_1173 = arith.constant 0 : index
    %swap3A_1174 = arith.constant 0 : index
    %swap3A_1175 = vector.load %arg4[%swap3A_1170, %swap3A_1171, %swap3A_1172, %swap3A_1173, %swap3A_1174] : memref<1x8x128x8x128xf32, #tpu.memory_space<vmem>>, vector<1x8x1x8x128xf32>
    %swap3A_1176 = vector.shape_cast %swap3A_1175 : vector<1x8x1x8x128xf32> to vector<8x8x128xf32>
    %swap3A_1177 = vector.shape_cast %reshape3A_1169 : vector<8x8x128xf32> to vector<1x8x1x8x128xf32>
    tpu.vector_store %arg4[%swap3A_1170, %swap3A_1171, %swap3A_1172, %swap3A_1173, %swap3A_1174], %swap3A_1177 {strides = array<i32>} : memref<1x8x128x8x128xf32, #tpu.memory_space<vmem>>, vector<1x8x1x8x128xf32>,
    %slice3A_1178 = vector.extract_strided_slice %dot_general3A_10 {offsets = [0, 14976], sizes = [64, 128], strides = [1, 1]} : vector<64x16384xf32> to vector<64x128xf32>
    %reshape3A_1179 = vector.shape_cast %slice3A_1178 : vector<64x128xf32> to vector<8x8x128xf32>
    %swap3A_1180 = arith.constant 0 : index
    %swap3A_1181 = arith.constant 0 : index
    %swap3A_1182 = arith.constant 117 : index
    %swap3A_1183 = arith.constant 0 : index
    %swap3A_1184 = arith.constant 0 : index
    %swap3A_1185 = vector.load %arg4[%swap3A_1180, %swap3A_1181, %swap3A_1182, %swap3A_1183, %swap3A_1184] : memref<1x8x128x8x128xf32, #tpu.memory_space<vmem>>, vector<1x8x1x8x128xf32>
    %swap3A_1186 = vector.shape_cast %swap3A_1185 : vector<1x8x1x8x128xf32> to vector<8x8x128xf32>
    %swap3A_1187 = vector.shape_cast %reshape3A_1179 : vector<8x8x128xf32> to vector<1x8x1x8x128xf32>
    tpu.vector_store %arg4[%swap3A_1180, %swap3A_1181, %swap3A_1182, %swap3A_1183, %swap3A_1184], %swap3A_1187 {strides = array<i32>} : memref<1x8x128x8x128xf32, #tpu.memory_space<vmem>>, vector<1x8x1x8x128xf32>,
    %slice3A_1188 = vector.extract_strided_slice %dot_general3A_10 {offsets = [0, 15104], sizes = [64, 128], strides = [1, 1]} : vector<64x16384xf32> to vector<64x128xf32>
    %reshape3A_1189 = vector.shape_cast %slice3A_1188 : vector<64x128xf32> to vector<8x8x128xf32>
    %swap3A_1190 = arith.constant 0 : index
    %swap3A_1191 = arith.constant 0 : index
    %swap3A_1192 = arith.constant 118 : index
    %swap3A_1193 = arith.constant 0 : index
    %swap3A_1194 = arith.constant 0 : index
    %swap3A_1195 = vector.load %arg4[%swap3A_1190, %swap3A_1191, %swap3A_1192, %swap3A_1193, %swap3A_1194] : memref<1x8x128x8x128xf32, #tpu.memory_space<vmem>>, vector<1x8x1x8x128xf32>
    %swap3A_1196 = vector.shape_cast %swap3A_1195 : vector<1x8x1x8x128xf32> to vector<8x8x128xf32>
    %swap3A_1197 = vector.shape_cast %reshape3A_1189 : vector<8x8x128xf32> to vector<1x8x1x8x128xf32>
    tpu.vector_store %arg4[%swap3A_1190, %swap3A_1191, %swap3A_1192, %swap3A_1193, %swap3A_1194], %swap3A_1197 {strides = array<i32>} : memref<1x8x128x8x128xf32, #tpu.memory_space<vmem>>, vector<1x8x1x8x128xf32>,
    %slice3A_1198 = vector.extract_strided_slice %dot_general3A_10 {offsets = [0, 15232], sizes = [64, 128], strides = [1, 1]} : vector<64x16384xf32> to vector<64x128xf32>
    %reshape3A_1199 = vector.shape_cast %slice3A_1198 : vector<64x128xf32> to vector<8x8x128xf32>
    %swap3A_1200 = arith.constant 0 : index
    %swap3A_1201 = arith.constant 0 : index
    %swap3A_1202 = arith.constant 119 : index
    %swap3A_1203 = arith.constant 0 : index
    %swap3A_1204 = arith.constant 0 : index
    %swap3A_1205 = vector.load %arg4[%swap3A_1200, %swap3A_1201, %swap3A_1202, %swap3A_1203, %swap3A_1204] : memref<1x8x128x8x128xf32, #tpu.memory_space<vmem>>, vector<1x8x1x8x128xf32>
    %swap3A_1206 = vector.shape_cast %swap3A_1205 : vector<1x8x1x8x128xf32> to vector<8x8x128xf32>
    %swap3A_1207 = vector.shape_cast %reshape3A_1199 : vector<8x8x128xf32> to vector<1x8x1x8x128xf32>
    tpu.vector_store %arg4[%swap3A_1200, %swap3A_1201, %swap3A_1202, %swap3A_1203, %swap3A_1204], %swap3A_1207 {strides = array<i32>} : memref<1x8x128x8x128xf32, #tpu.memory_space<vmem>>, vector<1x8x1x8x128xf32>,
    %slice3A_1208 = vector.extract_strided_slice %dot_general3A_10 {offsets = [0, 15360], sizes = [64, 128], strides = [1, 1]} : vector<64x16384xf32> to vector<64x128xf32>
    %reshape3A_1209 = vector.shape_cast %slice3A_1208 : vector<64x128xf32> to vector<8x8x128xf32>
    %swap3A_1210 = arith.constant 0 : index
    %swap3A_1211 = arith.constant 0 : index
    %swap3A_1212 = arith.constant 120 : index
    %swap3A_1213 = arith.constant 0 : index
    %swap3A_1214 = arith.constant 0 : index
    %swap3A_1215 = vector.load %arg4[%swap3A_1210, %swap3A_1211, %swap3A_1212, %swap3A_1213, %swap3A_1214] : memref<1x8x128x8x128xf32, #tpu.memory_space<vmem>>, vector<1x8x1x8x128xf32>
    %swap3A_1216 = vector.shape_cast %swap3A_1215 : vector<1x8x1x8x128xf32> to vector<8x8x128xf32>
    %swap3A_1217 = vector.shape_cast %reshape3A_1209 : vector<8x8x128xf32> to vector<1x8x1x8x128xf32>
    tpu.vector_store %arg4[%swap3A_1210, %swap3A_1211, %swap3A_1212, %swap3A_1213, %swap3A_1214], %swap3A_1217 {strides = array<i32>} : memref<1x8x128x8x128xf32, #tpu.memory_space<vmem>>, vector<1x8x1x8x128xf32>,
    %slice3A_1218 = vector.extract_strided_slice %dot_general3A_10 {offsets = [0, 15488], sizes = [64, 128], strides = [1, 1]} : vector<64x16384xf32> to vector<64x128xf32>
    %reshape3A_1219 = vector.shape_cast %slice3A_1218 : vector<64x128xf32> to vector<8x8x128xf32>
    %swap3A_1220 = arith.constant 0 : index
    %swap3A_1221 = arith.constant 0 : index
    %swap3A_1222 = arith.constant 121 : index
    %swap3A_1223 = arith.constant 0 : index
    %swap3A_1224 = arith.constant 0 : index
    %swap3A_1225 = vector.load %arg4[%swap3A_1220, %swap3A_1221, %swap3A_1222, %swap3A_1223, %swap3A_1224] : memref<1x8x128x8x128xf32, #tpu.memory_space<vmem>>, vector<1x8x1x8x128xf32>
    %swap3A_1226 = vector.shape_cast %swap3A_1225 : vector<1x8x1x8x128xf32> to vector<8x8x128xf32>
    %swap3A_1227 = vector.shape_cast %reshape3A_1219 : vector<8x8x128xf32> to vector<1x8x1x8x128xf32>
    tpu.vector_store %arg4[%swap3A_1220, %swap3A_1221, %swap3A_1222, %swap3A_1223, %swap3A_1224], %swap3A_1227 {strides = array<i32>} : memref<1x8x128x8x128xf32, #tpu.memory_space<vmem>>, vector<1x8x1x8x128xf32>,
    %slice3A_1228 = vector.extract_strided_slice %dot_general3A_10 {offsets = [0, 15616], sizes = [64, 128], strides = [1, 1]} : vector<64x16384xf32> to vector<64x128xf32>
    %reshape3A_1229 = vector.shape_cast %slice3A_1228 : vector<64x128xf32> to vector<8x8x128xf32>
    %swap3A_1230 = arith.constant 0 : index
    %swap3A_1231 = arith.constant 0 : index
    %swap3A_1232 = arith.constant 122 : index
    %swap3A_1233 = arith.constant 0 : index
    %swap3A_1234 = arith.constant 0 : index
    %swap3A_1235 = vector.load %arg4[%swap3A_1230, %swap3A_1231, %swap3A_1232, %swap3A_1233, %swap3A_1234] : memref<1x8x128x8x128xf32, #tpu.memory_space<vmem>>, vector<1x8x1x8x128xf32>
    %swap3A_1236 = vector.shape_cast %swap3A_1235 : vector<1x8x1x8x128xf32> to vector<8x8x128xf32>
    %swap3A_1237 = vector.shape_cast %reshape3A_1229 : vector<8x8x128xf32> to vector<1x8x1x8x128xf32>
    tpu.vector_store %arg4[%swap3A_1230, %swap3A_1231, %swap3A_1232, %swap3A_1233, %swap3A_1234], %swap3A_1237 {strides = array<i32>} : memref<1x8x128x8x128xf32, #tpu.memory_space<vmem>>, vector<1x8x1x8x128xf32>,
    %slice3A_1238 = vector.extract_strided_slice %dot_general3A_10 {offsets = [0, 15744], sizes = [64, 128], strides = [1, 1]} : vector<64x16384xf32> to vector<64x128xf32>
    %reshape3A_1239 = vector.shape_cast %slice3A_1238 : vector<64x128xf32> to vector<8x8x128xf32>
    %swap3A_1240 = arith.constant 0 : index
    %swap3A_1241 = arith.constant 0 : index
    %swap3A_1242 = arith.constant 123 : index
    %swap3A_1243 = arith.constant 0 : index
    %swap3A_1244 = arith.constant 0 : index
    %swap3A_1245 = vector.load %arg4[%swap3A_1240, %swap3A_1241, %swap3A_1242, %swap3A_1243, %swap3A_1244] : memref<1x8x128x8x128xf32, #tpu.memory_space<vmem>>, vector<1x8x1x8x128xf32>
    %swap3A_1246 = vector.shape_cast %swap3A_1245 : vector<1x8x1x8x128xf32> to vector<8x8x128xf32>
    %swap3A_1247 = vector.shape_cast %reshape3A_1239 : vector<8x8x128xf32> to vector<1x8x1x8x128xf32>
    tpu.vector_store %arg4[%swap3A_1240, %swap3A_1241, %swap3A_1242, %swap3A_1243, %swap3A_1244], %swap3A_1247 {strides = array<i32>} : memref<1x8x128x8x128xf32, #tpu.memory_space<vmem>>, vector<1x8x1x8x128xf32>,
    %slice3A_1248 = vector.extract_strided_slice %dot_general3A_10 {offsets = [0, 15872], sizes = [64, 128], strides = [1, 1]} : vector<64x16384xf32> to vector<64x128xf32>
    %reshape3A_1249 = vector.shape_cast %slice3A_1248 : vector<64x128xf32> to vector<8x8x128xf32>
    %swap3A_1250 = arith.constant 0 : index
    %swap3A_1251 = arith.constant 0 : index
    %swap3A_1252 = arith.constant 124 : index
    %swap3A_1253 = arith.constant 0 : index
    %swap3A_1254 = arith.constant 0 : index
    %swap3A_1255 = vector.load %arg4[%swap3A_1250, %swap3A_1251, %swap3A_1252, %swap3A_1253, %swap3A_1254] : memref<1x8x128x8x128xf32, #tpu.memory_space<vmem>>, vector<1x8x1x8x128xf32>
    %swap3A_1256 = vector.shape_cast %swap3A_1255 : vector<1x8x1x8x128xf32> to vector<8x8x128xf32>
    %swap3A_1257 = vector.shape_cast %reshape3A_1249 : vector<8x8x128xf32> to vector<1x8x1x8x128xf32>
    tpu.vector_store %arg4[%swap3A_1250, %swap3A_1251, %swap3A_1252, %swap3A_1253, %swap3A_1254], %swap3A_1257 {strides = array<i32>} : memref<1x8x128x8x128xf32, #tpu.memory_space<vmem>>, vector<1x8x1x8x128xf32>,
    %slice3A_1258 = vector.extract_strided_slice %dot_general3A_10 {offsets = [0, 16000], sizes = [64, 128], strides = [1, 1]} : vector<64x16384xf32> to vector<64x128xf32>
    %reshape3A_1259 = vector.shape_cast %slice3A_1258 : vector<64x128xf32> to vector<8x8x128xf32>
    %swap3A_1260 = arith.constant 0 : index
    %swap3A_1261 = arith.constant 0 : index
    %swap3A_1262 = arith.constant 125 : index
    %swap3A_1263 = arith.constant 0 : index
    %swap3A_1264 = arith.constant 0 : index
    %swap3A_1265 = vector.load %arg4[%swap3A_1260, %swap3A_1261, %swap3A_1262, %swap3A_1263, %swap3A_1264] : memref<1x8x128x8x128xf32, #tpu.memory_space<vmem>>, vector<1x8x1x8x128xf32>
    %swap3A_1266 = vector.shape_cast %swap3A_1265 : vector<1x8x1x8x128xf32> to vector<8x8x128xf32>
    %swap3A_1267 = vector.shape_cast %reshape3A_1259 : vector<8x8x128xf32> to vector<1x8x1x8x128xf32>
    tpu.vector_store %arg4[%swap3A_1260, %swap3A_1261, %swap3A_1262, %swap3A_1263, %swap3A_1264], %swap3A_1267 {strides = array<i32>} : memref<1x8x128x8x128xf32, #tpu.memory_space<vmem>>, vector<1x8x1x8x128xf32>,
    %slice3A_1268 = vector.extract_strided_slice %dot_general3A_10 {offsets = [0, 16128], sizes = [64, 128], strides = [1, 1]} : vector<64x16384xf32> to vector<64x128xf32>
    %reshape3A_1269 = vector.shape_cast %slice3A_1268 : vector<64x128xf32> to vector<8x8x128xf32>
    %swap3A_1270 = arith.constant 0 : index
    %swap3A_1271 = arith.constant 0 : index
    %swap3A_1272 = arith.constant 126 : index
    %swap3A_1273 = arith.constant 0 : index
    %swap3A_1274 = arith.constant 0 : index
    %swap3A_1275 = vector.load %arg4[%swap3A_1270, %swap3A_1271, %swap3A_1272, %swap3A_1273, %swap3A_1274] : memref<1x8x128x8x128xf32, #tpu.memory_space<vmem>>, vector<1x8x1x8x128xf32>
    %swap3A_1276 = vector.shape_cast %swap3A_1275 : vector<1x8x1x8x128xf32> to vector<8x8x128xf32>
    %swap3A_1277 = vector.shape_cast %reshape3A_1269 : vector<8x8x128xf32> to vector<1x8x1x8x128xf32>
    tpu.vector_store %arg4[%swap3A_1270, %swap3A_1271, %swap3A_1272, %swap3A_1273, %swap3A_1274], %swap3A_1277 {strides = array<i32>} : memref<1x8x128x8x128xf32, #tpu.memory_space<vmem>>, vector<1x8x1x8x128xf32>,
    %slice3A_1278 = vector.extract_strided_slice %dot_general3A_10 {offsets = [0, 16256], sizes = [64, 128], strides = [1, 1]} : vector<64x16384xf32> to vector<64x128xf32>
    %reshape3A_1279 = vector.shape_cast %slice3A_1278 : vector<64x128xf32> to vector<8x8x128xf32>
    %swap3A_1280 = arith.constant 0 : index
    %swap3A_1281 = arith.constant 0 : index
    %swap3A_1282 = arith.constant 127 : index
    %swap3A_1283 = arith.constant 0 : index
    %swap3A_1284 = arith.constant 0 : index
    %swap3A_1285 = vector.load %arg4[%swap3A_1280, %swap3A_1281, %swap3A_1282, %swap3A_1283, %swap3A_1284] : memref<1x8x128x8x128xf32, #tpu.memory_space<vmem>>, vector<1x8x1x8x128xf32>
    %swap3A_1286 = vector.shape_cast %swap3A_1285 : vector<1x8x1x8x128xf32> to vector<8x8x128xf32>
    %swap3A_1287 = vector.shape_cast %reshape3A_1279 : vector<8x8x128xf32> to vector<1x8x1x8x128xf32>
    tpu.vector_store %arg4[%swap3A_1280, %swap3A_1281, %swap3A_1282, %swap3A_1283, %swap3A_1284], %swap3A_1287 {strides = array<i32>} : memref<1x8x128x8x128xf32, #tpu.memory_space<vmem>>, vector<1x8x1x8x128xf32>,
    return
  }
  func.func @transform_0(%arg0: i32, %arg1: i32) -> (i32, i32) {
    %c0_i32 = arith.constant 0 : i32
    %c0_i32_0 = arith.constant 0 : i32
    %c0_i32_1 = arith.constant 0 : i32
    return %c0_i32, %c0_i32_0 : i32, i32
  }
  func.func @transform_1(%arg0: i32, %arg1: i32) -> (i32, i32, i32) {
    %mul3A = arith.constant 1 : i32
    %mul3A_0 = arith.muli %arg0, %mul3A : i32
    %add3A = arith.addi %mul3A_0, %arg1 : i32
    %c0_i32 = arith.constant 0 : i32
    %c0_i32_1 = arith.constant 0 : i32
    %c0_i32_2 = arith.constant 0 : i32
    return %add3A, %c0_i32, %c0_i32_1 : i32, i32, i32
  }
  func.func @transform_2(%arg0: i32, %arg1: i32) -> (i32, i32, i32, i32, i32) {
    %c0_i32 = arith.constant 0 : i32
    %c0_i32_0 = arith.constant 0 : i32
    %c0_i32_1 = arith.constant 0 : i32
    %c0_i32_2 = arith.constant 0 : i32
    return %arg0, %c0_i32, %arg1, %c0_i32_0, %c0_i32_1 : i32, i32, i32, i32, i32
  }
}

</mosaic_0001>

<sc_bundles>
// kernel: _lookup.4.cloned.1.call-start
scs
__scs_entry_jumppad:
0x0: {  	(pc) =	sbr.rel $0x88, $3  }
0x1: {  	(tag) =	ssettag $0x0;
	lr =	simm.s32 $0x1  }
0x2: {  	[smem:$0x3F9E] =	sst lr;
	_ =	strace $0xD0000000  }
0x3: {  	_ = 	snop  }
0x4: {  	_ = 	snop  }
0x5: {  	_ = 	snop  }
0x6: {  	_ = 	snop  }
0x7: {  	_ = 	snop  }
__scs_overlays_trampoline_lowered:
0x8: {  	[smem:$0x3FAD] =	sst s0  }
0x9: {  	[smem:$0x3FAE] =	sst s1  }
0xa: {  	[smem:$0x3FAF] =	sst s2  }
0xb: {  	[smem:$0x3FB0] =	sst s3  }
0xc: {  	[smem:$0x3FB1] =	sst s4  }
0xd: {  	[smem:$0x3FB2] =	sst s5  }
0xe: {  	[smem:$0x3FB3] =	sst s6  }
0xf: {  	[smem:$0x3FB4] =	sst s7  }
0x10: {  	[smem:$0x3FB5] =	sst s8  }
0x11: {  	[smem:$0x3FB6] =	sst s9;
	s0 =	simm.s32 @!p0 $0x0  }
0x12: {  	s1 =	sld [smem:$0x3F9C];
	s0 =	simm.s32 @p0 $0x1  }
0x13: {  	[smem:$0x3FB7] =	sst s0;
	s0 =	simm.s32 @!p1 $0x0  }
0x14: {  	s2 =	sld [smem:$0x3F9B];
	s0 =	simm.s32 @p1 $0x1  }
0x15: {  	[smem:$0x3FB8] =	sst s0;
	s0 =	simm.s32 @!p2 $0x0  }
0x16: {  	s3 =	sld [smem:$0x3FDB];
	s0 =	simm.s32 @p2 $0x1  }
0x17: {  	s4 =	simm.s32 $0x1BF5;
	[smem:$0x3FBA] =	sst s0  }
0x18: {  	s0 =	sld [smem:$0x3F9D];
	_ =	swait.ge [sflag:s4], $0x0  }
0x19: {  	s7 =	sld [smem:$0x3F9E]  }
0x1a: {  	s8 =	sadd.s32 $0xFFFFE003, lr  }
0x1b: {  	s9 =	sadd.s32 $0xFFFFFEF7, lr;
	s5 =	simm.s32 $0xFFFFFFFF;
	p2 =	slt.u32 s8, $0xFFFFF086  }
0x1c: {  	p1 =	slt.u32 s9, $0xF7A;
	s5 =	simm.s32 @!p2 $0x0  }
0x1d: {  	s5 =	simm.s32 @p1 $0x1;
	p0 =	seq.s32 s7, s2  }
0x1e: {  	s7 =	smul.u32 @!p0 $0xF7A, s2;
	p2 =	seq.s32 @!p0 s5, $0x0  }
0x1f: {  	s9 =	smul.u32 $0xF7A, s1;
	s8 =	simm.s32 @!p0 $0x1BF5;
	p2 =	por !p2, p0  }
0x20: {  	[sflag:s8] =	ssyncset.s32 @!p0 $0xFFFFF086;
	s6 =	sadd.s32 @!p0 s3, s7;
	s7 =	simm.s32 @!p0 $0x108  }
0x21: {  	s3 =	sadd.s32 s3, s9;
	s6 =	sadd.s32 @!p0 $0x88, s6;
	s7 =	simm.s32 @p2 $0x1082  }
0x22: {  	[simem:s7], [sflag:s8] =	dma.local @!p0 [hbm:s6], $0xF7A  }
0x23: {  	s9 =	sor.u32 $0xD0000000, s2;
	s6 =	simm.s32 $0x108;
	_ =	swait.ge @!p0 [sflag:s8], $0x0  }
0x24: {  	s3 =	sadd.s32 $0x88, s3;
	s6 =	simm.s32 @!p1 $0x1082;
	[sflag:s4] =	ssyncset.s32 $0xFFFFF086  }
0x25: {  	[simem:s6], [sflag:s4] =	dma.local [hbm:s3], $0xF7A  }
0x26: {  	[smem:$0x3F9E] =	sst s1;
	(tag) =	ssettag s2;
	_ =	strace s9  }
0x27: {  	s1 =	sld [smem:$0x3FAE]  }
0x28: {  	s2 =	sld [smem:$0x3FAF]  }
0x29: {  	s4 =	sld [smem:$0x3FB1]  }
0x2a: {  	p0 =	seq.s32 s5, $0x0;
	s5 =	sld [smem:$0x3FB2]  }
0x2b: {  	s6 =	sld [smem:$0x3FB3]  }
0x2c: {  	s7 =	sld [smem:$0x3FB4]  }
0x2d: {  	s3 =	simm.s32 $0x108;
	s8 =	sld [smem:$0x3FB5]  }
0x2e: {  	s3 =	simm.s32 @!p0 $0x1082;
	s9 =	sld [smem:$0x3FB6]  }
0x2f: {  	lr =	sadd.s32 s0, s3;
	s0 =	sld [smem:$0x3FAD]  }
0x30: {  	s3 =	sld [smem:$0x3FB0]  }
0x31: {  	[smem:$0x3FB9] =	sst s10  }
0x32: {  	s10 =	sld [smem:$0x3FB7];
	_ =	sdelay $0x3  }
0x33: {  	p0 =	seq.s32 s10, $0x1;
	s10 =	sld [smem:$0x3FB9];
	_ =	sdelay $0x3  }
0x34: {  	[smem:$0x3FB9] =	sst s10  }
0x35: {  	s10 =	sld [smem:$0x3FB8];
	_ =	sdelay $0x3  }
0x36: {  	p1 =	seq.s32 s10, $0x1;
	s10 =	sld [smem:$0x3FB9];
	_ =	sdelay $0x3  }
0x37: {  	[smem:$0x3FB9] =	sst s10  }
0x38: {  	s10 =	sld [smem:$0x3FBA]  }
0x39: {  	_ = 	snop;
	(pc) =	sbr.ind lr, $3  }
0x3a: {  	_ = 	snop  }
0x3b: {  	_ = 	snop  }
0x3c: {  	p2 =	seq.s32 s10, $0x1;
	s10 =	sld [smem:$0x3FB9]  }
0x3d: {  	_ =	shalt  }
0x3e: {  	_ =	shalt  }
0x3f: {  	_ =	shalt  }
0x40: {  	_ =	shalt  }
0x41: {  	_ =	shalt  }
0x42: {  	_ =	shalt  }
0x43: {  	_ =	shalt  }
0x44: {  	_ =	shalt  }
0x45: {  	_ =	shalt  }
0x46: {  	_ =	shalt  }
0x47: {  	_ =	shalt  }
0x48: {  	_ =	shalt  }
0x49: {  	_ =	shalt  }
0x4a: {  	_ =	shalt  }
0x4b: {  	_ =	shalt  }
0x4c: {  	_ =	shalt  }
0x4d: {  	_ =	shalt  }
0x4e: {  	_ =	shalt  }
0x4f: {  	_ =	shalt  }
0x50: {  	_ =	shalt  }
0x51: {  	_ =	shalt  }
0x52: {  	_ =	shalt  }
0x53: {  	_ =	shalt  }
0x54: {  	_ =	shalt  }
0x55: {  	_ =	shalt  }
0x56: {  	_ =	shalt  }
0x57: {  	_ =	shalt  }
0x58: {  	_ =	shalt  }
0x59: {  	_ =	shalt  }
0x5a: {  	_ =	shalt  }
0x5b: {  	_ =	shalt  }
0x5c: {  	_ =	shalt  }
0x5d: {  	_ =	shalt  }
0x5e: {  	_ =	shalt  }
0x5f: {  	_ =	shalt  }
0x60: {  	_ =	shalt  }
0x61: {  	_ =	shalt  }
0x62: {  	_ =	shalt  }
0x63: {  	_ =	shalt  }
0x64: {  	_ =	shalt  }
0x65: {  	_ =	shalt  }
0x66: {  	_ =	shalt  }
0x67: {  	_ =	shalt  }
0x68: {  	_ =	shalt  }
0x69: {  	_ =	shalt  }
0x6a: {  	_ =	shalt  }
0x6b: {  	_ =	shalt  }
0x6c: {  	_ =	shalt  }
0x6d: {  	_ =	shalt  }
0x6e: {  	_ =	shalt  }
0x6f: {  	_ =	shalt  }
0x70: {  	_ =	shalt  }
0x71: {  	_ =	shalt  }
0x72: {  	_ =	shalt  }
0x73: {  	_ =	shalt  }
0x74: {  	_ =	shalt  }
0x75: {  	_ =	shalt  }
0x76: {  	_ =	shalt  }
0x77: {  	_ =	shalt  }
0x78: {  	_ =	shalt  }
0x79: {  	_ =	shalt  }
0x7a: {  	_ =	shalt  }
0x7b: {  	_ =	shalt  }
0x7c: {  	_ =	shalt  }
0x7d: {  	_ =	shalt  }
0x7e: {  	_ =	shalt  }
0x7f: {  	_ =	shalt  }
0x80: {  	_ =	shalt  }
0x81: {  	_ =	shalt  }
0x82: {  	_ =	shalt  }
0x83: {  	_ =	shalt  }
0x84: {  	_ =	shalt  }
0x85: {  	_ =	shalt  }
0x86: {  	_ =	shalt  }
0x87: {  	_ =	shalt  }
.Lfunc_end0:
.L_simem_size_0:
called_computation_lowered:
.L_overlay_start_0:
0x88: {  	s2 =	sld [smem:$0x3FD9]  }
0x89: {  	s3 =	sld [smem:$0x3FFE];
	_ =	sdelay $0x1  }
0x8a: {  	s1 =	srdreg.scid  }
0x8b: {  	s0 =	sand.u32 $0x1, s1  }
0x8c: {  	s14 =	sshll.u32 s0, $0xA;
	s2 =	sadd.s32 s3, s2  }
0x8d: {  	s2 =	sadd.s32 s2, s14  }
0x8e: {  	[smem:$0x3FC5] =	sst s2  }
0x8f: {  	_ = 	snop  }
0x90: {  	s2 =	sld [smem:$0x3FD0];
	_ =	sdelay $0x2  }
0x91: {  	s15 =	simm.s32 $0xA;
	s4 =	simm.s32 $0x10  }
0x92: {  	[smem:s4], [sflag:s15] =	dma.local [hbm:s2], $0x1  }
0x93: {  	_ =	swait.eq [sflag:s15], $0x1  }
0x94: {  	[sflag:s15] =	ssyncset.done $0x0  }
0x95: {  	[sflag:s15] =	ssyncadd.s32 $0xFFFFFFFF  }
0x96: {  	s16 =	sld [smem:$0x10];
	(tm) =	ssettm $0x1  }
0x97: {  	s17 =	sld [smem:$0x3FFB];
	_ =	sdelay $0x3  }
0x98: {  	_ =	strace s17  }
0x99: {  	s3 =	sld [smem:$0x3FFC];
	_ =	sdelay $0x3  }
0x9a: {  	_ =	strace s3  }
0x9b: {  	s3 =	sld [smem:$0x3FFD];
	_ =	sdelay $0x3  }
0x9c: {  	_ =	strace s3  }
0x9d: {  	_ =	strace $0x8FFFFFFF  }
0x9e: {  	s18 =	sld [smem:$0x3FDB];
	_ =	sdelay $0x1  }
0x9f: {  	s19 =	simm.s32 $_scs_section_size  }
0xa0: {  	s5 =	simm.s32 $_size__tile_overlayer_lowered;
	s6 =	simm.s32 $_tile_overlayer_lowered  }
0xa1: {  	s22 =	simm.s32 $0x1BFF;
	s21 =	sshll.u32 s6, $0x1;
	s3 =	sadd.s32 s19, s18  }
0xa2: {  	s7 =	simm.s32 $0x0;
	s20 =	sshll.u32 s5, $0x1;
	s5 =	sadd.s32 s21, s3  }
0xa3: {  	[timem:s7], [sflag:s22] =	dma.local [hbm:s5], s20  }
0xa4: {  	_ =	swait.ge [sflag:s22], s20  }
0xa5: {  	s4 =	ssub.s32 $0x0, s20;
	[sflag:s22] =	ssyncset.done $0x0  }
0xa6: {  	[sflag:s22] =	ssyncadd.s32 s4;
	_ =	sdelay $0x1  }
0xa7: {  	s23 =	simm.s32 $0x1B8B  }
0xa8: {  	_ =	swait.ge [sflag:s23], $0x1  }
0xa9: {  	[sflag:s23] =	ssyncset.done $0x0  }
0xaa: {  	s25 =	simm.s32 $0x1B8E;
	s24 =	sld [smem:$0x3FFE];
	[sflag:s23] =	ssyncadd.s32 $0xFFFFFFFF  }
0xab: {  	s26 =	simm.s32 $execute0_lowered;
	[smem:$0x3FD2] =	sst s25  }
0xac: {  	s5 =	sshll.u32 s26, $0x1;
	_ =	strace $0x80000046;
	[dreg:$0x1] =	wrdreg $0xFFFFFFFF  }
0xad: {  	s28 =	simm.s32 $_size_execute0_lowered;
	s3 =	sadd.s32 s3, s5;
	[dreg:$0x0] =	wrdreg $0x0  }
0xae: {  	s5 =	sshll.u32 s28, $0x1;
	[dreg:$0x2] =	wrdreg s3  }
0xaf: {  	[dreg:$0x3] =	wrdreg s5  }
0xb0: {  	[dreg:$0x4] =	wrdreg $0xC0  }
0xb1: {  	_ =	task [dreg:s7], $0x5FFFF  }
0xb2: {  	[dreg:$0x1] =	wrdreg $0xFFFFFFFF  }
0xb3: {  	[dreg:$0x0] =	wrdreg $0x60  }
0xb4: {  	[dreg:$0x2] =	wrdreg s24  }
0xb5: {  	[dreg:$0x3] =	wrdreg s16  }
0xb6: {  	[dreg:$0x4] =	wrdreg $0x9  }
0xb7: {  	_ =	task.clear_ibuf [dreg:s7], $0x5FFFF;
	_ =	strace $0x90000046  }
0xb8: {  	s29 =	simm.s32 $0x9;
	_ =	strace $0x80000048  }
0xb9: {  	_ =	swait.ge [sflag:s29], $0x1  }
0xba: {  	[sflag:s29] =	ssyncadd.s32 $0xFFFFFFFF  }
0xbb: {  	_ =	strace $0x90000048  }
0xbc: {  	_ =	sfence  }
0xbd: {  	s30 =	sld [smem:$0x0];
	_ =	sdelay $0x2  }
0xbe: {  	s31 =	sshll.u32 s1, $0xD;
	s1 =	sshrl.u32 s1, $0x2  }
0xbf: {  	s3 =	sand.u32 $0x4000, s31;
	s1 =	sadd.s32 s1, s30  }
0xc0: {  	s0 =	sor.u32 s3, s0;
	s1 =	sshll.u32 s1, $0x11  }
0xc1: {  	s0 =	sor.u32 s1, s0  }
0xc2: {  	s0 =	sadd.s32 $0x8F2B, s0  }
0xc3: {  	[sflag:s0] =	ssyncadd.remote.s32 $0x1  }
0xc4: {  	_ =	sfence.sel $0xFFFF  }
0xc5: {  	[dreg:$0x0] =	wrdreg $0xFFFFFFFF;
	(pc) =	sbr.abs _section_cstart, $3  }
0xc6: {  	[dreg:$0x1] =	wrdreg $0xFFFFFFFF  }
0xc7: {  	_ =	task.clear_ibuf [dreg:s7], $0x2FFFF;
	_ =	strace $0x9FFFFFFF  }
0xc8: {  	(tm) =	ssettm $0x7FFFFFFF  }
0xc9: {  	_ =	shalt  }
tec
execute0_lowered:
.L_overlay_start_1:
0x0: {  	(tag) =	ssettag $0x1  }
0x1: {  	v0 =	vlaneseq.u32  }
0x2: {  	v1 =	vor.u32 $0x10, v0;
	v20 =	vadd.s32 $0x195, v0;
	v21 =	vadd.s32 $0x1A5, v0  }
0x3: {  	v22 =	vadd.s32 $0x1B5, v0;
	v23 =	vadd.s32 $0x1C5, v0;
	[tilespmem:$0x1FED0] =	vst v1;
	v1 =	vor.u32 $0x20, v0  }
0x4: {  	v24 =	vadd.s32 $0x1E6, v0;
	v25 =	vadd.s32 $0x1F6, v0;
	[tilespmem:$0x1FEE0] =	vst v1;
	v1 =	vor.u32 $0x30, v0  }
0x5: {  	v26 =	vadd.s32 $0x206, v0;
	v27 =	vadd.s32 $0x216, v0;
	[tilespmem:$0x1FEF0] =	vst v1;
	v1 =	vadd.s32 $0x51, v0  }
0x6: {  	v28 =	vadd.s32 $0x237, v0;
	v29 =	vadd.s32 $0x247, v0;
	[tilespmem:$0x1FF00] =	vst v1;
	v1 =	vadd.s32 $0x61, v0  }
0x7: {  	v30 =	vadd.s32 $0x257, v0;
	v31 =	vadd.s32 $0x267, v0;
	[tilespmem:$0x1FF10] =	vst v1;
	v1 =	vadd.s32 $0x71, v0  }
0x8: {  	v32 =	vadd.s32 $0x288, v0;
	v33 =	vadd.s32 $0x298, v0;
	[tilespmem:$0x1FF20] =	vst v1;
	v1 =	vadd.s32 $0x81, v0  }
0x9: {  	v34 =	vadd.s32 $0x2A8, v0;
	v35 =	vadd.s32 $0x2B8, v0;
	[tilespmem:$0x1FF30] =	vst v1;
	v1 =	vadd.s32 $0xA2, v0  }
0xa: {  	v36 =	vadd.s32 $0x2D9, v0;
	v37 =	vadd.s32 $0x2E9, v0;
	[tilespmem:$0x1FF40] =	vst v1;
	v1 =	vadd.s32 $0xB2, v0  }
0xb: {  	s0 =	rddreg [dreg:$0x0];
	v38 =	vadd.s32 $0x2F9, v0;
	v39 =	vadd.s32 $0x309, v0;
	[tilespmem:$0x1FF50] =	vst v1;
	v1 =	vadd.s32 $0xC2, v0  }
0xc: {  	s1 =	rddreg [dreg:$0x1];
	s3 =	simm.s32 $0x0;
	s10 =	simm.s32 $0x6400;
	v40 =	vadd.s32 $0x32A, v0;
	v41 =	vadd.s32 $0x33A, v0;
	[tilespmem:$0x1FF60] =	vst v1;
	v1 =	vadd.s32 $0xD2, v0  }
0xd: {  	s2 =	srdreg.scid;
	s12 =	simm.s32 $0x6880;
	s13 =	simm.s32 $0x200;
	v42 =	vadd.s32 $0x34A, v0;
	v43 =	vadd.s32 $0x35A, v0;
	[tilespmem:$0x1FF70] =	vst v1;
	v1 =	vadd.s32 $0xF3, v0  }
0xe: {  	s4 =	stileid.u32;
	s14 =	simm.s32 $0x4000;
	s15 =	simm.s32 $0x1000;
	v44 =	vadd.s32 $0x37B, v0;
	v45 =	vadd.s32 $0x38B, v0;
	[tilespmem:$0x1FF80] =	vst v1;
	v1 =	vadd.s32 $0x103, v0  }
0xf: {  	s11 =	simm.s32 $0x3;
	s16 =	simm.s32 $0x20000;
	s17 =	simm.s32 $0x6E20;
	v46 =	vadd.s32 $0x39B, v0;
	v47 =	vadd.s32 $0x3AB, v0;
	[tilespmem:$0x1FF90] =	vst v1;
	v1 =	vadd.s32 $0x113, v0  }
0x10: {  	s18 =	simm.s32 $0xEE20;
	s19 =	simm.s32 $0x1;
	s20 =	simm.s32 $0x2;
	v48 =	vadd.s32 $0x3CC, v0;
	v49 =	vadd.s32 $0x3DC, v0;
	[tilespmem:$0x1FFA0] =	vst v1;
	v1 =	vadd.s32 $0x123, v0  }
0x11: {  	s21 =	simm.s32 $0x0;
	s2 =	sand.u32 $0x1, s2;
	s4 =	sshll.u32 s4, $0x1;
	v50 =	vadd.s32 $0x3EC, v0;
	v51 =	vadd.s32 $0x3FC, v0;
	[tilespmem:$0x1FFB0] =	vst v1;
	v1 =	vadd.s32 $0x144, v0  }
0x12: {  	[smem:$0x7FF] =	sst s3;
	v52 =	vadd.s32 $0x41D, v0;
	v53 =	vadd.s32 $0x42D, v0;
	s7 =	sor.u32 s2, s4;
	s2 =	ssub.s32 $0x2, s2;
	[tilespmem:$0x1FFC0] =	vst v1;
	v1 =	vadd.s32 $0x154, v0  }
0x13: {  	v54 =	vadd.s32 $0x43D, v0;
	v55 =	vadd.s32 $0x44D, v0;
	s4 =	sadd.s32 $0x400, s0;
	s5 =	sshll.u32 s7, $0x6;
	s31 =	sshrl.u32 s2, $0x1;
	[tilespmem:$0x1FFD0] =	vst v1;
	v1 =	vadd.s32 $0x164, v0  }
0x14: {  	v56 =	vadd.s32 $0x46E, v0;
	v57 =	vadd.s32 $0x47E, v0;
	s6 =	sshll.u32 s7, $0x9;
	s7 =	sshll.u32 s7, $0xC;
	s0 =	sadd.s32 s5, s0;
	[tilespmem:$0x1FFE0] =	vst v1;
	v1 =	vadd.s32 $0x174, v0  }
0x15: {  	v58 =	vadd.s32 $0x48E, v0;
	v59 =	vadd.s32 $0x49E, v0;
	v60 =	vadd.s32 $0x4BF, v0;
	s2 =	ssub.s32 s2, s31;
	s6 =	sadd.s32 s1, s6;
	s5 =	sadd.s32 $0x600, s0;
	[tilespmem:$0x1FFF0] =	vst v1  }
0x16: {  	v61 =	vadd.s32 $0x4CF, v0;
	v62 =	vadd.s32 $0x4DF, v0;
	v63 =	vadd.s32 $0x4EF, v0;
	s8 =	sadd.s32 $0x20000, s6;
	s9 =	smax.u32 s2, $0x1;
	_ =	strace $0x80000047  }
.LBB2_1:
0x17: {  	[tilespmem:s10], [sflag:$0x3] =	stream.linear.gather [hbm4b:s4+s3], $0x480, $0x38;
	[tilespmem:$0x16E20] =	vst v63  }
0x18: {  	_ =	swait.ge [sflag:s11], $0x480  }
0x19: {  	[sflag:s11] =	ssyncset.done $0x0  }
0x1a: {  	[sflag:s11] =	ssyncadd.s32 $0xFFFFFB80  }
0x1b: {  	v1 =	vld [tilespmem:$0x6400];
	_ =	sdelay $0x2  }
0x1c: {  	v2 =	vld [tilespmem:$0x1FED0];
	_ =	sdelay $0x1  }
0x1d: {  	[tilespmem:v0+s12+$0x0] =	vst.idx.msk $0xffff, v1  }
0x1e: {  	v1 =	vld [tilespmem:$0x6410];
	_ =	sdelay $0x4  }
0x1f: {  	[tilespmem:v2+s12+$0x0] =	vst.idx.msk $0xffff, v1;
	v2 =	vld [tilespmem:$0x1FEE0];
	_ =	sdelay $0x2  }
0x20: {  	v1 =	vld [tilespmem:$0x6420];
	_ =	sdelay $0x4  }
0x21: {  	[tilespmem:v2+s12+$0x0] =	vst.idx.msk $0xffff, v1;
	v2 =	vld [tilespmem:$0x1FEF0];
	_ =	sdelay $0x2  }
0x22: {  	v1 =	vld [tilespmem:$0x6430];
	_ =	sdelay $0x4  }
0x23: {  	[tilespmem:v2+s12+$0x0] =	vst.idx.msk $0xffff, v1;
	v2 =	vld [tilespmem:$0x1FF00];
	_ =	sdelay $0x2  }
0x24: {  	v1 =	vld [tilespmem:$0x6440];
	_ =	sdelay $0x4  }
0x25: {  	[tilespmem:v2+s12+$0x0] =	vst.idx.msk $0xffff, v1;
	v2 =	vld [tilespmem:$0x1FF10];
	_ =	sdelay $0x2  }
0x26: {  	v1 =	vld [tilespmem:$0x6450];
	_ =	sdelay $0x4  }
0x27: {  	[tilespmem:v2+s12+$0x0] =	vst.idx.msk $0xffff, v1;
	v2 =	vld [tilespmem:$0x1FF20];
	_ =	sdelay $0x2  }
0x28: {  	v1 =	vld [tilespmem:$0x6460];
	_ =	sdelay $0x4  }
0x29: {  	[tilespmem:v2+s12+$0x0] =	vst.idx.msk $0xffff, v1;
	v2 =	vld [tilespmem:$0x1FF30];
	_ =	sdelay $0x2  }
0x2a: {  	v1 =	vld [tilespmem:$0x6470];
	_ =	sdelay $0x4  }
0x2b: {  	[tilespmem:v2+s12+$0x0] =	vst.idx.msk $0xffff, v1;
	v2 =	vld [tilespmem:$0x1FF40];
	_ =	sdelay $0x2  }
0x2c: {  	v1 =	vld [tilespmem:$0x6480];
	_ =	sdelay $0x4  }
0x2d: {  	[tilespmem:v2+s12+$0x0] =	vst.idx.msk $0xffff, v1;
	v2 =	vld [tilespmem:$0x1FF50];
	_ =	sdelay $0x2  }
0x2e: {  	v1 =	vld [tilespmem:$0x6490];
	_ =	sdelay $0x4  }
0x2f: {  	[tilespmem:v2+s12+$0x0] =	vst.idx.msk $0xffff, v1;
	v2 =	vld [tilespmem:$0x1FF60];
	_ =	sdelay $0x2  }
0x30: {  	v1 =	vld [tilespmem:$0x64A0];
	_ =	sdelay $0x4  }
0x31: {  	[tilespmem:v2+s12+$0x0] =	vst.idx.msk $0xffff, v1;
	v2 =	vld [tilespmem:$0x1FF70];
	_ =	sdelay $0x2  }
0x32: {  	v1 =	vld [tilespmem:$0x64B0];
	_ =	sdelay $0x4  }
0x33: {  	[tilespmem:v2+s12+$0x0] =	vst.idx.msk $0xffff, v1;
	v2 =	vld [tilespmem:$0x1FF80];
	_ =	sdelay $0x2  }
0x34: {  	v1 =	vld [tilespmem:$0x64C0];
	_ =	sdelay $0x4  }
0x35: {  	[tilespmem:v2+s12+$0x0] =	vst.idx.msk $0xffff, v1;
	v2 =	vld [tilespmem:$0x1FF90];
	_ =	sdelay $0x2  }
0x36: {  	v1 =	vld [tilespmem:$0x64D0];
	_ =	sdelay $0x4  }
0x37: {  	[tilespmem:v2+s12+$0x0] =	vst.idx.msk $0xffff, v1;
	v2 =	vld [tilespmem:$0x1FFA0];
	_ =	sdelay $0x2  }
0x38: {  	v1 =	vld [tilespmem:$0x64E0];
	_ =	sdelay $0x4  }
0x39: {  	[tilespmem:v2+s12+$0x0] =	vst.idx.msk $0xffff, v1;
	v2 =	vld [tilespmem:$0x1FFB0];
	_ =	sdelay $0x2  }
0x3a: {  	v1 =	vld [tilespmem:$0x64F0];
	_ =	sdelay $0x4  }
0x3b: {  	[tilespmem:v2+s12+$0x0] =	vst.idx.msk $0xffff, v1;
	v2 =	vld [tilespmem:$0x1FFC0];
	_ =	sdelay $0x2  }
0x3c: {  	v1 =	vld [tilespmem:$0x6500];
	_ =	sdelay $0x4  }
0x3d: {  	[tilespmem:v2+s12+$0x0] =	vst.idx.msk $0xffff, v1;
	v2 =	vld [tilespmem:$0x1FFD0];
	_ =	sdelay $0x2  }
0x3e: {  	v1 =	vld [tilespmem:$0x6510];
	_ =	sdelay $0x4  }
0x3f: {  	[tilespmem:v2+s12+$0x0] =	vst.idx.msk $0xffff, v1;
	v2 =	vld [tilespmem:$0x1FFE0];
	_ =	sdelay $0x2  }
0x40: {  	v1 =	vld [tilespmem:$0x6520];
	_ =	sdelay $0x4  }
0x41: {  	[tilespmem:v2+s12+$0x0] =	vst.idx.msk $0xffff, v1;
	v2 =	vld [tilespmem:$0x1FFF0];
	_ =	sdelay $0x2  }
0x42: {  	v1 =	vld [tilespmem:$0x6530];
	_ =	sdelay $0x4  }
0x43: {  	[tilespmem:v2+s12+$0x0] =	vst.idx.msk $0xffff, v1  }
0x44: {  	v1 =	vld [tilespmem:$0x6540];
	_ =	sdelay $0x4  }
0x45: {  	[tilespmem:v20+s12+$0x0] =	vst.idx.msk $0xffff, v1  }
0x46: {  	v1 =	vld [tilespmem:$0x6550];
	_ =	sdelay $0x4  }
0x47: {  	[tilespmem:v21+s12+$0x0] =	vst.idx.msk $0xffff, v1  }
0x48: {  	v1 =	vld [tilespmem:$0x6560];
	_ =	sdelay $0x4  }
0x49: {  	[tilespmem:v22+s12+$0x0] =	vst.idx.msk $0xffff, v1  }
0x4a: {  	v1 =	vld [tilespmem:$0x6570];
	_ =	sdelay $0x4  }
0x4b: {  	[tilespmem:v23+s12+$0x0] =	vst.idx.msk $0xffff, v1  }
0x4c: {  	v1 =	vld [tilespmem:$0x6580];
	_ =	sdelay $0x4  }
0x4d: {  	[tilespmem:v24+s12+$0x0] =	vst.idx.msk $0xffff, v1  }
0x4e: {  	v1 =	vld [tilespmem:$0x6590];
	_ =	sdelay $0x4  }
0x4f: {  	[tilespmem:v25+s12+$0x0] =	vst.idx.msk $0xffff, v1  }
0x50: {  	v1 =	vld [tilespmem:$0x65A0];
	_ =	sdelay $0x4  }
0x51: {  	[tilespmem:v26+s12+$0x0] =	vst.idx.msk $0xffff, v1  }
0x52: {  	v1 =	vld [tilespmem:$0x65B0];
	_ =	sdelay $0x4  }
0x53: {  	[tilespmem:v27+s12+$0x0] =	vst.idx.msk $0xffff, v1  }
0x54: {  	v1 =	vld [tilespmem:$0x65C0];
	_ =	sdelay $0x4  }
0x55: {  	[tilespmem:v28+s12+$0x0] =	vst.idx.msk $0xffff, v1  }
0x56: {  	v1 =	vld [tilespmem:$0x65D0];
	_ =	sdelay $0x4  }
0x57: {  	[tilespmem:v29+s12+$0x0] =	vst.idx.msk $0xffff, v1  }
0x58: {  	v1 =	vld [tilespmem:$0x65E0];
	_ =	sdelay $0x4  }
0x59: {  	[tilespmem:v30+s12+$0x0] =	vst.idx.msk $0xffff, v1  }
0x5a: {  	v1 =	vld [tilespmem:$0x65F0];
	_ =	sdelay $0x4  }
0x5b: {  	[tilespmem:v31+s12+$0x0] =	vst.idx.msk $0xffff, v1  }
0x5c: {  	v1 =	vld [tilespmem:$0x6600];
	_ =	sdelay $0x4  }
0x5d: {  	[tilespmem:v32+s12+$0x0] =	vst.idx.msk $0xffff, v1  }
0x5e: {  	v1 =	vld [tilespmem:$0x6610];
	_ =	sdelay $0x4  }
0x5f: {  	[tilespmem:v33+s12+$0x0] =	vst.idx.msk $0xffff, v1  }
0x60: {  	v1 =	vld [tilespmem:$0x6620];
	_ =	sdelay $0x4  }
0x61: {  	[tilespmem:v34+s12+$0x0] =	vst.idx.msk $0xffff, v1  }
0x62: {  	v1 =	vld [tilespmem:$0x6630];
	_ =	sdelay $0x4  }
0x63: {  	[tilespmem:v35+s12+$0x0] =	vst.idx.msk $0xffff, v1  }
0x64: {  	v1 =	vld [tilespmem:$0x6640];
	_ =	sdelay $0x4  }
0x65: {  	[tilespmem:v36+s12+$0x0] =	vst.idx.msk $0xffff, v1  }
0x66: {  	v1 =	vld [tilespmem:$0x6650];
	_ =	sdelay $0x4  }
0x67: {  	[tilespmem:v37+s12+$0x0] =	vst.idx.msk $0xffff, v1  }
0x68: {  	v1 =	vld [tilespmem:$0x6660];
	_ =	sdelay $0x4  }
0x69: {  	[tilespmem:v38+s12+$0x0] =	vst.idx.msk $0xffff, v1  }
0x6a: {  	v1 =	vld [tilespmem:$0x6670];
	_ =	sdelay $0x4  }
0x6b: {  	[tilespmem:v39+s12+$0x0] =	vst.idx.msk $0xffff, v1  }
0x6c: {  	v1 =	vld [tilespmem:$0x6680];
	_ =	sdelay $0x4  }
0x6d: {  	[tilespmem:v40+s12+$0x0] =	vst.idx.msk $0xffff, v1  }
0x6e: {  	v1 =	vld [tilespmem:$0x6690];
	_ =	sdelay $0x4  }
0x6f: {  	[tilespmem:v41+s12+$0x0] =	vst.idx.msk $0xffff, v1  }
0x70: {  	v1 =	vld [tilespmem:$0x66A0];
	_ =	sdelay $0x4  }
0x71: {  	[tilespmem:v42+s12+$0x0] =	vst.idx.msk $0xffff, v1  }
0x72: {  	v1 =	vld [tilespmem:$0x66B0];
	_ =	sdelay $0x4  }
0x73: {  	[tilespmem:v43+s12+$0x0] =	vst.idx.msk $0xffff, v1  }
0x74: {  	v1 =	vld [tilespmem:$0x66C0];
	_ =	sdelay $0x4  }
0x75: {  	[tilespmem:v44+s12+$0x0] =	vst.idx.msk $0xffff, v1  }
0x76: {  	v1 =	vld [tilespmem:$0x66D0];
	_ =	sdelay $0x4  }
0x77: {  	[tilespmem:v45+s12+$0x0] =	vst.idx.msk $0xffff, v1  }
0x78: {  	v1 =	vld [tilespmem:$0x66E0];
	_ =	sdelay $0x4  }
0x79: {  	[tilespmem:v46+s12+$0x0] =	vst.idx.msk $0xffff, v1  }
0x7a: {  	v1 =	vld [tilespmem:$0x66F0];
	_ =	sdelay $0x4  }
0x7b: {  	[tilespmem:v47+s12+$0x0] =	vst.idx.msk $0xffff, v1  }
0x7c: {  	v1 =	vld [tilespmem:$0x6700];
	_ =	sdelay $0x4  }
0x7d: {  	[tilespmem:v48+s12+$0x0] =	vst.idx.msk $0xffff, v1  }
0x7e: {  	v1 =	vld [tilespmem:$0x6710];
	_ =	sdelay $0x4  }
0x7f: {  	[tilespmem:v49+s12+$0x0] =	vst.idx.msk $0xffff, v1  }
0x80: {  	v1 =	vld [tilespmem:$0x6720];
	_ =	sdelay $0x4  }
0x81: {  	[tilespmem:v50+s12+$0x0] =	vst.idx.msk $0xffff, v1  }
0x82: {  	v1 =	vld [tilespmem:$0x6730];
	_ =	sdelay $0x4  }
0x83: {  	[tilespmem:v51+s12+$0x0] =	vst.idx.msk $0xffff, v1  }
0x84: {  	v1 =	vld [tilespmem:$0x6740];
	_ =	sdelay $0x4  }
0x85: {  	[tilespmem:v52+s12+$0x0] =	vst.idx.msk $0xffff, v1  }
0x86: {  	v1 =	vld [tilespmem:$0x6750];
	_ =	sdelay $0x4  }
0x87: {  	[tilespmem:v53+s12+$0x0] =	vst.idx.msk $0xffff, v1  }
0x88: {  	v1 =	vld [tilespmem:$0x6760];
	_ =	sdelay $0x4  }
0x89: {  	[tilespmem:v54+s12+$0x0] =	vst.idx.msk $0xffff, v1  }
0x8a: {  	v1 =	vld [tilespmem:$0x6770];
	_ =	sdelay $0x4  }
0x8b: {  	[tilespmem:v55+s12+$0x0] =	vst.idx.msk $0xffff, v1  }
0x8c: {  	v1 =	vld [tilespmem:$0x6780];
	_ =	sdelay $0x4  }
0x8d: {  	[tilespmem:v56+s12+$0x0] =	vst.idx.msk $0xffff, v1  }
0x8e: {  	v1 =	vld [tilespmem:$0x6790];
	_ =	sdelay $0x4  }
0x8f: {  	[tilespmem:v57+s12+$0x0] =	vst.idx.msk $0xffff, v1  }
0x90: {  	v1 =	vld [tilespmem:$0x67A0];
	_ =	sdelay $0x4  }
0x91: {  	[tilespmem:v58+s12+$0x0] =	vst.idx.msk $0xffff, v1  }
0x92: {  	v1 =	vld [tilespmem:$0x67B0];
	_ =	sdelay $0x4  }
0x93: {  	[tilespmem:v59+s12+$0x0] =	vst.idx.msk $0xffff, v1  }
0x94: {  	v1 =	vld [tilespmem:$0x67C0];
	_ =	sdelay $0x4  }
0x95: {  	[tilespmem:v60+s12+$0x0] =	vst.idx.msk $0xffff, v1  }
0x96: {  	v1 =	vld [tilespmem:$0x67D0];
	_ =	sdelay $0x4  }
0x97: {  	[tilespmem:v61+s12+$0x0] =	vst.idx.msk $0xffff, v1  }
0x98: {  	v1 =	vld [tilespmem:$0x67E0];
	_ =	sdelay $0x4  }
0x99: {  	[tilespmem:v62+s12+$0x0] =	vst.idx.msk $0xffff, v1  }
0x9a: {  	v1 =	vld [tilespmem:$0x67F0];
	_ =	sdelay $0x4  }
0x9b: {  	[tilespmem:v63+s12+$0x0] =	vst.idx.msk $0xffff, v1  }
0x9c: {  	v2 =	vor.u32 $0x500, v0;
	v1 =	vld [tilespmem:$0x6800];
	_ =	sdelay $0x4  }
0x9d: {  	[tilespmem:v2+s12+$0x0] =	vst.idx.msk $0xffff, v1  }
0x9e: {  	v2 =	vor.u32 $0x510, v0;
	v1 =	vld [tilespmem:$0x6810];
	_ =	sdelay $0x4  }
0x9f: {  	[tilespmem:v2+s12+$0x0] =	vst.idx.msk $0xffff, v1  }
0xa0: {  	v2 =	vor.u32 $0x520, v0;
	v1 =	vld [tilespmem:$0x6820];
	_ =	sdelay $0x4  }
0xa1: {  	[tilespmem:v2+s12+$0x0] =	vst.idx.msk $0xffff, v1  }
0xa2: {  	v2 =	vor.u32 $0x530, v0;
	v1 =	vld [tilespmem:$0x6830];
	_ =	sdelay $0x4  }
0xa3: {  	[tilespmem:v2+s12+$0x0] =	vst.idx.msk $0xffff, v1  }
0xa4: {  	v2 =	vadd.s32 $0x551, v0;
	v1 =	vld [tilespmem:$0x6840];
	_ =	sdelay $0x4  }
0xa5: {  	[tilespmem:v2+s12+$0x0] =	vst.idx.msk $0xffff, v1  }
0xa6: {  	v2 =	vadd.s32 $0x561, v0;
	v1 =	vld [tilespmem:$0x6850];
	_ =	sdelay $0x4  }
0xa7: {  	[tilespmem:v2+s12+$0x0] =	vst.idx.msk $0xffff, v1  }
0xa8: {  	v2 =	vadd.s32 $0x571, v0;
	v1 =	vld [tilespmem:$0x6860];
	_ =	sdelay $0x4  }
0xa9: {  	[tilespmem:v2+s12+$0x0] =	vst.idx.msk $0xffff, v1  }
0xaa: {  	v2 =	vadd.s32 $0x581, v0;
	v1 =	vld [tilespmem:$0x6870];
	_ =	sdelay $0x4  }
0xab: {  	[tilespmem:v2+s12+$0x0] =	vst.idx.msk $0xffff, v1  }
0xac: {  	[tilespmem:s3], [sflag:$0x3] =	stream.strided.gather [hbm4b:s5+s13], $0x6400, s14, s13, $0x38;
	[tilespmem:$0x16E20] =	vst v63  }
0xad: {  	_ =	swait.ge [sflag:s11], $0x6400  }
0xae: {  	[sflag:s11] =	ssyncset.done $0x0  }
0xaf: {  	s22 =	simm.s32 $0x7020;
	s23 =	simm.s32 $0x0;
	[sflag:s11] =	ssyncadd.s32 $0xFFFF9C00  }
.LBB2_2:
0xb0: {  	s0 =	sshll.u32 s23, $0x7  }
0xb1: {  	s0 =	sand.u32 $0x3FFFFF80, s0  }
0xb2: {  	s24 =	simm.s32 $0x0;
	s25 =	smov.u32 s22;
	s26 =	simm.s32 $0x0;
	v1 =	vmov s0  }
.LBB2_3:
0xb3: {  	_ =	sdelay $0x2  }
0xb4: {  	s0 =	sshll.u32 s26, $0x4  }
0xb5: {  	v3 =	vld.idx.msk [tilespmem:v1+s0+$0x0 ss:$0x1], $0xffff;
	_ =	sdelay $0x4  }
0xb6: {  	v2 =	vmul.u32 $0x50, v3  }
0xb7: {  	v4 =	vand.u32 $0xF, v3  }
0xb8: {  	s31 =	simm.s32 $0x1;
	v2 =	vor.u32 v4, v2  }
0xb9: {  	s2 =	simm.s32 $0x2;
	v5 =	vadd.s32 s31, v2  }
0xba: {  	v6 =	vadd.s32 s2, v2;
	s31 =	simm.s32 $0x3  }
0xbb: {  	v4 =	vadd.s32 s24, v2;
	s2 =	simm.s32 $0x4;
	v7 =	vadd.s32 s31, v2  }
0xbc: {  	v3 =	vand.u32 $0x7, v3;
	v4 =	vand.u32 $0xFFFFFFF8, v4;
	v8 =	vadd.s32 s2, v2  }
0xbd: {  	s31 =	simm.s32 $0x5;
	v4 =	vor.u32 v3, v4  }
0xbe: {  	s2 =	simm.s32 $0x8;
	v9 =	vadd.s32 s31, v2;
	s31 =	simm.s32 $0x6;
	v11 =	vld.idx.msk [tilespmem:v5+s12+$0x0], $0xffff  }
0xbf: {  	v10 =	vadd.s32 s2, v2;
	s2 =	simm.s32 $0x7;
	v12 =	vadd.s32 s31, v2;
	v15 =	vld.idx.msk [tilespmem:v6+s12+$0x0], $0xffff  }
0xc0: {  	v13 =	vadd.s32 s2, v2;
	s31 =	simm.s32 $0x9;
	v17 =	vld.idx.msk [tilespmem:v7+s12+$0x0], $0xffff  }
0xc1: {  	v5 =	vand.u32 $0xFFFFFFF8, v10;
	v7 =	vadd.s32 s31, v2;
	v8 =	vld.idx.msk [tilespmem:v8+s12+$0x0], $0xffff  }
0xc2: {  	s2 =	simm.s32 $0xA;
	v16 =	vor.u32 v3, v5;
	v4 =	vld.idx.msk [tilespmem:v4+s12+$0x0], $0xffff  }
0xc3: {  	v14 =	vadd.s32 s2, v2;
	s31 =	simm.s32 $0xB;
	v5 =	vld.idx.msk [tilespmem:v9+s12+$0x0], $0xffff  }
0xc4: {  	s2 =	simm.s32 $0xC;
	v10 =	vadd.s32 s31, v2;
	v6 =	vld.idx.msk [tilespmem:v12+s12+$0x0], $0xffff;
	[tilespmem:s25+$0xFFFFFE80] =	vst v11  }
0xc5: {  	s31 =	simm.s32 $0xD;
	v9 =	vld.idx.msk [tilespmem:v13+s12+$0x0], $0xffff;
	v13 =	vadd.s32 s2, v2;
	[tilespmem:s25+$0xFFFFFF00] =	vst v15  }
0xc6: {  	s28 =	simm.s32 $0x10;
	v11 =	vadd.s32 s31, v2;
	s31 =	simm.s32 $0xE;
	v7 =	vld.idx.msk [tilespmem:v7+s12+$0x0], $0xffff;
	[tilespmem:s25+$0xFFFFFF80] =	vst v17  }
0xc7: {  	s30 =	simm.s32 $0x18;
	s29 =	smov.u32 s25;
	s0 =	simm.s32 $0xF;
	v15 =	vadd.s32 s28, v2;
	v12 =	vadd.s32 s31, v2;
	[tilespmem:s25+$0xFFFFFE00] =	vst v4;
	v4 =	vld.idx.msk [tilespmem:v16+s12+$0x0], $0xffff  }
.LBB2_4:
0xc8: {  	p0 =	slt.u32 s30, $0x38;
	v15 =	vand.u32 $0xFFFFFFF8, v15;
	v16 =	vld.idx.msk [tilespmem:v14+s12+$0x0], $0xffff;
	v17 =	vadd.s32 s0, v2;
	[tilespmem:s29+$0x0] =	vst v8  }
0xc9: {  	s0 =	sadd.s32 $0x1, s28;
	v15 =	vor.u32 v3, v15;
	v18 =	vld.idx.msk [tilespmem:v10+s12+$0x0], $0xffff;
	[tilespmem:s29+$0x80] =	vst v5  }
0xca: {  	v19 =	vadd.s32 s0, v2;
	s0 =	sadd.s32 $0x2, s28;
	v8 =	vld.idx.msk [tilespmem:v13+s12+$0x0], $0xffff;
	[tilespmem:s29+$0x100] =	vst v6  }
.Ltmp0:
0xcb: {  	v14 =	vadd.s32 s0, v2;
	s0 =	sadd.s32 $0x3, s28;
	v5 =	vld.idx.msk [tilespmem:v11+s12+$0x0], $0xffff;
	[tilespmem:s29+$0x180] =	vst v9;
	s29 =	sadd.s32 $0x1000, s29;
	(pc) =	sbr.rel @p0 .LBB2_4-.Ltmp0, $4  }
0xcc: {  	v10 =	vadd.s32 s0, v2;
	s0 =	sadd.s32 $0x4, s28;
	[tilespmem:s29+$0xFFFFFE00] =	vst v4;
	v6 =	vld.idx.msk [tilespmem:v12+s12+$0x0], $0xffff  }
0xcd: {  	v13 =	vadd.s32 s0, v2;
	s0 =	sadd.s32 $0x5, s28;
	[tilespmem:s29+$0xFFFFFE80] =	vst v7;
	v9 =	vld.idx.msk [tilespmem:v17+s12+$0x0], $0xffff  }
0xce: {  	v11 =	vadd.s32 s0, v2;
	s0 =	sadd.s32 $0x6, s28;
	v4 =	vld.idx.msk [tilespmem:v15+s12+$0x0], $0xffff;
	[tilespmem:s29+$0xFFFFFF00] =	vst v16  }
0xcf: {  	v15 =	vadd.s32 s30, v2;
	v12 =	vadd.s32 s0, v2;
	s0 =	sadd.s32 $0x7, s28;
	s28 =	smov.u32 s30;
	s30 =	sadd.s32 $0x8, s30;
	v7 =	vld.idx.msk [tilespmem:v19+s12+$0x0], $0xffff;
	[tilespmem:s29+$0xFFFFFF80] =	vst v18  }
0xd0: {  	_ =	sdelay $0x2  }
0xd1: {  	[tilespmem:s29+$0x0] =	vst v8  }
0xd2: {  	v8 =	vand.u32 $0xFFFFFFF8, v15;
	v14 =	vld.idx.msk [tilespmem:v14+s12+$0x0], $0xffff;
	v15 =	vadd.s32 s0, v2;
	[tilespmem:s29+$0x80] =	vst v5  }
0xd3: {  	s30 =	sadd.s32 $0x1, s28;
	v5 =	vld.idx.msk [tilespmem:v10+s12+$0x0], $0xffff;
	v3 =	vor.u32 v3, v8;
	[tilespmem:s29+$0x100] =	vst v6  }
0xd4: {  	s31 =	sadd.s32 $0x2, s28;
	s2 =	sadd.s32 $0x1000, s29;
	v10 =	vld.idx.msk [tilespmem:v11+s12+$0x0], $0xffff;
	v6 =	vadd.s32 s30, v2;
	[tilespmem:s29+$0x180] =	vst v9  }
0xd5: {  	v11 =	vld.idx.msk [tilespmem:v12+s12+$0x0], $0xffff;
	v16 =	vadd.s32 s31, v2;
	s31 =	sadd.s32 $0x5, s28;
	[tilespmem:s2+$0xFFFFFE00] =	vst v4  }
0xd6: {  	v8 =	vld.idx.msk [tilespmem:v13+s12+$0x0], $0xffff;
	s29 =	sadd.s32 $0x3, s28;
	v17 =	vadd.s32 s31, v2;
	[tilespmem:s2+$0xFFFFFE80] =	vst v7  }
0xd7: {  	s30 =	sadd.s32 $0x4, s28;
	v4 =	vadd.s32 s29, v2;
	v12 =	vld.idx.msk [tilespmem:v15+s12+$0x0], $0xffff;
	[tilespmem:s2+$0xFFFFFF00] =	vst v14  }
0xd8: {  	s29 =	sadd.s32 $0x6, s28;
	v7 =	vadd.s32 s30, v2;
	s30 =	sadd.s32 $0x7, s28;
	[tilespmem:s2+$0xFFFFFF80] =	vst v5;
	v3 =	vld.idx.msk [tilespmem:v3+s12+$0x0], $0xffff  }
0xd9: {  	v15 =	vadd.s32 s29, v2;
	v2 =	vadd.s32 s30, v2;
	[tilespmem:s2+$0x80] =	vst v10;
	v14 =	vld.idx.msk [tilespmem:v6+s12+$0x0], $0xffff  }
0xda: {  	[tilespmem:s2+$0x100] =	vst v11;
	v16 =	vld.idx.msk [tilespmem:v16+s12+$0x0], $0xffff  }
0xdb: {  	[tilespmem:s2+$0x0] =	vst v8;
	v17 =	vld.idx.msk [tilespmem:v17+s12+$0x0], $0xffff  }
0xdc: {  	s31 =	sadd.s32 $0x1000, s2;
	v4 =	vld.idx.msk [tilespmem:v4+s12+$0x0], $0xffff;
	[tilespmem:s2+$0x180] =	vst v12  }
0xdd: {  	v7 =	vld.idx.msk [tilespmem:v7+s12+$0x0], $0xffff;
	[tilespmem:s31+$0xFFFFFE00] =	vst v3  }
0xde: {  	s26 =	sadd.s32 $0x1, s26;
	v2 =	vld.idx.msk [tilespmem:v2+s12+$0x0], $0xffff;
	[tilespmem:s31+$0xFFFFFE80] =	vst v14  }
0xdf: {  	p0 =	sne.s32 s26, $0x8;
	v3 =	vld.idx.msk [tilespmem:v15+s12+$0x0], $0xffff;
	[tilespmem:s31+$0xFFFFFF00] =	vst v16  }
.Ltmp1:
0xe0: {  	[tilespmem:s31+$0x80] =	vst v17;
	(pc) =	sbr.rel @p0 .LBB2_3-.Ltmp1, $4  }
0xe1: {  	[tilespmem:s31+$0xFFFFFF80] =	vst v4  }
0xe2: {  	[tilespmem:s31+$0x0] =	vst v7  }
0xe3: {  	[tilespmem:s31+$0x180] =	vst v2  }
0xe4: {  	s25 =	sadd.s32 $0x10, s25;
	[tilespmem:s31+$0x100] =	vst v3  }
0xe5: {  	s23 =	sadd.s32 $0x1, s23  }
0xe6: {  	p0 =	sne.s32 s23, $0x4  }
.Ltmp2:
0xe7: {  	_ = 	snop;
	(pc) =	sbr.rel @p0 .LBB2_2-.Ltmp2, $2  }
0xe8: {  	_ =	sdelay $0x2  }
0xe9: {  	s22 =	sadd.s32 $0x400, s22  }
0xea: {  	[hbm4b:s6+s15] =	stream.strided.scatter [tilespmem:s17], [sflag:$0x1], $0x8000, s16, s15, $0x38;
	[tilespmem:$0x16E20] =	vst v63  }
0xeb: {  	s22 =	simm.s32 $0x0;
	s23 =	simm.s32 $0xF020  }
.LBB2_8:
0xec: {  	s0 =	sshll.u32 s22, $0x7  }
0xed: {  	s0 =	sand.u32 $0x3FFFFF80, s0  }
0xee: {  	s24 =	smov.u32 s23;
	s25 =	simm.s32 $0x0;
	v1 =	vmov s0  }
.LBB2_9:
0xef: {  	_ =	sdelay $0x2  }
0xf0: {  	s0 =	sshll.u32 s25, $0x4  }
0xf1: {  	v3 =	vld.idx.msk [tilespmem:v1+s0+$0x200 ss:$0x1], $0xffff;
	_ =	sdelay $0x4  }
0xf2: {  	v2 =	vmul.u32 $0x50, v3  }
0xf3: {  	v4 =	vand.u32 $0xF, v3  }
0xf4: {  	s30 =	simm.s32 $0x1;
	v2 =	vor.u32 v4, v2  }
0xf5: {  	s31 =	simm.s32 $0x2;
	v5 =	vadd.s32 s30, v2  }
0xf6: {  	s26 =	simm.s32 $0x0;
	s2 =	simm.s32 $0x3;
	v6 =	vadd.s32 s31, v2  }
0xf7: {  	v4 =	vadd.s32 s26, v2;
	v7 =	vadd.s32 s2, v2;
	s26 =	simm.s32 $0x4  }
0xf8: {  	v3 =	vand.u32 $0x7, v3;
	v4 =	vand.u32 $0xFFFFFFF8, v4;
	v8 =	vadd.s32 s26, v2  }
0xf9: {  	s30 =	simm.s32 $0x5;
	v4 =	vor.u32 v3, v4  }
0xfa: {  	s2 =	simm.s32 $0x8;
	s31 =	simm.s32 $0x6;
	v9 =	vadd.s32 s30, v2;
	v11 =	vld.idx.msk [tilespmem:v5+s12+$0x0], $0xffff  }
0xfb: {  	v10 =	vadd.s32 s2, v2;
	v12 =	vadd.s32 s31, v2;
	s2 =	simm.s32 $0x7;
	v15 =	vld.idx.msk [tilespmem:v6+s12+$0x0], $0xffff  }
0xfc: {  	s26 =	simm.s32 $0x9;
	v13 =	vadd.s32 s2, v2;
	v17 =	vld.idx.msk [tilespmem:v7+s12+$0x0], $0xffff  }
0xfd: {  	v5 =	vand.u32 $0xFFFFFFF8, v10;
	v7 =	vadd.s32 s26, v2;
	v8 =	vld.idx.msk [tilespmem:v8+s12+$0x0], $0xffff  }
0xfe: {  	s30 =	simm.s32 $0xA;
	v16 =	vor.u32 v3, v5;
	v4 =	vld.idx.msk [tilespmem:v4+s12+$0x0], $0xffff  }
0xff: {  	s31 =	simm.s32 $0xB;
	v14 =	vadd.s32 s30, v2;
	v5 =	vld.idx.msk [tilespmem:v9+s12+$0x0], $0xffff  }
0x100: {  	s2 =	simm.s32 $0xC;
	v10 =	vadd.s32 s31, v2;
	v6 =	vld.idx.msk [tilespmem:v12+s12+$0x0], $0xffff;
	[tilespmem:s24+$0xFFFFFE80] =	vst v11  }
0x101: {  	s30 =	simm.s32 $0xD;
	v9 =	vld.idx.msk [tilespmem:v13+s12+$0x0], $0xffff;
	v13 =	vadd.s32 s2, v2;
	[tilespmem:s24+$0xFFFFFF00] =	vst v15  }
0x102: {  	s26 =	simm.s32 $0x10;
	s31 =	simm.s32 $0xE;
	v11 =	vadd.s32 s30, v2;
	v7 =	vld.idx.msk [tilespmem:v7+s12+$0x0], $0xffff;
	[tilespmem:s24+$0xFFFFFF80] =	vst v17  }
0x103: {  	s29 =	simm.s32 $0x18;
	s28 =	smov.u32 s24;
	s0 =	simm.s32 $0xF;
	v12 =	vadd.s32 s31, v2;
	v15 =	vadd.s32 s26, v2;
	[tilespmem:s24+$0xFFFFFE00] =	vst v4;
	v4 =	vld.idx.msk [tilespmem:v16+s12+$0x0], $0xffff  }
.LBB2_10:
0x104: {  	p0 =	slt.u32 s29, $0x38;
	v15 =	vand.u32 $0xFFFFFFF8, v15;
	v16 =	vld.idx.msk [tilespmem:v14+s12+$0x0], $0xffff;
	v17 =	vadd.s32 s0, v2;
	[tilespmem:s28+$0x0] =	vst v8  }
0x105: {  	s0 =	sadd.s32 $0x1, s26;
	v15 =	vor.u32 v3, v15;
	v18 =	vld.idx.msk [tilespmem:v10+s12+$0x0], $0xffff;
	[tilespmem:s28+$0x80] =	vst v5  }
0x106: {  	v19 =	vadd.s32 s0, v2;
	s0 =	sadd.s32 $0x2, s26;
	v8 =	vld.idx.msk [tilespmem:v13+s12+$0x0], $0xffff;
	[tilespmem:s28+$0x100] =	vst v6  }
.Ltmp3:
0x107: {  	v14 =	vadd.s32 s0, v2;
	s0 =	sadd.s32 $0x3, s26;
	v5 =	vld.idx.msk [tilespmem:v11+s12+$0x0], $0xffff;
	[tilespmem:s28+$0x180] =	vst v9;
	s28 =	sadd.s32 $0x1000, s28;
	(pc) =	sbr.rel @p0 .LBB2_10-.Ltmp3, $4  }
0x108: {  	v10 =	vadd.s32 s0, v2;
	s0 =	sadd.s32 $0x4, s26;
	[tilespmem:s28+$0xFFFFFE00] =	vst v4;
	v6 =	vld.idx.msk [tilespmem:v12+s12+$0x0], $0xffff  }
0x109: {  	v13 =	vadd.s32 s0, v2;
	s0 =	sadd.s32 $0x5, s26;
	[tilespmem:s28+$0xFFFFFE80] =	vst v7;
	v9 =	vld.idx.msk [tilespmem:v17+s12+$0x0], $0xffff  }
0x10a: {  	v11 =	vadd.s32 s0, v2;
	s0 =	sadd.s32 $0x6, s26;
	v4 =	vld.idx.msk [tilespmem:v15+s12+$0x0], $0xffff;
	[tilespmem:s28+$0xFFFFFF00] =	vst v16  }
0x10b: {  	v15 =	vadd.s32 s29, v2;
	v12 =	vadd.s32 s0, v2;
	s0 =	sadd.s32 $0x7, s26;
	s26 =	smov.u32 s29;
	s29 =	sadd.s32 $0x8, s29;
	v7 =	vld.idx.msk [tilespmem:v19+s12+$0x0], $0xffff;
	[tilespmem:s28+$0xFFFFFF80] =	vst v18  }
0x10c: {  	_ =	sdelay $0x2  }
0x10d: {  	[tilespmem:s28+$0x0] =	vst v8  }
0x10e: {  	v8 =	vand.u32 $0xFFFFFFF8, v15;
	v14 =	vld.idx.msk [tilespmem:v14+s12+$0x0], $0xffff;
	v15 =	vadd.s32 s0, v2;
	[tilespmem:s28+$0x80] =	vst v5  }
0x10f: {  	s2 =	sadd.s32 $0x1, s26;
	v5 =	vld.idx.msk [tilespmem:v10+s12+$0x0], $0xffff;
	v3 =	vor.u32 v3, v8;
	[tilespmem:s28+$0x100] =	vst v6  }
0x110: {  	s29 =	sadd.s32 $0x2, s26;
	v10 =	vld.idx.msk [tilespmem:v11+s12+$0x0], $0xffff;
	v6 =	vadd.s32 s2, v2;
	s2 =	sadd.s32 $0x1000, s28;
	[tilespmem:s28+$0x180] =	vst v9  }
0x111: {  	s30 =	sadd.s32 $0x3, s26;
	v11 =	vld.idx.msk [tilespmem:v12+s12+$0x0], $0xffff;
	v16 =	vadd.s32 s29, v2;
	[tilespmem:s2+$0xFFFFFE00] =	vst v4  }
0x112: {  	v8 =	vld.idx.msk [tilespmem:v13+s12+$0x0], $0xffff;
	s28 =	sadd.s32 $0x5, s26;
	v4 =	vadd.s32 s30, v2;
	[tilespmem:s2+$0xFFFFFE80] =	vst v7  }
0x113: {  	s31 =	sadd.s32 $0x4, s26;
	v17 =	vadd.s32 s28, v2;
	v12 =	vld.idx.msk [tilespmem:v15+s12+$0x0], $0xffff;
	[tilespmem:s2+$0xFFFFFF00] =	vst v14  }
0x114: {  	s29 =	sadd.s32 $0x6, s26;
	s30 =	sadd.s32 $0x7, s26;
	v7 =	vadd.s32 s31, v2;
	[tilespmem:s2+$0xFFFFFF80] =	vst v5;
	v3 =	vld.idx.msk [tilespmem:v3+s12+$0x0], $0xffff  }
0x115: {  	v15 =	vadd.s32 s29, v2;
	v2 =	vadd.s32 s30, v2;
	[tilespmem:s2+$0x80] =	vst v10;
	v14 =	vld.idx.msk [tilespmem:v6+s12+$0x0], $0xffff  }
0x116: {  	[tilespmem:s2+$0x100] =	vst v11;
	v16 =	vld.idx.msk [tilespmem:v16+s12+$0x0], $0xffff  }
0x117: {  	[tilespmem:s2+$0x0] =	vst v8;
	v4 =	vld.idx.msk [tilespmem:v4+s12+$0x0], $0xffff  }
0x118: {  	s31 =	sadd.s32 $0x1000, s2;
	v17 =	vld.idx.msk [tilespmem:v17+s12+$0x0], $0xffff;
	[tilespmem:s2+$0x180] =	vst v12  }
0x119: {  	v7 =	vld.idx.msk [tilespmem:v7+s12+$0x0], $0xffff;
	[tilespmem:s31+$0xFFFFFE00] =	vst v3  }
0x11a: {  	s25 =	sadd.s32 $0x1, s25;
	v2 =	vld.idx.msk [tilespmem:v2+s12+$0x0], $0xffff;
	[tilespmem:s31+$0xFFFFFE80] =	vst v14  }
0x11b: {  	p0 =	sne.s32 s25, $0x8;
	v3 =	vld.idx.msk [tilespmem:v15+s12+$0x0], $0xffff;
	[tilespmem:s31+$0xFFFFFF00] =	vst v16  }
.Ltmp4:
0x11c: {  	[tilespmem:s31+$0xFFFFFF80] =	vst v4;
	(pc) =	sbr.rel @p0 .LBB2_9-.Ltmp4, $4  }
0x11d: {  	[tilespmem:s31+$0x80] =	vst v17  }
0x11e: {  	[tilespmem:s31+$0x0] =	vst v7  }
0x11f: {  	[tilespmem:s31+$0x180] =	vst v2  }
0x120: {  	s24 =	sadd.s32 $0x10, s24;
	[tilespmem:s31+$0x100] =	vst v3  }
0x121: {  	s22 =	sadd.s32 $0x1, s22  }
0x122: {  	p0 =	sne.s32 s22, $0x4  }
.Ltmp5:
0x123: {  	_ = 	snop;
	(pc) =	sbr.rel @p0 .LBB2_8-.Ltmp5, $2  }
0x124: {  	_ =	sdelay $0x2  }
0x125: {  	s23 =	sadd.s32 $0x400, s23  }
0x126: {  	[hbm4b:s8+s15] =	stream.strided.scatter [tilespmem:s18], [sflag:$0x2], $0x8000, s16, s15, $0x38;
	[tilespmem:$0x16E20] =	vst v63  }
0x127: {  	s22 =	simm.s32 $0x1  }
.LBB2_14:
0x128: {  	_ =	swait.ge [sflag:s19], $0x8000  }
0x129: {  	s0 =	sshll.u32 s22, $0xA;
	s24 =	simm.s32 $0x0;
	[sflag:s19] =	ssyncset.done $0x0  }
0x12a: {  	s25 =	simm.s32 $0x7020;
	s23 =	sand.u32 $0x3FFFFC00, s0;
	[sflag:s19] =	ssyncadd.s32 $0xFFFF8000  }
.LBB2_15:
0x12b: {  	s0 =	sshll.u32 s24, $0x7  }
0x12c: {  	s0 =	sand.u32 $0x3FFFFF80, s0  }
0x12d: {  	s0 =	sadd.s32 s0, s23  }
0x12e: {  	s26 =	smov.u32 s25;
	s28 =	simm.s32 $0x0;
	v1 =	vmov s0  }
.LBB2_16:
0x12f: {  	_ =	sdelay $0x2  }
0x130: {  	s0 =	sshll.u32 s28, $0x4  }
0x131: {  	v3 =	vld.idx.msk [tilespmem:v1+s0+$0x0 ss:$0x1], $0xffff;
	_ =	sdelay $0x4  }
0x132: {  	v2 =	vmul.u32 $0x50, v3  }
0x133: {  	v4 =	vand.u32 $0xF, v3  }
0x134: {  	s2 =	simm.s32 $0x0;
	v2 =	vor.u32 v4, v2  }
0x135: {  	v4 =	vadd.s32 s2, v2;
	s2 =	simm.s32 $0x1  }
0x136: {  	v3 =	vand.u32 $0x7, v3;
	v4 =	vand.u32 $0xFFFFFFF8, v4;
	v5 =	vadd.s32 s2, v2  }
0x137: {  	s2 =	simm.s32 $0x2;
	v4 =	vor.u32 v3, v4  }
0x138: {  	s0 =	simm.s32 $0x5;
	v6 =	vadd.s32 s2, v2  }
0x139: {  	v9 =	vadd.s32 s0, v2;
	s2 =	simm.s32 $0x3  }
0x13a: {  	v7 =	vadd.s32 s2, v2;
	s2 =	simm.s32 $0x4  }
0x13b: {  	s0 =	simm.s32 $0x6;
	v8 =	vadd.s32 s2, v2;
	s2 =	simm.s32 $0x8;
	v11 =	vld.idx.msk [tilespmem:v5+s12+$0x0], $0xffff  }
0x13c: {  	v12 =	vadd.s32 s0, v2;
	v10 =	vadd.s32 s2, v2;
	s2 =	simm.s32 $0x7;
	v4 =	vld.idx.msk [tilespmem:v4+s12+$0x0], $0xffff  }
0x13d: {  	v5 =	vand.u32 $0xFFFFFFF8, v10;
	v13 =	vadd.s32 s2, v2;
	v15 =	vld.idx.msk [tilespmem:v6+s12+$0x0], $0xffff  }
0x13e: {  	s2 =	simm.s32 $0x9;
	v16 =	vor.u32 v3, v5;
	v5 =	vld.idx.msk [tilespmem:v9+s12+$0x0], $0xffff  }
0x13f: {  	s0 =	simm.s32 $0xA;
	v17 =	vld.idx.msk [tilespmem:v7+s12+$0x0], $0xffff;
	v7 =	vadd.s32 s2, v2  }
0x140: {  	v14 =	vadd.s32 s0, v2;
	s2 =	simm.s32 $0xB;
	v8 =	vld.idx.msk [tilespmem:v8+s12+$0x0], $0xffff  }
0x141: {  	s0 =	simm.s32 $0xC;
	v6 =	vld.idx.msk [tilespmem:v12+s12+$0x0], $0xffff;
	v10 =	vadd.s32 s2, v2;
	[tilespmem:s26+$0xFFFFFE80] =	vst v11  }
0x142: {  	s2 =	simm.s32 $0xD;
	v9 =	vld.idx.msk [tilespmem:v13+s12+$0x0], $0xffff;
	v13 =	vadd.s32 s0, v2;
	[tilespmem:s26+$0xFFFFFE00] =	vst v4  }
0x143: {  	s29 =	simm.s32 $0x10;
	v11 =	vadd.s32 s2, v2;
	s2 =	simm.s32 $0xE;
	v4 =	vld.idx.msk [tilespmem:v16+s12+$0x0], $0xffff;
	[tilespmem:s26+$0xFFFFFF00] =	vst v15  }
0x144: {  	s31 =	simm.s32 $0x18;
	s30 =	smov.u32 s26;
	s0 =	simm.s32 $0xF;
	v15 =	vadd.s32 s29, v2;
	v12 =	vadd.s32 s2, v2;
	v7 =	vld.idx.msk [tilespmem:v7+s12+$0x0], $0xffff;
	[tilespmem:s26+$0xFFFFFF80] =	vst v17  }
.LBB2_17:
0x145: {  	p0 =	slt.u32 s31, $0x38;
	v15 =	vand.u32 $0xFFFFFFF8, v15;
	v16 =	vld.idx.msk [tilespmem:v14+s12+$0x0], $0xffff;
	v17 =	vadd.s32 s0, v2;
	[tilespmem:s30+$0x0] =	vst v8  }
0x146: {  	s0 =	sadd.s32 $0x1, s29;
	v15 =	vor.u32 v3, v15;
	v18 =	vld.idx.msk [tilespmem:v10+s12+$0x0], $0xffff;
	[tilespmem:s30+$0x80] =	vst v5  }
0x147: {  	v19 =	vadd.s32 s0, v2;
	s0 =	sadd.s32 $0x2, s29;
	v8 =	vld.idx.msk [tilespmem:v13+s12+$0x0], $0xffff;
	[tilespmem:s30+$0x100] =	vst v6  }
.Ltmp6:
0x148: {  	v14 =	vadd.s32 s0, v2;
	s0 =	sadd.s32 $0x3, s29;
	v5 =	vld.idx.msk [tilespmem:v11+s12+$0x0], $0xffff;
	[tilespmem:s30+$0x180] =	vst v9;
	s30 =	sadd.s32 $0x1000, s30;
	(pc) =	sbr.rel @p0 .LBB2_17-.Ltmp6, $4  }
0x149: {  	v10 =	vadd.s32 s0, v2;
	s0 =	sadd.s32 $0x4, s29;
	[tilespmem:s30+$0xFFFFFE00] =	vst v4;
	v6 =	vld.idx.msk [tilespmem:v12+s12+$0x0], $0xffff  }
0x14a: {  	v13 =	vadd.s32 s0, v2;
	s0 =	sadd.s32 $0x5, s29;
	[tilespmem:s30+$0xFFFFFE80] =	vst v7;
	v9 =	vld.idx.msk [tilespmem:v17+s12+$0x0], $0xffff  }
0x14b: {  	v11 =	vadd.s32 s0, v2;
	s0 =	sadd.s32 $0x6, s29;
	v4 =	vld.idx.msk [tilespmem:v15+s12+$0x0], $0xffff;
	[tilespmem:s30+$0xFFFFFF00] =	vst v16  }
0x14c: {  	v15 =	vadd.s32 s31, v2;
	v12 =	vadd.s32 s0, v2;
	s0 =	sadd.s32 $0x7, s29;
	s29 =	smov.u32 s31;
	s31 =	sadd.s32 $0x8, s31;
	v7 =	vld.idx.msk [tilespmem:v19+s12+$0x0], $0xffff;
	[tilespmem:s30+$0xFFFFFF80] =	vst v18  }
0x14d: {  	_ =	sdelay $0x2  }
0x14e: {  	[tilespmem:s30+$0x0] =	vst v8  }
0x14f: {  	v8 =	vand.u32 $0xFFFFFFF8, v15;
	v14 =	vld.idx.msk [tilespmem:v14+s12+$0x0], $0xffff;
	v15 =	vadd.s32 s0, v2;
	[tilespmem:s30+$0x80] =	vst v5  }
0x150: {  	s2 =	sadd.s32 $0x1, s29;
	v5 =	vld.idx.msk [tilespmem:v10+s12+$0x0], $0xffff;
	v3 =	vor.u32 v3, v8;
	[tilespmem:s30+$0x100] =	vst v6  }
0x151: {  	s31 =	sadd.s32 $0x2, s29;
	v10 =	vld.idx.msk [tilespmem:v11+s12+$0x0], $0xffff;
	v6 =	vadd.s32 s2, v2;
	s2 =	sadd.s32 $0x1000, s30;
	[tilespmem:s30+$0x180] =	vst v9  }
0x152: {  	v11 =	vld.idx.msk [tilespmem:v12+s12+$0x0], $0xffff;
	v16 =	vadd.s32 s31, v2;
	s30 =	sadd.s32 $0x3, s29;
	[tilespmem:s2+$0xFFFFFE00] =	vst v4  }
0x153: {  	v8 =	vld.idx.msk [tilespmem:v13+s12+$0x0], $0xffff;
	s31 =	sadd.s32 $0x4, s29;
	v4 =	vadd.s32 s30, v2;
	[tilespmem:s2+$0xFFFFFE80] =	vst v7  }
0x154: {  	s30 =	sadd.s32 $0x5, s29;
	v7 =	vadd.s32 s31, v2;
	v12 =	vld.idx.msk [tilespmem:v15+s12+$0x0], $0xffff;
	[tilespmem:s2+$0xFFFFFF00] =	vst v14  }
0x155: {  	v17 =	vadd.s32 s30, v2;
	s31 =	sadd.s32 $0x6, s29;
	s30 =	sadd.s32 $0x7, s29;
	[tilespmem:s2+$0xFFFFFF80] =	vst v5;
	v3 =	vld.idx.msk [tilespmem:v3+s12+$0x0], $0xffff  }
0x156: {  	v15 =	vadd.s32 s31, v2;
	v2 =	vadd.s32 s30, v2;
	[tilespmem:s2+$0x80] =	vst v10;
	v14 =	vld.idx.msk [tilespmem:v6+s12+$0x0], $0xffff  }
0x157: {  	[tilespmem:s2+$0x100] =	vst v11;
	v16 =	vld.idx.msk [tilespmem:v16+s12+$0x0], $0xffff  }
0x158: {  	[tilespmem:s2+$0x0] =	vst v8;
	v4 =	vld.idx.msk [tilespmem:v4+s12+$0x0], $0xffff  }
0x159: {  	s31 =	sadd.s32 $0x1000, s2;
	v7 =	vld.idx.msk [tilespmem:v7+s12+$0x0], $0xffff;
	[tilespmem:s2+$0x180] =	vst v12  }
0x15a: {  	v17 =	vld.idx.msk [tilespmem:v17+s12+$0x0], $0xffff;
	[tilespmem:s31+$0xFFFFFE00] =	vst v3  }
0x15b: {  	s28 =	sadd.s32 $0x1, s28;
	v2 =	vld.idx.msk [tilespmem:v2+s12+$0x0], $0xffff;
	[tilespmem:s31+$0xFFFFFE80] =	vst v14  }
0x15c: {  	p0 =	sne.s32 s28, $0x8;
	v3 =	vld.idx.msk [tilespmem:v15+s12+$0x0], $0xffff;
	[tilespmem:s31+$0xFFFFFF00] =	vst v16  }
.Ltmp7:
0x15d: {  	[tilespmem:s31+$0xFFFFFF80] =	vst v4;
	(pc) =	sbr.rel @p0 .LBB2_16-.Ltmp7, $4  }
0x15e: {  	[tilespmem:s31+$0x0] =	vst v7  }
0x15f: {  	[tilespmem:s31+$0x80] =	vst v17  }
0x160: {  	[tilespmem:s31+$0x180] =	vst v2  }
0x161: {  	s26 =	sadd.s32 $0x10, s26;
	[tilespmem:s31+$0x100] =	vst v3  }
0x162: {  	s24 =	sadd.s32 $0x1, s24  }
0x163: {  	p0 =	sne.s32 s24, $0x4  }
.Ltmp8:
0x164: {  	_ = 	snop;
	(pc) =	sbr.rel @p0 .LBB2_15-.Ltmp8, $2  }
0x165: {  	_ =	sdelay $0x2  }
0x166: {  	s25 =	sadd.s32 $0x400, s25  }
0x167: {  	s0 =	sshll.u32 s22, $0x15  }
0x168: {  	s0 =	sor.u32 s7, s0  }
0x169: {  	s0 =	sshrl.u32 s0, $0x3  }
0x16a: {  	s0 =	sadd.s32 s1, s0  }
0x16b: {  	[hbm4b:s0+s15] =	stream.strided.scatter [tilespmem:s17], [sflag:$0x1], $0x8000, s16, s15, $0x38;
	[tilespmem:$0x16E20] =	vst v63  }
0x16c: {  	s23 =	sshllo.u32 s22, $0x1;
	_ =	swait.ge [sflag:s20], $0x8000  }
0x16d: {  	s25 =	simm.s32 $0x0;
	s31 =	sshll.u32 s23, $0x9;
	[sflag:s20] =	ssyncset.done $0x0  }
0x16e: {  	s26 =	simm.s32 $0xF020;
	s24 =	sand.u32 $0x3FFFFE00, s31;
	[sflag:s20] =	ssyncadd.s32 $0xFFFF8000  }
.LBB2_21:
0x16f: {  	s0 =	sshll.u32 s25, $0x7  }
0x170: {  	s0 =	sand.u32 $0x3FFFFF80, s0  }
0x171: {  	s0 =	sadd.s32 s0, s24  }
0x172: {  	s28 =	smov.u32 s26;
	s29 =	simm.s32 $0x0;
	v1 =	vmov s0  }
.LBB2_22:
0x173: {  	_ =	sdelay $0x2  }
0x174: {  	s0 =	sshll.u32 s29, $0x4  }
0x175: {  	v3 =	vld.idx.msk [tilespmem:v1+s0+$0x0 ss:$0x1], $0xffff;
	_ =	sdelay $0x4  }
0x176: {  	v2 =	vmul.u32 $0x50, v3  }
0x177: {  	v4 =	vand.u32 $0xF, v3  }
0x178: {  	s2 =	simm.s32 $0x0;
	v2 =	vor.u32 v4, v2  }
0x179: {  	v4 =	vadd.s32 s2, v2;
	s2 =	simm.s32 $0x1  }
0x17a: {  	v3 =	vand.u32 $0x7, v3;
	v4 =	vand.u32 $0xFFFFFFF8, v4;
	v5 =	vadd.s32 s2, v2  }
0x17b: {  	s2 =	simm.s32 $0x2;
	v4 =	vor.u32 v3, v4  }
0x17c: {  	s0 =	simm.s32 $0x5;
	v6 =	vadd.s32 s2, v2  }
0x17d: {  	v9 =	vadd.s32 s0, v2;
	s2 =	simm.s32 $0x3  }
0x17e: {  	v7 =	vadd.s32 s2, v2;
	s2 =	simm.s32 $0x4  }
0x17f: {  	s0 =	simm.s32 $0x6;
	v8 =	vadd.s32 s2, v2;
	s2 =	simm.s32 $0x8;
	v11 =	vld.idx.msk [tilespmem:v5+s12+$0x0], $0xffff  }
0x180: {  	v12 =	vadd.s32 s0, v2;
	v10 =	vadd.s32 s2, v2;
	s2 =	simm.s32 $0x7;
	v4 =	vld.idx.msk [tilespmem:v4+s12+$0x0], $0xffff  }
0x181: {  	v5 =	vand.u32 $0xFFFFFFF8, v10;
	v13 =	vadd.s32 s2, v2;
	v15 =	vld.idx.msk [tilespmem:v6+s12+$0x0], $0xffff  }
0x182: {  	s2 =	simm.s32 $0x9;
	v16 =	vor.u32 v3, v5;
	v5 =	vld.idx.msk [tilespmem:v9+s12+$0x0], $0xffff  }
0x183: {  	s0 =	simm.s32 $0xA;
	v17 =	vld.idx.msk [tilespmem:v7+s12+$0x0], $0xffff;
	v7 =	vadd.s32 s2, v2  }
0x184: {  	v14 =	vadd.s32 s0, v2;
	s2 =	simm.s32 $0xB;
	v8 =	vld.idx.msk [tilespmem:v8+s12+$0x0], $0xffff  }
0x185: {  	s0 =	simm.s32 $0xC;
	v6 =	vld.idx.msk [tilespmem:v12+s12+$0x0], $0xffff;
	v10 =	vadd.s32 s2, v2;
	[tilespmem:s28+$0xFFFFFE80] =	vst v11  }
0x186: {  	s2 =	simm.s32 $0xD;
	v9 =	vld.idx.msk [tilespmem:v13+s12+$0x0], $0xffff;
	v13 =	vadd.s32 s0, v2;
	[tilespmem:s28+$0xFFFFFE00] =	vst v4  }
0x187: {  	s30 =	simm.s32 $0x10;
	v11 =	vadd.s32 s2, v2;
	s2 =	simm.s32 $0xE;
	v4 =	vld.idx.msk [tilespmem:v16+s12+$0x0], $0xffff;
	[tilespmem:s28+$0xFFFFFF00] =	vst v15  }
0x188: {  	s31 =	smov.u32 s28;
	s0 =	simm.s32 $0x18;
	v15 =	vadd.s32 s30, v2;
	v12 =	vadd.s32 s2, v2;
	s2 =	simm.s32 $0xF;
	v7 =	vld.idx.msk [tilespmem:v7+s12+$0x0], $0xffff;
	[tilespmem:s28+$0xFFFFFF80] =	vst v17  }
.LBB2_23:
0x189: {  	p0 =	slt.u32 s0, $0x38;
	v15 =	vand.u32 $0xFFFFFFF8, v15;
	v16 =	vld.idx.msk [tilespmem:v14+s12+$0x0], $0xffff;
	v17 =	vadd.s32 s2, v2;
	[tilespmem:s31+$0x0] =	vst v8  }
0x18a: {  	s2 =	sadd.s32 $0x1, s30;
	v15 =	vor.u32 v3, v15;
	v18 =	vld.idx.msk [tilespmem:v10+s12+$0x0], $0xffff;
	[tilespmem:s31+$0x80] =	vst v5  }
0x18b: {  	v19 =	vadd.s32 s2, v2;
	s2 =	sadd.s32 $0x2, s30;
	v8 =	vld.idx.msk [tilespmem:v13+s12+$0x0], $0xffff;
	[tilespmem:s31+$0x100] =	vst v6  }
.Ltmp9:
0x18c: {  	v14 =	vadd.s32 s2, v2;
	s2 =	sadd.s32 $0x3, s30;
	v5 =	vld.idx.msk [tilespmem:v11+s12+$0x0], $0xffff;
	[tilespmem:s31+$0x180] =	vst v9;
	s31 =	sadd.s32 $0x1000, s31;
	(pc) =	sbr.rel @p0 .LBB2_23-.Ltmp9, $4  }
0x18d: {  	v10 =	vadd.s32 s2, v2;
	s2 =	sadd.s32 $0x4, s30;
	[tilespmem:s31+$0xFFFFFE00] =	vst v4;
	v6 =	vld.idx.msk [tilespmem:v12+s12+$0x0], $0xffff  }
0x18e: {  	v13 =	vadd.s32 s2, v2;
	s2 =	sadd.s32 $0x5, s30;
	[tilespmem:s31+$0xFFFFFE80] =	vst v7;
	v9 =	vld.idx.msk [tilespmem:v17+s12+$0x0], $0xffff  }
0x18f: {  	v11 =	vadd.s32 s2, v2;
	s2 =	sadd.s32 $0x6, s30;
	v4 =	vld.idx.msk [tilespmem:v15+s12+$0x0], $0xffff;
	[tilespmem:s31+$0xFFFFFF00] =	vst v16  }
0x190: {  	v15 =	vadd.s32 s0, v2;
	v12 =	vadd.s32 s2, v2;
	s2 =	sadd.s32 $0x7, s30;
	s30 =	smov.u32 s0;
	s0 =	sadd.s32 $0x8, s0;
	v7 =	vld.idx.msk [tilespmem:v19+s12+$0x0], $0xffff;
	[tilespmem:s31+$0xFFFFFF80] =	vst v18  }
0x191: {  	_ =	sdelay $0x2  }
0x192: {  	[tilespmem:s31+$0x0] =	vst v8  }
0x193: {  	v8 =	vand.u32 $0xFFFFFFF8, v15;
	v14 =	vld.idx.msk [tilespmem:v14+s12+$0x0], $0xffff;
	v15 =	vadd.s32 s2, v2;
	[tilespmem:s31+$0x80] =	vst v5  }
0x194: {  	s0 =	sadd.s32 $0x1, s30;
	v5 =	vld.idx.msk [tilespmem:v10+s12+$0x0], $0xffff;
	v3 =	vor.u32 v3, v8;
	[tilespmem:s31+$0x100] =	vst v6  }
0x195: {  	s2 =	sadd.s32 $0x1000, s31;
	v10 =	vld.idx.msk [tilespmem:v11+s12+$0x0], $0xffff;
	v6 =	vadd.s32 s0, v2;
	s0 =	sadd.s32 $0x2, s30;
	[tilespmem:s31+$0x180] =	vst v9  }
0x196: {  	v11 =	vld.idx.msk [tilespmem:v12+s12+$0x0], $0xffff;
	v16 =	vadd.s32 s0, v2;
	s31 =	sadd.s32 $0x3, s30;
	[tilespmem:s2+$0xFFFFFE00] =	vst v4  }
0x197: {  	v8 =	vld.idx.msk [tilespmem:v13+s12+$0x0], $0xffff;
	v4 =	vadd.s32 s31, v2;
	s31 =	sadd.s32 $0x4, s30;
	[tilespmem:s2+$0xFFFFFE80] =	vst v7  }
0x198: {  	v7 =	vadd.s32 s31, v2;
	s31 =	sadd.s32 $0x5, s30;
	v12 =	vld.idx.msk [tilespmem:v15+s12+$0x0], $0xffff;
	[tilespmem:s2+$0xFFFFFF00] =	vst v14  }
0x199: {  	v17 =	vadd.s32 s31, v2;
	s31 =	sadd.s32 $0x6, s30;
	[tilespmem:s2+$0xFFFFFF80] =	vst v5;
	v3 =	vld.idx.msk [tilespmem:v3+s12+$0x0], $0xffff  }
0x19a: {  	s30 =	sadd.s32 $0x7, s30;
	[tilespmem:s2+$0x80] =	vst v10;
	v14 =	vld.idx.msk [tilespmem:v6+s12+$0x0], $0xffff;
	v15 =	vadd.s32 s31, v2  }
0x19b: {  	[tilespmem:s2+$0x100] =	vst v11;
	v2 =	vadd.s32 s30, v2;
	v16 =	vld.idx.msk [tilespmem:v16+s12+$0x0], $0xffff  }
0x19c: {  	[tilespmem:s2+$0x0] =	vst v8;
	v4 =	vld.idx.msk [tilespmem:v4+s12+$0x0], $0xffff  }
0x19d: {  	s31 =	sadd.s32 $0x1000, s2;
	v7 =	vld.idx.msk [tilespmem:v7+s12+$0x0], $0xffff;
	[tilespmem:s2+$0x180] =	vst v12  }
0x19e: {  	v17 =	vld.idx.msk [tilespmem:v17+s12+$0x0], $0xffff;
	[tilespmem:s31+$0xFFFFFE00] =	vst v3  }
0x19f: {  	s29 =	sadd.s32 $0x1, s29;
	v3 =	vld.idx.msk [tilespmem:v15+s12+$0x0], $0xffff;
	[tilespmem:s31+$0xFFFFFE80] =	vst v14  }
0x1a0: {  	p0 =	sne.s32 s29, $0x8;
	v2 =	vld.idx.msk [tilespmem:v2+s12+$0x0], $0xffff;
	[tilespmem:s31+$0xFFFFFF00] =	vst v16  }
.Ltmp10:
0x1a1: {  	[tilespmem:s31+$0xFFFFFF80] =	vst v4;
	(pc) =	sbr.rel @p0 .LBB2_22-.Ltmp10, $4  }
0x1a2: {  	[tilespmem:s31+$0x0] =	vst v7  }
0x1a3: {  	[tilespmem:s31+$0x80] =	vst v17  }
0x1a4: {  	[tilespmem:s31+$0x100] =	vst v3  }
0x1a5: {  	s28 =	sadd.s32 $0x10, s28;
	[tilespmem:s31+$0x180] =	vst v2  }
0x1a6: {  	s25 =	sadd.s32 $0x1, s25  }
0x1a7: {  	p0 =	sne.s32 s25, $0x4  }
.Ltmp11:
0x1a8: {  	_ = 	snop;
	(pc) =	sbr.rel @p0 .LBB2_21-.Ltmp11, $2  }
0x1a9: {  	_ =	sdelay $0x2  }
0x1aa: {  	s26 =	sadd.s32 $0x400, s26  }
0x1ab: {  	s22 =	sadd.s32 $0x1, s22  }
0x1ac: {  	p0 =	sne.s32 s22, $0x19  }
.Ltmp12:
0x1ad: {  	s0 =	sshll.u32 s23, $0x14;
	(pc) =	sbr.rel @p0 .LBB2_14-.Ltmp12, $4  }
0x1ae: {  	s0 =	sor.u32 s7, s0  }
0x1af: {  	s0 =	sshrl.u32 s0, $0x3  }
0x1b0: {  	s0 =	sadd.s32 s1, s0  }
0x1b1: {  	[hbm4b:s0+s15] =	stream.strided.scatter [tilespmem:s18], [sflag:$0x2], $0x8000, s16, s15, $0x38;
	[tilespmem:$0x16E20] =	vst v63  }
0x1b2: {  	s21 =	sadd.s32 $0x1, s21  }
0x1b3: {  	_ =	swait.ge [sflag:s19], $0x8000;
	p0 =	sne.s32 s21, s9  }
.Ltmp13:
0x1b4: {  	[sflag:s19] =	ssyncset.done $0x0;
	(pc) =	sbr.rel @p0 .LBB2_1-.Ltmp13, $4  }
0x1b5: {  	[sflag:s19] =	ssyncadd.s32 $0xFFFF8000  }
0x1b6: {  	_ =	swait.ge [sflag:s20], $0x8000  }
0x1b7: {  	[sflag:s20] =	ssyncset.done $0x0  }
0x1b8: {  	[sflag:s20] =	ssyncadd.s32 $0xFFFF8000  }
0x1b9: {  	_ =	sfence.sel $0x180000  }
0x1ba: {  	[bflag:$0x0] =	sbarrier.arrive $0xFFFF  }
0x1bb: {  	_ =	strace $0x90000047  }
0x1bc: {  	s0 =	stileid.u32;
	[bflag:$0x2] =	sbarrier.arrive $0xFFFF  }
0x1bd: {  	p0 =	sne.s32 s0, $0x0;
	s0 =	rddreg [dreg:$0x2]  }
0x1be: {  	s0 =	sadd.s32 @!p0 $0x100000, s0  }
0x1bf: {  	[sflag:s0] =	ssyncadd.tile.s32 @!p0 $0x1;
	_ =	shalt  }
.Lfunc_end2:
_tile_overlayer_lowered:
.L_overlay_start_2:
0x1c0: {  	(tag) =	ssettag $0x2  }
0x1c1: {  	s0 =	rddreg [dreg:$0x0];
	s2 =	stileid.u32  }
0x1c2: {  	s1 =	rddreg [dreg:$0x1];
	p0 =	sne.s32 s2, $0x0  }
0x1c3: {  	s3 =	rddreg [dreg:$0x2];
	[bflag:$0x3] =	sbarrier.arrive $0xFFFF;
	s2 =	simm.s32 @!p0 $0x1C03  }
0x1c4: {  	[timem:s3], [sflag:s2] =	dma.local @!p0 [hbm:s0], s1  }
0x1c5: {  	s0 =	simm.s32 @!p0 $0x3  }
0x1c6: {  	_ =	swait.ge @!p0 [sflag:s0], s1  }
0x1c7: {  	s1 =	ssub.s32 @!p0 $0x0, s1;
	[sflag:s0] =	ssyncset.done @!p0 $0x0  }
0x1c8: {  	[sflag:s0] =	ssyncadd.s32 @!p0 s1  }
0x1c9: {  	[bflag:$0x3] =	sbarrier.arrive $0xFFFF  }
0x1ca: {  	_ =	shalt  }

</sc_bundles>
